<compile_context>
chip_gen: v7x
topology: tpu7x:2x2x1
jax: 0.10.2.dev20260603
libtpu: 0.0.44.dev20260713+nightly
codegen_flags: <defaults>
</compile_context>

<pallas_src>
import functools

import jax
import jax.numpy as jnp
from jax import lax
from jax.experimental import pallas as pl
from jax.experimental.pallas import tpu as pltpu
from jax.experimental.pallas import tpu_sc as plsc

VOCAB = 100000
EMBED = 128
BATCH = 16384
NEG_K = 200
KP = 208
KH = KP // 2
NCORES = 2
NSUB = 16
NW = NCORES * NSUB
BPW = BATCH // NW
BCH = 64
NCH = BPW // BCH
NLANE = 16
ECH = EMBED // NLANE


def _sc_body(tgt_hbm, ids_hbm, win_hbm, wout_hbm, out_hbm,
             ids_v, tgt_v, vc_v, rows_v0, rows_v1, score_v, trans_v,
             sem_r0, sem_r1, sem_vc):
    c = lax.axis_index("c")
    s = lax.axis_index("s")
    w = s * NCORES + c
    b0 = w * BPW
    lanes = lax.iota(jnp.int32, NLANE)
    bufs = (rows_v0, rows_v1)
    sems = (sem_r0, sem_r1)

    def issue(bi, buf, sem):
        pltpu.async_copy(wout_hbm.at[ids_v.at[bi, 0]],
                         buf.at[pl.ds(0, KH)], sem)
        pltpu.async_copy(wout_hbm.at[ids_v.at[bi, 1]],
                         buf.at[pl.ds(KH, KH)], sem)

    def drain(buf, sem):
        pltpu.make_async_copy(wout_hbm.at[pl.ds(0, KP)], buf, sem).wait()

    @pl.loop(0, NCH)
    def _chunk(ci):
        bb = b0 + ci * BCH
        pltpu.sync_copy(ids_hbm.at[pl.ds(bb, BCH)], ids_v)
        pltpu.sync_copy(tgt_hbm.at[pl.ds(bb, BCH)], tgt_v)
        pltpu.async_copy(win_hbm.at[tgt_v], vc_v, sem_vc).wait()

        issue(0, bufs[0], sems[0])

        @pl.loop(0, BCH, step=2)
        def _b(bi2):
            for par in range(2):
                bi = bi2 + par
                cur, nxt = bufs[par], bufs[1 - par]
                drain(cur, sems[par])

                @pl.when(bi + 1 < BCH)
                def _():
                    issue(bi + 1, nxt, sems[1 - par])

                vc = [vc_v[bi, pl.ds(e * NLANE, NLANE)] for e in range(ECH)]

                @pl.loop(0, KP // NLANE)
                def _kg(kg):
                    for j in range(NLANE):
                        k = kg * NLANE + j
                        p = cur[k, pl.ds(0, NLANE)] * vc[0]
                        for e in range(1, ECH):
                            p = p + cur[k, pl.ds(e * NLANE, NLANE)] * vc[e]
                        plsc.store_scatter(
                            trans_v, [lanes * NLANE + j], p)
                    acc = trans_v[pl.ds(0, NLANE)]
                    for l in range(1, NLANE):
                        acc = acc + trans_v[pl.ds(l * NLANE, NLANE)]
                    score_v[bi, pl.ds(kg * NLANE, NLANE)] = acc

        pltpu.sync_copy(score_v, out_hbm.at[pl.ds(bb, BCH)])


def _sc_scores(tgt, ids, W_in, W_out):
    mesh = plsc.VectorSubcoreMesh(core_axis_name="c", subcore_axis_name="s")
    kern = pl.kernel(
        _sc_body,
        out_type=jax.ShapeDtypeStruct((BATCH, KP), jnp.float32),
        mesh=mesh,
        scratch_types=[
            pltpu.VMEM((BCH, 2, KH), jnp.int32),
            pltpu.VMEM((BCH,), jnp.int32),
            pltpu.VMEM((BCH, EMBED), jnp.float32),
            pltpu.VMEM((KP, EMBED), jnp.float32),
            pltpu.VMEM((KP, EMBED), jnp.float32),
            pltpu.VMEM((BCH, KP), jnp.float32),
            pltpu.VMEM((NLANE * NLANE,), jnp.float32),
            pltpu.SemaphoreType.DMA,
            pltpu.SemaphoreType.DMA,
            pltpu.SemaphoreType.DMA,
        ],
        compiler_params=pltpu.CompilerParams(needs_layout_passes=False),
    )
    return kern(tgt, ids, W_in, W_out)


def _tc_loss(scores):
    BLK = 2048
    grid = BATCH // BLK

    def body(s_ref, o_ref):
        i = pl.program_id(0)
        sc = s_ref[...]
        col = lax.broadcasted_iota(jnp.int32, (BLK, KP), 1)
        t = jnp.log1p(jnp.exp(-jnp.abs(sc)))
        extra = jnp.where(col == 0, jnp.maximum(-sc, 0.0),
                          jnp.maximum(sc, 0.0))
        elem = jnp.where(col < 1 + NEG_K, t + extra, 0.0)
        part = jnp.sum(elem)

        @pl.when(i == 0)
        def _():
            o_ref[0, 0] = 0.0

        o_ref[0, 0] += part

    out = pl.pallas_call(
        body,
        grid=(grid,),
        in_specs=[pl.BlockSpec((BLK, KP), lambda i: (i, 0))],
        out_specs=pl.BlockSpec(memory_space=pltpu.SMEM),
        out_shape=jax.ShapeDtypeStruct((1, 1), jnp.float32),
    )(scores)
    return out[0, 0] / BATCH


def kernel(target_ids, pos_context_ids, neg_context_ids, W_in, W_out):
    tgt = target_ids.astype(jnp.int32)
    pad = jnp.zeros((BATCH, KP - 1 - NEG_K), jnp.int32)
    ids = jnp.concatenate(
        [pos_context_ids.astype(jnp.int32)[:, None],
         neg_context_ids.astype(jnp.int32), pad], axis=1)
    ids = ids.reshape(BATCH, 2, KH)
    scores = _sc_scores(tgt, ids, W_in, W_out)
    return _tc_loss(scores)

# --- scband reference (transcript-rebuilt; emitter-appended) ---
"""Pipeline reference for scband-skip-gram-neg-sampling-57354993270828 (READ-ONLY COPY).

The authoritative reference and input builder live on the scoring server;
editing this copy changes nothing except your own understanding.
"""

import jax, jax.numpy as jnp
import numpy as np

VOCAB = 100000
EMBED = 128
BATCH = 16384
NEG_K = 200

def setup_inputs(seed: int = 0) -> dict:
    key = jax.random.key(seed)
    k1, k2, k3, k4, k5 = jax.random.split(key, 5)
    bound = 0.5 / EMBED
    target_ids = jax.random.randint(k1, (BATCH,), 0, VOCAB, dtype=jnp.int64) if jax.config.jax_enable_x64 else jax.random.randint(k1, (BATCH,), 0, VOCAB, dtype=jnp.int32)
    pos_context_ids = jax.random.randint(k2, (BATCH,), 0, VOCAB, dtype=target_ids.dtype)
    neg_context_ids = jax.random.randint(k3, (BATCH, NEG_K), 0, VOCAB, dtype=target_ids.dtype)
    W_in = jax.random.uniform(k4, (VOCAB, EMBED), dtype=jnp.float32, minval=-bound, maxval=bound)
    W_out = jax.random.uniform(k5, (VOCAB, EMBED), dtype=jnp.float32, minval=-bound, maxval=bound)
    return {
        "target_ids": target_ids,
        "pos_context_ids": pos_context_ids,
        "neg_context_ids": neg_context_ids,
        "W_in": W_in,
        "W_out": W_out,
    }

def reference(target_ids, pos_context_ids, neg_context_ids, W_in, W_out):
    # Embedding lookups (gathers)
    v_c = jnp.take(W_in, target_ids, axis=0)            # [B, E]
    u_o = jnp.take(W_out, pos_context_ids, axis=0)       # [B, E]
    u_k = jnp.take(W_out, neg_context_ids, axis=0)       # [B, K, E]
    # Positive score / loss
    pos_score = jnp.sum(v_c * u_o, axis=1)               # [B]
    pos_loss = -jax.nn.log_sigmoid(pos_score)            # [B]
    # Negative scores via batched matvec (bmm equivalent)
    neg_score = jnp.einsum('bke,be->bk', u_k, v_c)       # [B, K]
    neg_loss = -jnp.sum(jax.nn.log_sigmoid(-neg_score), axis=1)  # [B]
    return jnp.mean(pos_loss + neg_loss)

if __name__ == "__main__":
    import jax
    _d = setup_inputs()
    print(jax.jit(kernel)(*tuple(_d.values())))

</pallas_src>

<mosaic_0001>
#map = affine_map<(d0, d1) -> (0)>
#map1 = affine_map<(d0, d1) -> (0, 0, 0)>
#map2 = affine_map<(d0, d1) -> (0, 0)>
module attributes {stable_mosaic.version = 14 : i64} {
  func.func @_sc_body(%arg0: i32, %arg1: i32, %arg2: memref<16384xi32, #tpu.memory_space<hbm>>, %arg3: memref<16384x2x104xi32, #tpu.memory_space<hbm>>, %arg4: memref<100000x128xf32, #tpu.memory_space<hbm>>, %arg5: memref<100000x128xf32, #tpu.memory_space<hbm>>, %arg6: memref<16384x208xf32, #tpu.memory_space<hbm>>, %arg7: memref<64x2x104xi32, #tpu.memory_space<vmem>>, %arg8: memref<64xi32, #tpu.memory_space<vmem>>, %arg9: memref<64x128xf32, #tpu.memory_space<vmem>>, %arg10: memref<208x128xf32, #tpu.memory_space<vmem>>, %arg11: memref<208x128xf32, #tpu.memory_space<vmem>>, %arg12: memref<64x208xf32, #tpu.memory_space<vmem>>, %arg13: memref<256xf32, #tpu.memory_space<vmem>>, %arg14: memref<!tpu.dma_semaphore, #tpu.memory_space<semaphore_mem>>, %arg15: memref<!tpu.dma_semaphore, #tpu.memory_space<semaphore_mem>>, %arg16: memref<!tpu.dma_semaphore, #tpu.memory_space<semaphore_mem>>) attributes {dimension_semantics = [#tpu.dimension_semantics<core_parallel>, #tpu.dimension_semantics<subcore_parallel>], iteration_bounds = array<i64: 2, 16>, scalar_prefetch = 0 : i64, scratch_operands = 10 : i64, tpu.core_type = #tpu.core_type<sc_vector_subcore>, window_params = [{transform_indices = #map}, {transform_indices = #map1}, {transform_indices = #map2}, {transform_indices = #map2}, {transform_indices = #map2}]} {
    %mul3A = arith.constant 2 : i32
    %mul3A_0 = arith.muli %arg1, %mul3A : i32
    %add3A = arith.addi %mul3A_0, %arg0 : i32
    %mul3A_1 = arith.constant 512 : i32
    %mul3A_2 = arith.muli %add3A, %mul3A_1 : i32
    %iota3A = tpu.iota {dimensions = array<i32: 0>} : vector<16xi32>
    %scan3A = arith.constant 0 : i32
    %scan3A_3 = arith.constant 8 : i32
    %scan3A_4 = arith.addi %scan3A, %scan3A_3 : i32
    %scan3A_5 = arith.constant 1 : i32
    scf.for %scan3A_7 = %scan3A to %scan3A_4 step %scan3A_5  : i32 {
      %mul3A_8 = arith.constant 1 : i32
      %mul3A_9 = arith.muli %scan3A_7, %mul3A_8 : i32
      %add3A_10 = arith.constant 0 : i32
      %add3A_11 = arith.addi %add3A_10, %mul3A_9 : i32
      %mul3A_12 = arith.constant 64 : i32
      %mul3A_13 = arith.muli %add3A_11, %mul3A_12 : i32
      %add3A_14 = arith.addi %mul3A_2, %mul3A_13 : i32
      "tpu.region"() ({
        %run_scoped3A = tpu.sem_alloc : memref<!tpu.dma_semaphore, #tpu.memory_space<semaphore_mem>>
        %dma_start3A_46 = arith.constant 0 : i32
        %dma_start3A_47 = arith.constant 0 : i32
        %dma_start3A_48 = tpu.memref_slice %arg3[%add3A_14, %dma_start3A_46, %dma_start3A_47] : memref<16384x2x104xi32, #tpu.memory_space<hbm>> -> memref<64x2x104xi32, #tpu.memory_space<hbm>>
        %dma_start3A_49 = arith.constant 0 : i32
        %dma_start3A_50 = arith.constant 0 : i32
        %dma_start3A_51 = tpu.memref_slice %arg3[%add3A_14, %dma_start3A_49, %dma_start3A_50] : memref<16384x2x104xi32, #tpu.memory_space<hbm>> -> memref<64x2x104xi32, #tpu.memory_space<hbm>>
        tpu.enqueue_dma source(%dma_start3A_51 : memref<64x2x104xi32, #tpu.memory_space<hbm>>) target(%arg7 : memref<64x2x104xi32, #tpu.memory_space<vmem>>) target_semaphore(%run_scoped3A : memref<!tpu.dma_semaphore, #tpu.memory_space<semaphore_mem>>)
        %dma_wait3A_52 = arith.constant 0 : i32
        %dma_wait3A_53 = arith.constant 0 : i32
        %dma_wait3A_54 = tpu.memref_slice %arg3[%add3A_14, %dma_wait3A_52, %dma_wait3A_53] : memref<16384x2x104xi32, #tpu.memory_space<hbm>> -> memref<64x2x104xi32, #tpu.memory_space<hbm>>
        %dma_wait3A_55 = arith.constant 0 : i32
        %dma_wait3A_56 = arith.constant 0 : i32
        %dma_wait3A_57 = tpu.memref_slice %arg3[%add3A_14, %dma_wait3A_55, %dma_wait3A_56] : memref<16384x2x104xi32, #tpu.memory_space<hbm>> -> memref<64x2x104xi32, #tpu.memory_space<hbm>>
        tpu.wait_dma2 semaphore(%run_scoped3A : memref<!tpu.dma_semaphore, #tpu.memory_space<semaphore_mem>>) src(%dma_wait3A_57 : memref<64x2x104xi32, #tpu.memory_space<hbm>>) dst(%arg7 : memref<64x2x104xi32, #tpu.memory_space<vmem>>)
        tpu.yield
      }) : () -> ()
      "tpu.region"() ({
        %run_scoped3A = tpu.sem_alloc : memref<!tpu.dma_semaphore, #tpu.memory_space<semaphore_mem>>
        %dma_start3A_46 = tpu.memref_slice %arg2[%add3A_14] : memref<16384xi32, #tpu.memory_space<hbm>> -> memref<64xi32, #tpu.memory_space<hbm>>
        %dma_start3A_47 = tpu.memref_slice %arg2[%add3A_14] : memref<16384xi32, #tpu.memory_space<hbm>> -> memref<64xi32, #tpu.memory_space<hbm>>
        tpu.enqueue_dma source(%dma_start3A_47 : memref<64xi32, #tpu.memory_space<hbm>>) target(%arg8 : memref<64xi32, #tpu.memory_space<vmem>>) target_semaphore(%run_scoped3A : memref<!tpu.dma_semaphore, #tpu.memory_space<semaphore_mem>>)
        %dma_wait3A_48 = tpu.memref_slice %arg2[%add3A_14] : memref<16384xi32, #tpu.memory_space<hbm>> -> memref<64xi32, #tpu.memory_space<hbm>>
        %dma_wait3A_49 = tpu.memref_slice %arg2[%add3A_14] : memref<16384xi32, #tpu.memory_space<hbm>> -> memref<64xi32, #tpu.memory_space<hbm>>
        tpu.wait_dma2 semaphore(%run_scoped3A : memref<!tpu.dma_semaphore, #tpu.memory_space<semaphore_mem>>) src(%dma_wait3A_49 : memref<64xi32, #tpu.memory_space<hbm>>) dst(%arg8 : memref<64xi32, #tpu.memory_space<vmem>>)
        tpu.yield
      }) : () -> ()
      %dma_start3A = arith.constant 0 : i32
      %dma_start3A_15 = arith.constant 0 : i32
      %dma_start3A_16 = tpu.memref_slice %arg4[%dma_start3A, %dma_start3A_15] : memref<100000x128xf32, #tpu.memory_space<hbm>> -> memref<100000x128xf32, #tpu.memory_space<hbm>>
      tpu.enqueue_indirect_dma source(%dma_start3A_16 : memref<100000x128xf32, #tpu.memory_space<hbm>>) target(%arg9 : memref<64x128xf32, #tpu.memory_space<vmem>>) offsets(%arg8 : memref<64xi32, #tpu.memory_space<vmem>>) semaphore(%arg16 : memref<!tpu.dma_semaphore, #tpu.memory_space<semaphore_mem>>)
      %dma_wait3A = arith.constant 0 : i32
      %dma_wait3A_17 = arith.constant 0 : i32
      %dma_wait3A_18 = tpu.memref_slice %arg4[%dma_wait3A, %dma_wait3A_17] : memref<100000x128xf32, #tpu.memory_space<hbm>> -> memref<100000x128xf32, #tpu.memory_space<hbm>>
      tpu.wait_indirect_dma semaphore(%arg16 : memref<!tpu.dma_semaphore, #tpu.memory_space<semaphore_mem>>) src(%dma_wait3A_18 : memref<100000x128xf32, #tpu.memory_space<hbm>>) dst(%arg9 : memref<64x128xf32, #tpu.memory_space<vmem>>)
      %dma_start3A_19 = arith.constant 0 : i32
      %dma_start3A_20 = arith.constant 0 : i32
      %dma_start3A_21 = arith.constant 0 : i32
      %dma_start3A_22 = arith.constant 0 : i32
      %dma_start3A_23 = tpu.memref_slice %arg10[%dma_start3A_21, %dma_start3A_22] : memref<208x128xf32, #tpu.memory_space<vmem>> -> memref<104x128xf32, #tpu.memory_space<vmem>>
      %dma_start3A_24 = arith.constant 0 : i32
      %dma_start3A_25 = tpu.memref_slice %arg7[%dma_start3A_19, %dma_start3A_20, %dma_start3A_24] : memref<64x2x104xi32, #tpu.memory_space<vmem>> -> memref<1x1x104xi32, #tpu.memory_space<vmem>>
      %dma_start3A_26 = tpu.memref_squeeze %dma_start3A_25 : memref<1x1x104xi32, #tpu.memory_space<vmem>> -> memref<104xi32, #tpu.memory_space<vmem>>
      %dma_start3A_27 = arith.constant 0 : i32
      %dma_start3A_28 = arith.constant 0 : i32
      %dma_start3A_29 = tpu.memref_slice %arg5[%dma_start3A_27, %dma_start3A_28] : memref<100000x128xf32, #tpu.memory_space<hbm>> -> memref<100000x128xf32, #tpu.memory_space<hbm>>
      tpu.enqueue_indirect_dma source(%dma_start3A_29 : memref<100000x128xf32, #tpu.memory_space<hbm>>) target(%dma_start3A_23 : memref<104x128xf32, #tpu.memory_space<vmem>>) offsets(%dma_start3A_26 : memref<104xi32, #tpu.memory_space<vmem>>) semaphore(%arg14 : memref<!tpu.dma_semaphore, #tpu.memory_space<semaphore_mem>>)
      %dma_start3A_30 = arith.constant 0 : i32
      %dma_start3A_31 = arith.constant 1 : i32
      %dma_start3A_32 = arith.constant 104 : i32
      %dma_start3A_33 = arith.constant 0 : i32
      %dma_start3A_34 = tpu.memref_slice %arg10[%dma_start3A_32, %dma_start3A_33] : memref<208x128xf32, #tpu.memory_space<vmem>> -> memref<104x128xf32, #tpu.memory_space<vmem>>
      %dma_start3A_35 = arith.constant 0 : i32
      %dma_start3A_36 = tpu.memref_slice %arg7[%dma_start3A_30, %dma_start3A_31, %dma_start3A_35] : memref<64x2x104xi32, #tpu.memory_space<vmem>> -> memref<1x1x104xi32, #tpu.memory_space<vmem>>
      %dma_start3A_37 = tpu.memref_squeeze %dma_start3A_36 : memref<1x1x104xi32, #tpu.memory_space<vmem>> -> memref<104xi32, #tpu.memory_space<vmem>>
      %dma_start3A_38 = arith.constant 0 : i32
      %dma_start3A_39 = arith.constant 0 : i32
      %dma_start3A_40 = tpu.memref_slice %arg5[%dma_start3A_38, %dma_start3A_39] : memref<100000x128xf32, #tpu.memory_space<hbm>> -> memref<100000x128xf32, #tpu.memory_space<hbm>>
      tpu.enqueue_indirect_dma source(%dma_start3A_40 : memref<100000x128xf32, #tpu.memory_space<hbm>>) target(%dma_start3A_34 : memref<104x128xf32, #tpu.memory_space<vmem>>) offsets(%dma_start3A_37 : memref<104xi32, #tpu.memory_space<vmem>>) semaphore(%arg14 : memref<!tpu.dma_semaphore, #tpu.memory_space<semaphore_mem>>)
      %scan3A_41 = arith.constant 0 : i32
      %scan3A_42 = arith.constant 32 : i32
      %scan3A_43 = arith.addi %scan3A_41, %scan3A_42 : i32
      %scan3A_44 = arith.constant 1 : i32
      scf.for %scan3A_46 = %scan3A_41 to %scan3A_43 step %scan3A_44  : i32 {
        %mul3A_47 = arith.constant 2 : i32
        %mul3A_48 = arith.muli %scan3A_46, %mul3A_47 : i32
        %add3A_49 = arith.constant 0 : i32
        %add3A_50 = arith.addi %add3A_49, %mul3A_48 : i32
        %add3A_51 = arith.constant 0 : i32
        %add3A_52 = arith.addi %add3A_50, %add3A_51 : i32
        %dma_wait3A_53 = arith.constant 0 : i32
        %dma_wait3A_54 = arith.constant 0 : i32
        %dma_wait3A_55 = tpu.memref_slice %arg5[%dma_wait3A_53, %dma_wait3A_54] : memref<100000x128xf32, #tpu.memory_space<hbm>> -> memref<208x128xf32, #tpu.memory_space<hbm>>
        %dma_wait3A_56 = arith.constant 0 : i32
        %dma_wait3A_57 = arith.constant 0 : i32
        %dma_wait3A_58 = tpu.memref_slice %arg5[%dma_wait3A_56, %dma_wait3A_57] : memref<100000x128xf32, #tpu.memory_space<hbm>> -> memref<208x128xf32, #tpu.memory_space<hbm>>
        tpu.wait_dma2 semaphore(%arg14 : memref<!tpu.dma_semaphore, #tpu.memory_space<semaphore_mem>>) src(%dma_wait3A_58 : memref<208x128xf32, #tpu.memory_space<hbm>>) dst(%arg10 : memref<208x128xf32, #tpu.memory_space<vmem>>)
        %add3A_59 = arith.constant 1 : i32
        %add3A_60 = arith.addi %add3A_52, %add3A_59 : i32
        %lt3A = arith.constant 64 : i32
        %lt3A_61 = arith.cmpi slt, %add3A_60, %lt3A : i32
        %convert_element_type3A = arith.extui %lt3A_61 : i1 to i32
        %cond3A = arith.constant 0 : i32
        %cond3A_62 = arith.cmpi ne, %convert_element_type3A, %cond3A : i32
        scf.if %cond3A_62 {
          %add3A_135 = arith.constant 1 : i32
          %add3A_136 = arith.addi %add3A_52, %add3A_135 : i32
          %dma_start3A_137 = arith.constant 0 : i32
          %dma_start3A_138 = arith.constant 0 : i32
          %dma_start3A_139 = arith.constant 0 : i32
          %dma_start3A_140 = tpu.memref_slice %arg11[%dma_start3A_138, %dma_start3A_139] : memref<208x128xf32, #tpu.memory_space<vmem>> -> memref<104x128xf32, #tpu.memory_space<vmem>>
          %dma_start3A_141 = arith.constant 0 : i32
          %dma_start3A_142 = tpu.memref_slice %arg7[%add3A_136, %dma_start3A_137, %dma_start3A_141] : memref<64x2x104xi32, #tpu.memory_space<vmem>> -> memref<1x1x104xi32, #tpu.memory_space<vmem>>
          %dma_start3A_143 = tpu.memref_squeeze %dma_start3A_142 : memref<1x1x104xi32, #tpu.memory_space<vmem>> -> memref<104xi32, #tpu.memory_space<vmem>>
          %dma_start3A_144 = arith.constant 0 : i32
          %dma_start3A_145 = arith.constant 0 : i32
          %dma_start3A_146 = tpu.memref_slice %arg5[%dma_start3A_144, %dma_start3A_145] : memref<100000x128xf32, #tpu.memory_space<hbm>> -> memref<100000x128xf32, #tpu.memory_space<hbm>>
          tpu.enqueue_indirect_dma source(%dma_start3A_146 : memref<100000x128xf32, #tpu.memory_space<hbm>>) target(%dma_start3A_140 : memref<104x128xf32, #tpu.memory_space<vmem>>) offsets(%dma_start3A_143 : memref<104xi32, #tpu.memory_space<vmem>>) semaphore(%arg15 : memref<!tpu.dma_semaphore, #tpu.memory_space<semaphore_mem>>)
          %dma_start3A_147 = arith.constant 1 : i32
          %dma_start3A_148 = arith.constant 104 : i32
          %dma_start3A_149 = arith.constant 0 : i32
          %dma_start3A_150 = tpu.memref_slice %arg11[%dma_start3A_148, %dma_start3A_149] : memref<208x128xf32, #tpu.memory_space<vmem>> -> memref<104x128xf32, #tpu.memory_space<vmem>>
          %dma_start3A_151 = arith.constant 0 : i32
          %dma_start3A_152 = tpu.memref_slice %arg7[%add3A_136, %dma_start3A_147, %dma_start3A_151] : memref<64x2x104xi32, #tpu.memory_space<vmem>> -> memref<1x1x104xi32, #tpu.memory_space<vmem>>
          %dma_start3A_153 = tpu.memref_squeeze %dma_start3A_152 : memref<1x1x104xi32, #tpu.memory_space<vmem>> -> memref<104xi32, #tpu.memory_space<vmem>>
          %dma_start3A_154 = arith.constant 0 : i32
          %dma_start3A_155 = arith.constant 0 : i32
          %dma_start3A_156 = tpu.memref_slice %arg5[%dma_start3A_154, %dma_start3A_155] : memref<100000x128xf32, #tpu.memory_space<hbm>> -> memref<100000x128xf32, #tpu.memory_space<hbm>>
          tpu.enqueue_indirect_dma source(%dma_start3A_156 : memref<100000x128xf32, #tpu.memory_space<hbm>>) target(%dma_start3A_150 : memref<104x128xf32, #tpu.memory_space<vmem>>) offsets(%dma_start3A_153 : memref<104xi32, #tpu.memory_space<vmem>>) semaphore(%arg15 : memref<!tpu.dma_semaphore, #tpu.memory_space<semaphore_mem>>)
        } else {
        }
        %get3A = arith.index_cast %add3A_52 : i32 to index
        %get3A_63 = arith.constant 0 : index
        %get3A_64 = tpu.vector_load %arg9[%get3A, %get3A_63] {strides = array<i32>} : memref<64x128xf32, #tpu.memory_space<vmem>>, vector<16xf32>,
        %get3A_65 = arith.index_cast %add3A_52 : i32 to index
        %get3A_66 = arith.constant 16 : index
        %get3A_67 = tpu.vector_load %arg9[%get3A_65, %get3A_66] {strides = array<i32>} : memref<64x128xf32, #tpu.memory_space<vmem>>, vector<16xf32>,
        %get3A_68 = arith.index_cast %add3A_52 : i32 to index
        %get3A_69 = arith.constant 32 : index
        %get3A_70 = tpu.vector_load %arg9[%get3A_68, %get3A_69] {strides = array<i32>} : memref<64x128xf32, #tpu.memory_space<vmem>>, vector<16xf32>,
        %get3A_71 = arith.index_cast %add3A_52 : i32 to index
        %get3A_72 = arith.constant 48 : index
        %get3A_73 = tpu.vector_load %arg9[%get3A_71, %get3A_72] {strides = array<i32>} : memref<64x128xf32, #tpu.memory_space<vmem>>, vector<16xf32>,
        %get3A_74 = arith.index_cast %add3A_52 : i32 to index
        %get3A_75 = arith.constant 64 : index
        %get3A_76 = tpu.vector_load %arg9[%get3A_74, %get3A_75] {strides = array<i32>} : memref<64x128xf32, #tpu.memory_space<vmem>>, vector<16xf32>,
        %get3A_77 = arith.index_cast %add3A_52 : i32 to index
        %get3A_78 = arith.constant 80 : index
        %get3A_79 = tpu.vector_load %arg9[%get3A_77, %get3A_78] {strides = array<i32>} : memref<64x128xf32, #tpu.memory_space<vmem>>, vector<16xf32>,
        %get3A_80 = arith.index_cast %add3A_52 : i32 to index
        %get3A_81 = arith.constant 96 : index
        %get3A_82 = tpu.vector_load %arg9[%get3A_80, %get3A_81] {strides = array<i32>} : memref<64x128xf32, #tpu.memory_space<vmem>>, vector<16xf32>,
        %get3A_83 = arith.index_cast %add3A_52 : i32 to index
        %get3A_84 = arith.constant 112 : index
        %get3A_85 = tpu.vector_load %arg9[%get3A_83, %get3A_84] {strides = array<i32>} : memref<64x128xf32, #tpu.memory_space<vmem>>, vector<16xf32>,
        %scan3A_86 = arith.constant 0 : i32
        %scan3A_87 = arith.constant 13 : i32
        %scan3A_88 = arith.addi %scan3A_86, %scan3A_87 : i32
        %scan3A_89 = arith.constant 1 : i32
        scf.for %scan3A_135 = %scan3A_86 to %scan3A_88 step %scan3A_89  : i32 {
          %mul3A_136 = arith.constant 1 : i32
          %mul3A_137 = arith.muli %scan3A_135, %mul3A_136 : i32
          %add3A_138 = arith.constant 0 : i32
          %add3A_139 = arith.addi %add3A_138, %mul3A_137 : i32
          %mul3A_140 = arith.constant 16 : i32
          %mul3A_141 = arith.muli %add3A_139, %mul3A_140 : i32
          %add3A_142 = arith.constant 0 : i32
          %add3A_143 = arith.addi %mul3A_141, %add3A_142 : i32
          %get3A_144 = arith.index_cast %add3A_143 : i32 to index
          %get3A_145 = arith.constant 0 : index
          %get3A_146 = tpu.vector_load %arg10[%get3A_144, %get3A_145] {strides = array<i32>} : memref<208x128xf32, #tpu.memory_space<vmem>>, vector<16xf32>,
          %mul3A_147 = arith.mulf %get3A_146, %get3A_64 : vector<16xf32>
          %get3A_148 = arith.index_cast %add3A_143 : i32 to index
          %get3A_149 = arith.constant 16 : index
          %get3A_150 = tpu.vector_load %arg10[%get3A_148, %get3A_149] {strides = array<i32>} : memref<208x128xf32, #tpu.memory_space<vmem>>, vector<16xf32>,
          %mul3A_151 = arith.mulf %get3A_150, %get3A_67 : vector<16xf32>
          %add3A_152 = arith.addf %mul3A_147, %mul3A_151 : vector<16xf32>
          %get3A_153 = arith.index_cast %add3A_143 : i32 to index
          %get3A_154 = arith.constant 32 : index
          %get3A_155 = tpu.vector_load %arg10[%get3A_153, %get3A_154] {strides = array<i32>} : memref<208x128xf32, #tpu.memory_space<vmem>>, vector<16xf32>,
          %mul3A_156 = arith.mulf %get3A_155, %get3A_70 : vector<16xf32>
          %add3A_157 = arith.addf %add3A_152, %mul3A_156 : vector<16xf32>
          %get3A_158 = arith.index_cast %add3A_143 : i32 to index
          %get3A_159 = arith.constant 48 : index
          %get3A_160 = tpu.vector_load %arg10[%get3A_158, %get3A_159] {strides = array<i32>} : memref<208x128xf32, #tpu.memory_space<vmem>>, vector<16xf32>,
          %mul3A_161 = arith.mulf %get3A_160, %get3A_73 : vector<16xf32>
          %add3A_162 = arith.addf %add3A_157, %mul3A_161 : vector<16xf32>
          %get3A_163 = arith.index_cast %add3A_143 : i32 to index
          %get3A_164 = arith.constant 64 : index
          %get3A_165 = tpu.vector_load %arg10[%get3A_163, %get3A_164] {strides = array<i32>} : memref<208x128xf32, #tpu.memory_space<vmem>>, vector<16xf32>,
          %mul3A_166 = arith.mulf %get3A_165, %get3A_76 : vector<16xf32>
          %add3A_167 = arith.addf %add3A_162, %mul3A_166 : vector<16xf32>
          %get3A_168 = arith.index_cast %add3A_143 : i32 to index
          %get3A_169 = arith.constant 80 : index
          %get3A_170 = tpu.vector_load %arg10[%get3A_168, %get3A_169] {strides = array<i32>} : memref<208x128xf32, #tpu.memory_space<vmem>>, vector<16xf32>,
          %mul3A_171 = arith.mulf %get3A_170, %get3A_79 : vector<16xf32>
          %add3A_172 = arith.addf %add3A_167, %mul3A_171 : vector<16xf32>
          %get3A_173 = arith.index_cast %add3A_143 : i32 to index
          %get3A_174 = arith.constant 96 : index
          %get3A_175 = tpu.vector_load %arg10[%get3A_173, %get3A_174] {strides = array<i32>} : memref<208x128xf32, #tpu.memory_space<vmem>>, vector<16xf32>,
          %mul3A_176 = arith.mulf %get3A_175, %get3A_82 : vector<16xf32>
          %add3A_177 = arith.addf %add3A_172, %mul3A_176 : vector<16xf32>
          %get3A_178 = arith.index_cast %add3A_143 : i32 to index
          %get3A_179 = arith.constant 112 : index
          %get3A_180 = tpu.vector_load %arg10[%get3A_178, %get3A_179] {strides = array<i32>} : memref<208x128xf32, #tpu.memory_space<vmem>>, vector<16xf32>,
          %mul3A_181 = arith.mulf %get3A_180, %get3A_85 : vector<16xf32>
          %add3A_182 = arith.addf %add3A_177, %mul3A_181 : vector<16xf32>
          %mul3A_183 = arith.constant 16 : i32
          %mul3A_184 = vector.broadcast %mul3A_183 : i32 to vector<16xi32>
          %mul3A_185 = arith.muli %iota3A, %mul3A_184 : vector<16xi32>
          %add3A_186 = arith.constant 0 : i32
          %add3A_187 = vector.broadcast %add3A_186 : i32 to vector<16xi32>
          %add3A_188 = arith.addi %mul3A_185, %add3A_187 : vector<16xi32>
          tpu.vector_store_idx %arg13[%add3A_188], %add3A_182 : memref<256xf32, #tpu.memory_space<vmem>>[vector<16xi32>], vector<16xf32>,
          %mul3A_189 = arith.constant 16 : i32
          %mul3A_190 = arith.muli %add3A_139, %mul3A_189 : i32
          %add3A_191 = arith.constant 1 : i32
          %add3A_192 = arith.addi %mul3A_190, %add3A_191 : i32
          %get3A_193 = arith.index_cast %add3A_192 : i32 to index
          %get3A_194 = arith.constant 0 : index
          %get3A_195 = tpu.vector_load %arg10[%get3A_193, %get3A_194] {strides = array<i32>} : memref<208x128xf32, #tpu.memory_space<vmem>>, vector<16xf32>,
          %mul3A_196 = arith.mulf %get3A_195, %get3A_64 : vector<16xf32>
          %get3A_197 = arith.index_cast %add3A_192 : i32 to index
          %get3A_198 = arith.constant 16 : index
          %get3A_199 = tpu.vector_load %arg10[%get3A_197, %get3A_198] {strides = array<i32>} : memref<208x128xf32, #tpu.memory_space<vmem>>, vector<16xf32>,
          %mul3A_200 = arith.mulf %get3A_199, %get3A_67 : vector<16xf32>
          %add3A_201 = arith.addf %mul3A_196, %mul3A_200 : vector<16xf32>
          %get3A_202 = arith.index_cast %add3A_192 : i32 to index
          %get3A_203 = arith.constant 32 : index
          %get3A_204 = tpu.vector_load %arg10[%get3A_202, %get3A_203] {strides = array<i32>} : memref<208x128xf32, #tpu.memory_space<vmem>>, vector<16xf32>,
          %mul3A_205 = arith.mulf %get3A_204, %get3A_70 : vector<16xf32>
          %add3A_206 = arith.addf %add3A_201, %mul3A_205 : vector<16xf32>
          %get3A_207 = arith.index_cast %add3A_192 : i32 to index
          %get3A_208 = arith.constant 48 : index
          %get3A_209 = tpu.vector_load %arg10[%get3A_207, %get3A_208] {strides = array<i32>} : memref<208x128xf32, #tpu.memory_space<vmem>>, vector<16xf32>,
          %mul3A_210 = arith.mulf %get3A_209, %get3A_73 : vector<16xf32>
          %add3A_211 = arith.addf %add3A_206, %mul3A_210 : vector<16xf32>
          %get3A_212 = arith.index_cast %add3A_192 : i32 to index
          %get3A_213 = arith.constant 64 : index
          %get3A_214 = tpu.vector_load %arg10[%get3A_212, %get3A_213] {strides = array<i32>} : memref<208x128xf32, #tpu.memory_space<vmem>>, vector<16xf32>,
          %mul3A_215 = arith.mulf %get3A_214, %get3A_76 : vector<16xf32>
          %add3A_216 = arith.addf %add3A_211, %mul3A_215 : vector<16xf32>
          %get3A_217 = arith.index_cast %add3A_192 : i32 to index
          %get3A_218 = arith.constant 80 : index
          %get3A_219 = tpu.vector_load %arg10[%get3A_217, %get3A_218] {strides = array<i32>} : memref<208x128xf32, #tpu.memory_space<vmem>>, vector<16xf32>,
          %mul3A_220 = arith.mulf %get3A_219, %get3A_79 : vector<16xf32>
          %add3A_221 = arith.addf %add3A_216, %mul3A_220 : vector<16xf32>
          %get3A_222 = arith.index_cast %add3A_192 : i32 to index
          %get3A_223 = arith.constant 96 : index
          %get3A_224 = tpu.vector_load %arg10[%get3A_222, %get3A_223] {strides = array<i32>} : memref<208x128xf32, #tpu.memory_space<vmem>>, vector<16xf32>,
          %mul3A_225 = arith.mulf %get3A_224, %get3A_82 : vector<16xf32>
          %add3A_226 = arith.addf %add3A_221, %mul3A_225 : vector<16xf32>
          %get3A_227 = arith.index_cast %add3A_192 : i32 to index
          %get3A_228 = arith.constant 112 : index
          %get3A_229 = tpu.vector_load %arg10[%get3A_227, %get3A_228] {strides = array<i32>} : memref<208x128xf32, #tpu.memory_space<vmem>>, vector<16xf32>,
          %mul3A_230 = arith.mulf %get3A_229, %get3A_85 : vector<16xf32>
          %add3A_231 = arith.addf %add3A_226, %mul3A_230 : vector<16xf32>
          %mul3A_232 = arith.constant 16 : i32
          %mul3A_233 = vector.broadcast %mul3A_232 : i32 to vector<16xi32>
          %mul3A_234 = arith.muli %iota3A, %mul3A_233 : vector<16xi32>
          %add3A_235 = arith.constant 1 : i32
          %add3A_236 = vector.broadcast %add3A_235 : i32 to vector<16xi32>
          %add3A_237 = arith.addi %mul3A_234, %add3A_236 : vector<16xi32>
          tpu.vector_store_idx %arg13[%add3A_237], %add3A_231 : memref<256xf32, #tpu.memory_space<vmem>>[vector<16xi32>], vector<16xf32>,
          %mul3A_238 = arith.constant 16 : i32
          %mul3A_239 = arith.muli %add3A_139, %mul3A_238 : i32
          %add3A_240 = arith.constant 2 : i32
          %add3A_241 = arith.addi %mul3A_239, %add3A_240 : i32
          %get3A_242 = arith.index_cast %add3A_241 : i32 to index
          %get3A_243 = arith.constant 0 : index
          %get3A_244 = tpu.vector_load %arg10[%get3A_242, %get3A_243] {strides = array<i32>} : memref<208x128xf32, #tpu.memory_space<vmem>>, vector<16xf32>,
          %mul3A_245 = arith.mulf %get3A_244, %get3A_64 : vector<16xf32>
          %get3A_246 = arith.index_cast %add3A_241 : i32 to index
          %get3A_247 = arith.constant 16 : index
          %get3A_248 = tpu.vector_load %arg10[%get3A_246, %get3A_247] {strides = array<i32>} : memref<208x128xf32, #tpu.memory_space<vmem>>, vector<16xf32>,
          %mul3A_249 = arith.mulf %get3A_248, %get3A_67 : vector<16xf32>
          %add3A_250 = arith.addf %mul3A_245, %mul3A_249 : vector<16xf32>
          %get3A_251 = arith.index_cast %add3A_241 : i32 to index
          %get3A_252 = arith.constant 32 : index
          %get3A_253 = tpu.vector_load %arg10[%get3A_251, %get3A_252] {strides = array<i32>} : memref<208x128xf32, #tpu.memory_space<vmem>>, vector<16xf32>,
          %mul3A_254 = arith.mulf %get3A_253, %get3A_70 : vector<16xf32>
          %add3A_255 = arith.addf %add3A_250, %mul3A_254 : vector<16xf32>
          %get3A_256 = arith.index_cast %add3A_241 : i32 to index
          %get3A_257 = arith.constant 48 : index
          %get3A_258 = tpu.vector_load %arg10[%get3A_256, %get3A_257] {strides = array<i32>} : memref<208x128xf32, #tpu.memory_space<vmem>>, vector<16xf32>,
          %mul3A_259 = arith.mulf %get3A_258, %get3A_73 : vector<16xf32>
          %add3A_260 = arith.addf %add3A_255, %mul3A_259 : vector<16xf32>
          %get3A_261 = arith.index_cast %add3A_241 : i32 to index
          %get3A_262 = arith.constant 64 : index
          %get3A_263 = tpu.vector_load %arg10[%get3A_261, %get3A_262] {strides = array<i32>} : memref<208x128xf32, #tpu.memory_space<vmem>>, vector<16xf32>,
          %mul3A_264 = arith.mulf %get3A_263, %get3A_76 : vector<16xf32>
          %add3A_265 = arith.addf %add3A_260, %mul3A_264 : vector<16xf32>
          %get3A_266 = arith.index_cast %add3A_241 : i32 to index
          %get3A_267 = arith.constant 80 : index
          %get3A_268 = tpu.vector_load %arg10[%get3A_266, %get3A_267] {strides = array<i32>} : memref<208x128xf32, #tpu.memory_space<vmem>>, vector<16xf32>,
          %mul3A_269 = arith.mulf %get3A_268, %get3A_79 : vector<16xf32>
          %add3A_270 = arith.addf %add3A_265, %mul3A_269 : vector<16xf32>
          %get3A_271 = arith.index_cast %add3A_241 : i32 to index
          %get3A_272 = arith.constant 96 : index
          %get3A_273 = tpu.vector_load %arg10[%get3A_271, %get3A_272] {strides = array<i32>} : memref<208x128xf32, #tpu.memory_space<vmem>>, vector<16xf32>,
          %mul3A_274 = arith.mulf %get3A_273, %get3A_82 : vector<16xf32>
          %add3A_275 = arith.addf %add3A_270, %mul3A_274 : vector<16xf32>
          %get3A_276 = arith.index_cast %add3A_241 : i32 to index
          %get3A_277 = arith.constant 112 : index
          %get3A_278 = tpu.vector_load %arg10[%get3A_276, %get3A_277] {strides = array<i32>} : memref<208x128xf32, #tpu.memory_space<vmem>>, vector<16xf32>,
          %mul3A_279 = arith.mulf %get3A_278, %get3A_85 : vector<16xf32>
          %add3A_280 = arith.addf %add3A_275, %mul3A_279 : vector<16xf32>
          %mul3A_281 = arith.constant 16 : i32
          %mul3A_282 = vector.broadcast %mul3A_281 : i32 to vector<16xi32>
          %mul3A_283 = arith.muli %iota3A, %mul3A_282 : vector<16xi32>
          %add3A_284 = arith.constant 2 : i32
          %add3A_285 = vector.broadcast %add3A_284 : i32 to vector<16xi32>
          %add3A_286 = arith.addi %mul3A_283, %add3A_285 : vector<16xi32>
          tpu.vector_store_idx %arg13[%add3A_286], %add3A_280 : memref<256xf32, #tpu.memory_space<vmem>>[vector<16xi32>], vector<16xf32>,
          %mul3A_287 = arith.constant 16 : i32
          %mul3A_288 = arith.muli %add3A_139, %mul3A_287 : i32
          %add3A_289 = arith.constant 3 : i32
          %add3A_290 = arith.addi %mul3A_288, %add3A_289 : i32
          %get3A_291 = arith.index_cast %add3A_290 : i32 to index
          %get3A_292 = arith.constant 0 : index
          %get3A_293 = tpu.vector_load %arg10[%get3A_291, %get3A_292] {strides = array<i32>} : memref<208x128xf32, #tpu.memory_space<vmem>>, vector<16xf32>,
          %mul3A_294 = arith.mulf %get3A_293, %get3A_64 : vector<16xf32>
          %get3A_295 = arith.index_cast %add3A_290 : i32 to index
          %get3A_296 = arith.constant 16 : index
          %get3A_297 = tpu.vector_load %arg10[%get3A_295, %get3A_296] {strides = array<i32>} : memref<208x128xf32, #tpu.memory_space<vmem>>, vector<16xf32>,
          %mul3A_298 = arith.mulf %get3A_297, %get3A_67 : vector<16xf32>
          %add3A_299 = arith.addf %mul3A_294, %mul3A_298 : vector<16xf32>
          %get3A_300 = arith.index_cast %add3A_290 : i32 to index
          %get3A_301 = arith.constant 32 : index
          %get3A_302 = tpu.vector_load %arg10[%get3A_300, %get3A_301] {strides = array<i32>} : memref<208x128xf32, #tpu.memory_space<vmem>>, vector<16xf32>,
          %mul3A_303 = arith.mulf %get3A_302, %get3A_70 : vector<16xf32>
          %add3A_304 = arith.addf %add3A_299, %mul3A_303 : vector<16xf32>
          %get3A_305 = arith.index_cast %add3A_290 : i32 to index
          %get3A_306 = arith.constant 48 : index
          %get3A_307 = tpu.vector_load %arg10[%get3A_305, %get3A_306] {strides = array<i32>} : memref<208x128xf32, #tpu.memory_space<vmem>>, vector<16xf32>,
          %mul3A_308 = arith.mulf %get3A_307, %get3A_73 : vector<16xf32>
          %add3A_309 = arith.addf %add3A_304, %mul3A_308 : vector<16xf32>
          %get3A_310 = arith.index_cast %add3A_290 : i32 to index
          %get3A_311 = arith.constant 64 : index
          %get3A_312 = tpu.vector_load %arg10[%get3A_310, %get3A_311] {strides = array<i32>} : memref<208x128xf32, #tpu.memory_space<vmem>>, vector<16xf32>,
          %mul3A_313 = arith.mulf %get3A_312, %get3A_76 : vector<16xf32>
          %add3A_314 = arith.addf %add3A_309, %mul3A_313 : vector<16xf32>
          %get3A_315 = arith.index_cast %add3A_290 : i32 to index
          %get3A_316 = arith.constant 80 : index
          %get3A_317 = tpu.vector_load %arg10[%get3A_315, %get3A_316] {strides = array<i32>} : memref<208x128xf32, #tpu.memory_space<vmem>>, vector<16xf32>,
          %mul3A_318 = arith.mulf %get3A_317, %get3A_79 : vector<16xf32>
          %add3A_319 = arith.addf %add3A_314, %mul3A_318 : vector<16xf32>
          %get3A_320 = arith.index_cast %add3A_290 : i32 to index
          %get3A_321 = arith.constant 96 : index
          %get3A_322 = tpu.vector_load %arg10[%get3A_320, %get3A_321] {strides = array<i32>} : memref<208x128xf32, #tpu.memory_space<vmem>>, vector<16xf32>,
          %mul3A_323 = arith.mulf %get3A_322, %get3A_82 : vector<16xf32>
          %add3A_324 = arith.addf %add3A_319, %mul3A_323 : vector<16xf32>
          %get3A_325 = arith.index_cast %add3A_290 : i32 to index
          %get3A_326 = arith.constant 112 : index
          %get3A_327 = tpu.vector_load %arg10[%get3A_325, %get3A_326] {strides = array<i32>} : memref<208x128xf32, #tpu.memory_space<vmem>>, vector<16xf32>,
          %mul3A_328 = arith.mulf %get3A_327, %get3A_85 : vector<16xf32>
          %add3A_329 = arith.addf %add3A_324, %mul3A_328 : vector<16xf32>
          %mul3A_330 = arith.constant 16 : i32
          %mul3A_331 = vector.broadcast %mul3A_330 : i32 to vector<16xi32>
          %mul3A_332 = arith.muli %iota3A, %mul3A_331 : vector<16xi32>
          %add3A_333 = arith.constant 3 : i32
          %add3A_334 = vector.broadcast %add3A_333 : i32 to vector<16xi32>
          %add3A_335 = arith.addi %mul3A_332, %add3A_334 : vector<16xi32>
          tpu.vector_store_idx %arg13[%add3A_335], %add3A_329 : memref<256xf32, #tpu.memory_space<vmem>>[vector<16xi32>], vector<16xf32>,
          %mul3A_336 = arith.constant 16 : i32
          %mul3A_337 = arith.muli %add3A_139, %mul3A_336 : i32
          %add3A_338 = arith.constant 4 : i32
          %add3A_339 = arith.addi %mul3A_337, %add3A_338 : i32
          %get3A_340 = arith.index_cast %add3A_339 : i32 to index
          %get3A_341 = arith.constant 0 : index
          %get3A_342 = tpu.vector_load %arg10[%get3A_340, %get3A_341] {strides = array<i32>} : memref<208x128xf32, #tpu.memory_space<vmem>>, vector<16xf32>,
          %mul3A_343 = arith.mulf %get3A_342, %get3A_64 : vector<16xf32>
          %get3A_344 = arith.index_cast %add3A_339 : i32 to index
          %get3A_345 = arith.constant 16 : index
          %get3A_346 = tpu.vector_load %arg10[%get3A_344, %get3A_345] {strides = array<i32>} : memref<208x128xf32, #tpu.memory_space<vmem>>, vector<16xf32>,
          %mul3A_347 = arith.mulf %get3A_346, %get3A_67 : vector<16xf32>
          %add3A_348 = arith.addf %mul3A_343, %mul3A_347 : vector<16xf32>
          %get3A_349 = arith.index_cast %add3A_339 : i32 to index
          %get3A_350 = arith.constant 32 : index
          %get3A_351 = tpu.vector_load %arg10[%get3A_349, %get3A_350] {strides = array<i32>} : memref<208x128xf32, #tpu.memory_space<vmem>>, vector<16xf32>,
          %mul3A_352 = arith.mulf %get3A_351, %get3A_70 : vector<16xf32>
          %add3A_353 = arith.addf %add3A_348, %mul3A_352 : vector<16xf32>
          %get3A_354 = arith.index_cast %add3A_339 : i32 to index
          %get3A_355 = arith.constant 48 : index
          %get3A_356 = tpu.vector_load %arg10[%get3A_354, %get3A_355] {strides = array<i32>} : memref<208x128xf32, #tpu.memory_space<vmem>>, vector<16xf32>,
          %mul3A_357 = arith.mulf %get3A_356, %get3A_73 : vector<16xf32>
          %add3A_358 = arith.addf %add3A_353, %mul3A_357 : vector<16xf32>
          %get3A_359 = arith.index_cast %add3A_339 : i32 to index
          %get3A_360 = arith.constant 64 : index
          %get3A_361 = tpu.vector_load %arg10[%get3A_359, %get3A_360] {strides = array<i32>} : memref<208x128xf32, #tpu.memory_space<vmem>>, vector<16xf32>,
          %mul3A_362 = arith.mulf %get3A_361, %get3A_76 : vector<16xf32>
          %add3A_363 = arith.addf %add3A_358, %mul3A_362 : vector<16xf32>
          %get3A_364 = arith.index_cast %add3A_339 : i32 to index
          %get3A_365 = arith.constant 80 : index
          %get3A_366 = tpu.vector_load %arg10[%get3A_364, %get3A_365] {strides = array<i32>} : memref<208x128xf32, #tpu.memory_space<vmem>>, vector<16xf32>,
          %mul3A_367 = arith.mulf %get3A_366, %get3A_79 : vector<16xf32>
          %add3A_368 = arith.addf %add3A_363, %mul3A_367 : vector<16xf32>
          %get3A_369 = arith.index_cast %add3A_339 : i32 to index
          %get3A_370 = arith.constant 96 : index
          %get3A_371 = tpu.vector_load %arg10[%get3A_369, %get3A_370] {strides = array<i32>} : memref<208x128xf32, #tpu.memory_space<vmem>>, vector<16xf32>,
          %mul3A_372 = arith.mulf %get3A_371, %get3A_82 : vector<16xf32>
          %add3A_373 = arith.addf %add3A_368, %mul3A_372 : vector<16xf32>
          %get3A_374 = arith.index_cast %add3A_339 : i32 to index
          %get3A_375 = arith.constant 112 : index
          %get3A_376 = tpu.vector_load %arg10[%get3A_374, %get3A_375] {strides = array<i32>} : memref<208x128xf32, #tpu.memory_space<vmem>>, vector<16xf32>,
          %mul3A_377 = arith.mulf %get3A_376, %get3A_85 : vector<16xf32>
          %add3A_378 = arith.addf %add3A_373, %mul3A_377 : vector<16xf32>
          %mul3A_379 = arith.constant 16 : i32
          %mul3A_380 = vector.broadcast %mul3A_379 : i32 to vector<16xi32>
          %mul3A_381 = arith.muli %iota3A, %mul3A_380 : vector<16xi32>
          %add3A_382 = arith.constant 4 : i32
          %add3A_383 = vector.broadcast %add3A_382 : i32 to vector<16xi32>
          %add3A_384 = arith.addi %mul3A_381, %add3A_383 : vector<16xi32>
          tpu.vector_store_idx %arg13[%add3A_384], %add3A_378 : memref<256xf32, #tpu.memory_space<vmem>>[vector<16xi32>], vector<16xf32>,
          %mul3A_385 = arith.constant 16 : i32
          %mul3A_386 = arith.muli %add3A_139, %mul3A_385 : i32
          %add3A_387 = arith.constant 5 : i32
          %add3A_388 = arith.addi %mul3A_386, %add3A_387 : i32
          %get3A_389 = arith.index_cast %add3A_388 : i32 to index
          %get3A_390 = arith.constant 0 : index
          %get3A_391 = tpu.vector_load %arg10[%get3A_389, %get3A_390] {strides = array<i32>} : memref<208x128xf32, #tpu.memory_space<vmem>>, vector<16xf32>,
          %mul3A_392 = arith.mulf %get3A_391, %get3A_64 : vector<16xf32>
          %get3A_393 = arith.index_cast %add3A_388 : i32 to index
          %get3A_394 = arith.constant 16 : index
          %get3A_395 = tpu.vector_load %arg10[%get3A_393, %get3A_394] {strides = array<i32>} : memref<208x128xf32, #tpu.memory_space<vmem>>, vector<16xf32>,
          %mul3A_396 = arith.mulf %get3A_395, %get3A_67 : vector<16xf32>
          %add3A_397 = arith.addf %mul3A_392, %mul3A_396 : vector<16xf32>
          %get3A_398 = arith.index_cast %add3A_388 : i32 to index
          %get3A_399 = arith.constant 32 : index
          %get3A_400 = tpu.vector_load %arg10[%get3A_398, %get3A_399] {strides = array<i32>} : memref<208x128xf32, #tpu.memory_space<vmem>>, vector<16xf32>,
          %mul3A_401 = arith.mulf %get3A_400, %get3A_70 : vector<16xf32>
          %add3A_402 = arith.addf %add3A_397, %mul3A_401 : vector<16xf32>
          %get3A_403 = arith.index_cast %add3A_388 : i32 to index
          %get3A_404 = arith.constant 48 : index
          %get3A_405 = tpu.vector_load %arg10[%get3A_403, %get3A_404] {strides = array<i32>} : memref<208x128xf32, #tpu.memory_space<vmem>>, vector<16xf32>,
          %mul3A_406 = arith.mulf %get3A_405, %get3A_73 : vector<16xf32>
          %add3A_407 = arith.addf %add3A_402, %mul3A_406 : vector<16xf32>
          %get3A_408 = arith.index_cast %add3A_388 : i32 to index
          %get3A_409 = arith.constant 64 : index
          %get3A_410 = tpu.vector_load %arg10[%get3A_408, %get3A_409] {strides = array<i32>} : memref<208x128xf32, #tpu.memory_space<vmem>>, vector<16xf32>,
          %mul3A_411 = arith.mulf %get3A_410, %get3A_76 : vector<16xf32>
          %add3A_412 = arith.addf %add3A_407, %mul3A_411 : vector<16xf32>
          %get3A_413 = arith.index_cast %add3A_388 : i32 to index
          %get3A_414 = arith.constant 80 : index
          %get3A_415 = tpu.vector_load %arg10[%get3A_413, %get3A_414] {strides = array<i32>} : memref<208x128xf32, #tpu.memory_space<vmem>>, vector<16xf32>,
          %mul3A_416 = arith.mulf %get3A_415, %get3A_79 : vector<16xf32>
          %add3A_417 = arith.addf %add3A_412, %mul3A_416 : vector<16xf32>
          %get3A_418 = arith.index_cast %add3A_388 : i32 to index
          %get3A_419 = arith.constant 96 : index
          %get3A_420 = tpu.vector_load %arg10[%get3A_418, %get3A_419] {strides = array<i32>} : memref<208x128xf32, #tpu.memory_space<vmem>>, vector<16xf32>,
          %mul3A_421 = arith.mulf %get3A_420, %get3A_82 : vector<16xf32>
          %add3A_422 = arith.addf %add3A_417, %mul3A_421 : vector<16xf32>
          %get3A_423 = arith.index_cast %add3A_388 : i32 to index
          %get3A_424 = arith.constant 112 : index
          %get3A_425 = tpu.vector_load %arg10[%get3A_423, %get3A_424] {strides = array<i32>} : memref<208x128xf32, #tpu.memory_space<vmem>>, vector<16xf32>,
          %mul3A_426 = arith.mulf %get3A_425, %get3A_85 : vector<16xf32>
          %add3A_427 = arith.addf %add3A_422, %mul3A_426 : vector<16xf32>
          %mul3A_428 = arith.constant 16 : i32
          %mul3A_429 = vector.broadcast %mul3A_428 : i32 to vector<16xi32>
          %mul3A_430 = arith.muli %iota3A, %mul3A_429 : vector<16xi32>
          %add3A_431 = arith.constant 5 : i32
          %add3A_432 = vector.broadcast %add3A_431 : i32 to vector<16xi32>
          %add3A_433 = arith.addi %mul3A_430, %add3A_432 : vector<16xi32>
          tpu.vector_store_idx %arg13[%add3A_433], %add3A_427 : memref<256xf32, #tpu.memory_space<vmem>>[vector<16xi32>], vector<16xf32>,
          %mul3A_434 = arith.constant 16 : i32
          %mul3A_435 = arith.muli %add3A_139, %mul3A_434 : i32
          %add3A_436 = arith.constant 6 : i32
          %add3A_437 = arith.addi %mul3A_435, %add3A_436 : i32
          %get3A_438 = arith.index_cast %add3A_437 : i32 to index
          %get3A_439 = arith.constant 0 : index
          %get3A_440 = tpu.vector_load %arg10[%get3A_438, %get3A_439] {strides = array<i32>} : memref<208x128xf32, #tpu.memory_space<vmem>>, vector<16xf32>,
          %mul3A_441 = arith.mulf %get3A_440, %get3A_64 : vector<16xf32>
          %get3A_442 = arith.index_cast %add3A_437 : i32 to index
          %get3A_443 = arith.constant 16 : index
          %get3A_444 = tpu.vector_load %arg10[%get3A_442, %get3A_443] {strides = array<i32>} : memref<208x128xf32, #tpu.memory_space<vmem>>, vector<16xf32>,
          %mul3A_445 = arith.mulf %get3A_444, %get3A_67 : vector<16xf32>
          %add3A_446 = arith.addf %mul3A_441, %mul3A_445 : vector<16xf32>
          %get3A_447 = arith.index_cast %add3A_437 : i32 to index
          %get3A_448 = arith.constant 32 : index
          %get3A_449 = tpu.vector_load %arg10[%get3A_447, %get3A_448] {strides = array<i32>} : memref<208x128xf32, #tpu.memory_space<vmem>>, vector<16xf32>,
          %mul3A_450 = arith.mulf %get3A_449, %get3A_70 : vector<16xf32>
          %add3A_451 = arith.addf %add3A_446, %mul3A_450 : vector<16xf32>
          %get3A_452 = arith.index_cast %add3A_437 : i32 to index
          %get3A_453 = arith.constant 48 : index
          %get3A_454 = tpu.vector_load %arg10[%get3A_452, %get3A_453] {strides = array<i32>} : memref<208x128xf32, #tpu.memory_space<vmem>>, vector<16xf32>,
          %mul3A_455 = arith.mulf %get3A_454, %get3A_73 : vector<16xf32>
          %add3A_456 = arith.addf %add3A_451, %mul3A_455 : vector<16xf32>
          %get3A_457 = arith.index_cast %add3A_437 : i32 to index
          %get3A_458 = arith.constant 64 : index
          %get3A_459 = tpu.vector_load %arg10[%get3A_457, %get3A_458] {strides = array<i32>} : memref<208x128xf32, #tpu.memory_space<vmem>>, vector<16xf32>,
          %mul3A_460 = arith.mulf %get3A_459, %get3A_76 : vector<16xf32>
          %add3A_461 = arith.addf %add3A_456, %mul3A_460 : vector<16xf32>
          %get3A_462 = arith.index_cast %add3A_437 : i32 to index
          %get3A_463 = arith.constant 80 : index
          %get3A_464 = tpu.vector_load %arg10[%get3A_462, %get3A_463] {strides = array<i32>} : memref<208x128xf32, #tpu.memory_space<vmem>>, vector<16xf32>,
          %mul3A_465 = arith.mulf %get3A_464, %get3A_79 : vector<16xf32>
          %add3A_466 = arith.addf %add3A_461, %mul3A_465 : vector<16xf32>
          %get3A_467 = arith.index_cast %add3A_437 : i32 to index
          %get3A_468 = arith.constant 96 : index
          %get3A_469 = tpu.vector_load %arg10[%get3A_467, %get3A_468] {strides = array<i32>} : memref<208x128xf32, #tpu.memory_space<vmem>>, vector<16xf32>,
          %mul3A_470 = arith.mulf %get3A_469, %get3A_82 : vector<16xf32>
          %add3A_471 = arith.addf %add3A_466, %mul3A_470 : vector<16xf32>
          %get3A_472 = arith.index_cast %add3A_437 : i32 to index
          %get3A_473 = arith.constant 112 : index
          %get3A_474 = tpu.vector_load %arg10[%get3A_472, %get3A_473] {strides = array<i32>} : memref<208x128xf32, #tpu.memory_space<vmem>>, vector<16xf32>,
          %mul3A_475 = arith.mulf %get3A_474, %get3A_85 : vector<16xf32>
          %add3A_476 = arith.addf %add3A_471, %mul3A_475 : vector<16xf32>
          %mul3A_477 = arith.constant 16 : i32
          %mul3A_478 = vector.broadcast %mul3A_477 : i32 to vector<16xi32>
          %mul3A_479 = arith.muli %iota3A, %mul3A_478 : vector<16xi32>
          %add3A_480 = arith.constant 6 : i32
          %add3A_481 = vector.broadcast %add3A_480 : i32 to vector<16xi32>
          %add3A_482 = arith.addi %mul3A_479, %add3A_481 : vector<16xi32>
          tpu.vector_store_idx %arg13[%add3A_482], %add3A_476 : memref<256xf32, #tpu.memory_space<vmem>>[vector<16xi32>], vector<16xf32>,
          %mul3A_483 = arith.constant 16 : i32
          %mul3A_484 = arith.muli %add3A_139, %mul3A_483 : i32
          %add3A_485 = arith.constant 7 : i32
          %add3A_486 = arith.addi %mul3A_484, %add3A_485 : i32
          %get3A_487 = arith.index_cast %add3A_486 : i32 to index
          %get3A_488 = arith.constant 0 : index
          %get3A_489 = tpu.vector_load %arg10[%get3A_487, %get3A_488] {strides = array<i32>} : memref<208x128xf32, #tpu.memory_space<vmem>>, vector<16xf32>,
          %mul3A_490 = arith.mulf %get3A_489, %get3A_64 : vector<16xf32>
          %get3A_491 = arith.index_cast %add3A_486 : i32 to index
          %get3A_492 = arith.constant 16 : index
          %get3A_493 = tpu.vector_load %arg10[%get3A_491, %get3A_492] {strides = array<i32>} : memref<208x128xf32, #tpu.memory_space<vmem>>, vector<16xf32>,
          %mul3A_494 = arith.mulf %get3A_493, %get3A_67 : vector<16xf32>
          %add3A_495 = arith.addf %mul3A_490, %mul3A_494 : vector<16xf32>
          %get3A_496 = arith.index_cast %add3A_486 : i32 to index
          %get3A_497 = arith.constant 32 : index
          %get3A_498 = tpu.vector_load %arg10[%get3A_496, %get3A_497] {strides = array<i32>} : memref<208x128xf32, #tpu.memory_space<vmem>>, vector<16xf32>,
          %mul3A_499 = arith.mulf %get3A_498, %get3A_70 : vector<16xf32>
          %add3A_500 = arith.addf %add3A_495, %mul3A_499 : vector<16xf32>
          %get3A_501 = arith.index_cast %add3A_486 : i32 to index
          %get3A_502 = arith.constant 48 : index
          %get3A_503 = tpu.vector_load %arg10[%get3A_501, %get3A_502] {strides = array<i32>} : memref<208x128xf32, #tpu.memory_space<vmem>>, vector<16xf32>,
          %mul3A_504 = arith.mulf %get3A_503, %get3A_73 : vector<16xf32>
          %add3A_505 = arith.addf %add3A_500, %mul3A_504 : vector<16xf32>
          %get3A_506 = arith.index_cast %add3A_486 : i32 to index
          %get3A_507 = arith.constant 64 : index
          %get3A_508 = tpu.vector_load %arg10[%get3A_506, %get3A_507] {strides = array<i32>} : memref<208x128xf32, #tpu.memory_space<vmem>>, vector<16xf32>,
          %mul3A_509 = arith.mulf %get3A_508, %get3A_76 : vector<16xf32>
          %add3A_510 = arith.addf %add3A_505, %mul3A_509 : vector<16xf32>
          %get3A_511 = arith.index_cast %add3A_486 : i32 to index
          %get3A_512 = arith.constant 80 : index
          %get3A_513 = tpu.vector_load %arg10[%get3A_511, %get3A_512] {strides = array<i32>} : memref<208x128xf32, #tpu.memory_space<vmem>>, vector<16xf32>,
          %mul3A_514 = arith.mulf %get3A_513, %get3A_79 : vector<16xf32>
          %add3A_515 = arith.addf %add3A_510, %mul3A_514 : vector<16xf32>
          %get3A_516 = arith.index_cast %add3A_486 : i32 to index
          %get3A_517 = arith.constant 96 : index
          %get3A_518 = tpu.vector_load %arg10[%get3A_516, %get3A_517] {strides = array<i32>} : memref<208x128xf32, #tpu.memory_space<vmem>>, vector<16xf32>,
          %mul3A_519 = arith.mulf %get3A_518, %get3A_82 : vector<16xf32>
          %add3A_520 = arith.addf %add3A_515, %mul3A_519 : vector<16xf32>
          %get3A_521 = arith.index_cast %add3A_486 : i32 to index
          %get3A_522 = arith.constant 112 : index
          %get3A_523 = tpu.vector_load %arg10[%get3A_521, %get3A_522] {strides = array<i32>} : memref<208x128xf32, #tpu.memory_space<vmem>>, vector<16xf32>,
          %mul3A_524 = arith.mulf %get3A_523, %get3A_85 : vector<16xf32>
          %add3A_525 = arith.addf %add3A_520, %mul3A_524 : vector<16xf32>
          %mul3A_526 = arith.constant 16 : i32
          %mul3A_527 = vector.broadcast %mul3A_526 : i32 to vector<16xi32>
          %mul3A_528 = arith.muli %iota3A, %mul3A_527 : vector<16xi32>
          %add3A_529 = arith.constant 7 : i32
          %add3A_530 = vector.broadcast %add3A_529 : i32 to vector<16xi32>
          %add3A_531 = arith.addi %mul3A_528, %add3A_530 : vector<16xi32>
          tpu.vector_store_idx %arg13[%add3A_531], %add3A_525 : memref<256xf32, #tpu.memory_space<vmem>>[vector<16xi32>], vector<16xf32>,
          %mul3A_532 = arith.constant 16 : i32
          %mul3A_533 = arith.muli %add3A_139, %mul3A_532 : i32
          %add3A_534 = arith.constant 8 : i32
          %add3A_535 = arith.addi %mul3A_533, %add3A_534 : i32
          %get3A_536 = arith.index_cast %add3A_535 : i32 to index
          %get3A_537 = arith.constant 0 : index
          %get3A_538 = tpu.vector_load %arg10[%get3A_536, %get3A_537] {strides = array<i32>} : memref<208x128xf32, #tpu.memory_space<vmem>>, vector<16xf32>,
          %mul3A_539 = arith.mulf %get3A_538, %get3A_64 : vector<16xf32>
          %get3A_540 = arith.index_cast %add3A_535 : i32 to index
          %get3A_541 = arith.constant 16 : index
          %get3A_542 = tpu.vector_load %arg10[%get3A_540, %get3A_541] {strides = array<i32>} : memref<208x128xf32, #tpu.memory_space<vmem>>, vector<16xf32>,
          %mul3A_543 = arith.mulf %get3A_542, %get3A_67 : vector<16xf32>
          %add3A_544 = arith.addf %mul3A_539, %mul3A_543 : vector<16xf32>
          %get3A_545 = arith.index_cast %add3A_535 : i32 to index
          %get3A_546 = arith.constant 32 : index
          %get3A_547 = tpu.vector_load %arg10[%get3A_545, %get3A_546] {strides = array<i32>} : memref<208x128xf32, #tpu.memory_space<vmem>>, vector<16xf32>,
          %mul3A_548 = arith.mulf %get3A_547, %get3A_70 : vector<16xf32>
          %add3A_549 = arith.addf %add3A_544, %mul3A_548 : vector<16xf32>
          %get3A_550 = arith.index_cast %add3A_535 : i32 to index
          %get3A_551 = arith.constant 48 : index
          %get3A_552 = tpu.vector_load %arg10[%get3A_550, %get3A_551] {strides = array<i32>} : memref<208x128xf32, #tpu.memory_space<vmem>>, vector<16xf32>,
          %mul3A_553 = arith.mulf %get3A_552, %get3A_73 : vector<16xf32>
          %add3A_554 = arith.addf %add3A_549, %mul3A_553 : vector<16xf32>
          %get3A_555 = arith.index_cast %add3A_535 : i32 to index
          %get3A_556 = arith.constant 64 : index
          %get3A_557 = tpu.vector_load %arg10[%get3A_555, %get3A_556] {strides = array<i32>} : memref<208x128xf32, #tpu.memory_space<vmem>>, vector<16xf32>,
          %mul3A_558 = arith.mulf %get3A_557, %get3A_76 : vector<16xf32>
          %add3A_559 = arith.addf %add3A_554, %mul3A_558 : vector<16xf32>
          %get3A_560 = arith.index_cast %add3A_535 : i32 to index
          %get3A_561 = arith.constant 80 : index
          %get3A_562 = tpu.vector_load %arg10[%get3A_560, %get3A_561] {strides = array<i32>} : memref<208x128xf32, #tpu.memory_space<vmem>>, vector<16xf32>,
          %mul3A_563 = arith.mulf %get3A_562, %get3A_79 : vector<16xf32>
          %add3A_564 = arith.addf %add3A_559, %mul3A_563 : vector<16xf32>
          %get3A_565 = arith.index_cast %add3A_535 : i32 to index
          %get3A_566 = arith.constant 96 : index
          %get3A_567 = tpu.vector_load %arg10[%get3A_565, %get3A_566] {strides = array<i32>} : memref<208x128xf32, #tpu.memory_space<vmem>>, vector<16xf32>,
          %mul3A_568 = arith.mulf %get3A_567, %get3A_82 : vector<16xf32>
          %add3A_569 = arith.addf %add3A_564, %mul3A_568 : vector<16xf32>
          %get3A_570 = arith.index_cast %add3A_535 : i32 to index
          %get3A_571 = arith.constant 112 : index
          %get3A_572 = tpu.vector_load %arg10[%get3A_570, %get3A_571] {strides = array<i32>} : memref<208x128xf32, #tpu.memory_space<vmem>>, vector<16xf32>,
          %mul3A_573 = arith.mulf %get3A_572, %get3A_85 : vector<16xf32>
          %add3A_574 = arith.addf %add3A_569, %mul3A_573 : vector<16xf32>
          %mul3A_575 = arith.constant 16 : i32
          %mul3A_576 = vector.broadcast %mul3A_575 : i32 to vector<16xi32>
          %mul3A_577 = arith.muli %iota3A, %mul3A_576 : vector<16xi32>
          %add3A_578 = arith.constant 8 : i32
          %add3A_579 = vector.broadcast %add3A_578 : i32 to vector<16xi32>
          %add3A_580 = arith.addi %mul3A_577, %add3A_579 : vector<16xi32>
          tpu.vector_store_idx %arg13[%add3A_580], %add3A_574 : memref<256xf32, #tpu.memory_space<vmem>>[vector<16xi32>], vector<16xf32>,
          %mul3A_581 = arith.constant 16 : i32
          %mul3A_582 = arith.muli %add3A_139, %mul3A_581 : i32
          %add3A_583 = arith.constant 9 : i32
          %add3A_584 = arith.addi %mul3A_582, %add3A_583 : i32
          %get3A_585 = arith.index_cast %add3A_584 : i32 to index
          %get3A_586 = arith.constant 0 : index
          %get3A_587 = tpu.vector_load %arg10[%get3A_585, %get3A_586] {strides = array<i32>} : memref<208x128xf32, #tpu.memory_space<vmem>>, vector<16xf32>,
          %mul3A_588 = arith.mulf %get3A_587, %get3A_64 : vector<16xf32>
          %get3A_589 = arith.index_cast %add3A_584 : i32 to index
          %get3A_590 = arith.constant 16 : index
          %get3A_591 = tpu.vector_load %arg10[%get3A_589, %get3A_590] {strides = array<i32>} : memref<208x128xf32, #tpu.memory_space<vmem>>, vector<16xf32>,
          %mul3A_592 = arith.mulf %get3A_591, %get3A_67 : vector<16xf32>
          %add3A_593 = arith.addf %mul3A_588, %mul3A_592 : vector<16xf32>
          %get3A_594 = arith.index_cast %add3A_584 : i32 to index
          %get3A_595 = arith.constant 32 : index
          %get3A_596 = tpu.vector_load %arg10[%get3A_594, %get3A_595] {strides = array<i32>} : memref<208x128xf32, #tpu.memory_space<vmem>>, vector<16xf32>,
          %mul3A_597 = arith.mulf %get3A_596, %get3A_70 : vector<16xf32>
          %add3A_598 = arith.addf %add3A_593, %mul3A_597 : vector<16xf32>
          %get3A_599 = arith.index_cast %add3A_584 : i32 to index
          %get3A_600 = arith.constant 48 : index
          %get3A_601 = tpu.vector_load %arg10[%get3A_599, %get3A_600] {strides = array<i32>} : memref<208x128xf32, #tpu.memory_space<vmem>>, vector<16xf32>,
          %mul3A_602 = arith.mulf %get3A_601, %get3A_73 : vector<16xf32>
          %add3A_603 = arith.addf %add3A_598, %mul3A_602 : vector<16xf32>
          %get3A_604 = arith.index_cast %add3A_584 : i32 to index
          %get3A_605 = arith.constant 64 : index
          %get3A_606 = tpu.vector_load %arg10[%get3A_604, %get3A_605] {strides = array<i32>} : memref<208x128xf32, #tpu.memory_space<vmem>>, vector<16xf32>,
          %mul3A_607 = arith.mulf %get3A_606, %get3A_76 : vector<16xf32>
          %add3A_608 = arith.addf %add3A_603, %mul3A_607 : vector<16xf32>
          %get3A_609 = arith.index_cast %add3A_584 : i32 to index
          %get3A_610 = arith.constant 80 : index
          %get3A_611 = tpu.vector_load %arg10[%get3A_609, %get3A_610] {strides = array<i32>} : memref<208x128xf32, #tpu.memory_space<vmem>>, vector<16xf32>,
          %mul3A_612 = arith.mulf %get3A_611, %get3A_79 : vector<16xf32>
          %add3A_613 = arith.addf %add3A_608, %mul3A_612 : vector<16xf32>
          %get3A_614 = arith.index_cast %add3A_584 : i32 to index
          %get3A_615 = arith.constant 96 : index
          %get3A_616 = tpu.vector_load %arg10[%get3A_614, %get3A_615] {strides = array<i32>} : memref<208x128xf32, #tpu.memory_space<vmem>>, vector<16xf32>,
          %mul3A_617 = arith.mulf %get3A_616, %get3A_82 : vector<16xf32>
          %add3A_618 = arith.addf %add3A_613, %mul3A_617 : vector<16xf32>
          %get3A_619 = arith.index_cast %add3A_584 : i32 to index
          %get3A_620 = arith.constant 112 : index
          %get3A_621 = tpu.vector_load %arg10[%get3A_619, %get3A_620] {strides = array<i32>} : memref<208x128xf32, #tpu.memory_space<vmem>>, vector<16xf32>,
          %mul3A_622 = arith.mulf %get3A_621, %get3A_85 : vector<16xf32>
          %add3A_623 = arith.addf %add3A_618, %mul3A_622 : vector<16xf32>
          %mul3A_624 = arith.constant 16 : i32
          %mul3A_625 = vector.broadcast %mul3A_624 : i32 to vector<16xi32>
          %mul3A_626 = arith.muli %iota3A, %mul3A_625 : vector<16xi32>
          %add3A_627 = arith.constant 9 : i32
          %add3A_628 = vector.broadcast %add3A_627 : i32 to vector<16xi32>
          %add3A_629 = arith.addi %mul3A_626, %add3A_628 : vector<16xi32>
          tpu.vector_store_idx %arg13[%add3A_629], %add3A_623 : memref<256xf32, #tpu.memory_space<vmem>>[vector<16xi32>], vector<16xf32>,
          %mul3A_630 = arith.constant 16 : i32
          %mul3A_631 = arith.muli %add3A_139, %mul3A_630 : i32
          %add3A_632 = arith.constant 10 : i32
          %add3A_633 = arith.addi %mul3A_631, %add3A_632 : i32
          %get3A_634 = arith.index_cast %add3A_633 : i32 to index
          %get3A_635 = arith.constant 0 : index
          %get3A_636 = tpu.vector_load %arg10[%get3A_634, %get3A_635] {strides = array<i32>} : memref<208x128xf32, #tpu.memory_space<vmem>>, vector<16xf32>,
          %mul3A_637 = arith.mulf %get3A_636, %get3A_64 : vector<16xf32>
          %get3A_638 = arith.index_cast %add3A_633 : i32 to index
          %get3A_639 = arith.constant 16 : index
          %get3A_640 = tpu.vector_load %arg10[%get3A_638, %get3A_639] {strides = array<i32>} : memref<208x128xf32, #tpu.memory_space<vmem>>, vector<16xf32>,
          %mul3A_641 = arith.mulf %get3A_640, %get3A_67 : vector<16xf32>
          %add3A_642 = arith.addf %mul3A_637, %mul3A_641 : vector<16xf32>
          %get3A_643 = arith.index_cast %add3A_633 : i32 to index
          %get3A_644 = arith.constant 32 : index
          %get3A_645 = tpu.vector_load %arg10[%get3A_643, %get3A_644] {strides = array<i32>} : memref<208x128xf32, #tpu.memory_space<vmem>>, vector<16xf32>,
          %mul3A_646 = arith.mulf %get3A_645, %get3A_70 : vector<16xf32>
          %add3A_647 = arith.addf %add3A_642, %mul3A_646 : vector<16xf32>
          %get3A_648 = arith.index_cast %add3A_633 : i32 to index
          %get3A_649 = arith.constant 48 : index
          %get3A_650 = tpu.vector_load %arg10[%get3A_648, %get3A_649] {strides = array<i32>} : memref<208x128xf32, #tpu.memory_space<vmem>>, vector<16xf32>,
          %mul3A_651 = arith.mulf %get3A_650, %get3A_73 : vector<16xf32>
          %add3A_652 = arith.addf %add3A_647, %mul3A_651 : vector<16xf32>
          %get3A_653 = arith.index_cast %add3A_633 : i32 to index
          %get3A_654 = arith.constant 64 : index
          %get3A_655 = tpu.vector_load %arg10[%get3A_653, %get3A_654] {strides = array<i32>} : memref<208x128xf32, #tpu.memory_space<vmem>>, vector<16xf32>,
          %mul3A_656 = arith.mulf %get3A_655, %get3A_76 : vector<16xf32>
          %add3A_657 = arith.addf %add3A_652, %mul3A_656 : vector<16xf32>
          %get3A_658 = arith.index_cast %add3A_633 : i32 to index
          %get3A_659 = arith.constant 80 : index
          %get3A_660 = tpu.vector_load %arg10[%get3A_658, %get3A_659] {strides = array<i32>} : memref<208x128xf32, #tpu.memory_space<vmem>>, vector<16xf32>,
          %mul3A_661 = arith.mulf %get3A_660, %get3A_79 : vector<16xf32>
          %add3A_662 = arith.addf %add3A_657, %mul3A_661 : vector<16xf32>
          %get3A_663 = arith.index_cast %add3A_633 : i32 to index
          %get3A_664 = arith.constant 96 : index
          %get3A_665 = tpu.vector_load %arg10[%get3A_663, %get3A_664] {strides = array<i32>} : memref<208x128xf32, #tpu.memory_space<vmem>>, vector<16xf32>,
          %mul3A_666 = arith.mulf %get3A_665, %get3A_82 : vector<16xf32>
          %add3A_667 = arith.addf %add3A_662, %mul3A_666 : vector<16xf32>
          %get3A_668 = arith.index_cast %add3A_633 : i32 to index
          %get3A_669 = arith.constant 112 : index
          %get3A_670 = tpu.vector_load %arg10[%get3A_668, %get3A_669] {strides = array<i32>} : memref<208x128xf32, #tpu.memory_space<vmem>>, vector<16xf32>,
          %mul3A_671 = arith.mulf %get3A_670, %get3A_85 : vector<16xf32>
          %add3A_672 = arith.addf %add3A_667, %mul3A_671 : vector<16xf32>
          %mul3A_673 = arith.constant 16 : i32
          %mul3A_674 = vector.broadcast %mul3A_673 : i32 to vector<16xi32>
          %mul3A_675 = arith.muli %iota3A, %mul3A_674 : vector<16xi32>
          %add3A_676 = arith.constant 10 : i32
          %add3A_677 = vector.broadcast %add3A_676 : i32 to vector<16xi32>
          %add3A_678 = arith.addi %mul3A_675, %add3A_677 : vector<16xi32>
          tpu.vector_store_idx %arg13[%add3A_678], %add3A_672 : memref<256xf32, #tpu.memory_space<vmem>>[vector<16xi32>], vector<16xf32>,
          %mul3A_679 = arith.constant 16 : i32
          %mul3A_680 = arith.muli %add3A_139, %mul3A_679 : i32
          %add3A_681 = arith.constant 11 : i32
          %add3A_682 = arith.addi %mul3A_680, %add3A_681 : i32
          %get3A_683 = arith.index_cast %add3A_682 : i32 to index
          %get3A_684 = arith.constant 0 : index
          %get3A_685 = tpu.vector_load %arg10[%get3A_683, %get3A_684] {strides = array<i32>} : memref<208x128xf32, #tpu.memory_space<vmem>>, vector<16xf32>,
          %mul3A_686 = arith.mulf %get3A_685, %get3A_64 : vector<16xf32>
          %get3A_687 = arith.index_cast %add3A_682 : i32 to index
          %get3A_688 = arith.constant 16 : index
          %get3A_689 = tpu.vector_load %arg10[%get3A_687, %get3A_688] {strides = array<i32>} : memref<208x128xf32, #tpu.memory_space<vmem>>, vector<16xf32>,
          %mul3A_690 = arith.mulf %get3A_689, %get3A_67 : vector<16xf32>
          %add3A_691 = arith.addf %mul3A_686, %mul3A_690 : vector<16xf32>
          %get3A_692 = arith.index_cast %add3A_682 : i32 to index
          %get3A_693 = arith.constant 32 : index
          %get3A_694 = tpu.vector_load %arg10[%get3A_692, %get3A_693] {strides = array<i32>} : memref<208x128xf32, #tpu.memory_space<vmem>>, vector<16xf32>,
          %mul3A_695 = arith.mulf %get3A_694, %get3A_70 : vector<16xf32>
          %add3A_696 = arith.addf %add3A_691, %mul3A_695 : vector<16xf32>
          %get3A_697 = arith.index_cast %add3A_682 : i32 to index
          %get3A_698 = arith.constant 48 : index
          %get3A_699 = tpu.vector_load %arg10[%get3A_697, %get3A_698] {strides = array<i32>} : memref<208x128xf32, #tpu.memory_space<vmem>>, vector<16xf32>,
          %mul3A_700 = arith.mulf %get3A_699, %get3A_73 : vector<16xf32>
          %add3A_701 = arith.addf %add3A_696, %mul3A_700 : vector<16xf32>
          %get3A_702 = arith.index_cast %add3A_682 : i32 to index
          %get3A_703 = arith.constant 64 : index
          %get3A_704 = tpu.vector_load %arg10[%get3A_702, %get3A_703] {strides = array<i32>} : memref<208x128xf32, #tpu.memory_space<vmem>>, vector<16xf32>,
          %mul3A_705 = arith.mulf %get3A_704, %get3A_76 : vector<16xf32>
          %add3A_706 = arith.addf %add3A_701, %mul3A_705 : vector<16xf32>
          %get3A_707 = arith.index_cast %add3A_682 : i32 to index
          %get3A_708 = arith.constant 80 : index
          %get3A_709 = tpu.vector_load %arg10[%get3A_707, %get3A_708] {strides = array<i32>} : memref<208x128xf32, #tpu.memory_space<vmem>>, vector<16xf32>,
          %mul3A_710 = arith.mulf %get3A_709, %get3A_79 : vector<16xf32>
          %add3A_711 = arith.addf %add3A_706, %mul3A_710 : vector<16xf32>
          %get3A_712 = arith.index_cast %add3A_682 : i32 to index
          %get3A_713 = arith.constant 96 : index
          %get3A_714 = tpu.vector_load %arg10[%get3A_712, %get3A_713] {strides = array<i32>} : memref<208x128xf32, #tpu.memory_space<vmem>>, vector<16xf32>,
          %mul3A_715 = arith.mulf %get3A_714, %get3A_82 : vector<16xf32>
          %add3A_716 = arith.addf %add3A_711, %mul3A_715 : vector<16xf32>
          %get3A_717 = arith.index_cast %add3A_682 : i32 to index
          %get3A_718 = arith.constant 112 : index
          %get3A_719 = tpu.vector_load %arg10[%get3A_717, %get3A_718] {strides = array<i32>} : memref<208x128xf32, #tpu.memory_space<vmem>>, vector<16xf32>,
          %mul3A_720 = arith.mulf %get3A_719, %get3A_85 : vector<16xf32>
          %add3A_721 = arith.addf %add3A_716, %mul3A_720 : vector<16xf32>
          %mul3A_722 = arith.constant 16 : i32
          %mul3A_723 = vector.broadcast %mul3A_722 : i32 to vector<16xi32>
          %mul3A_724 = arith.muli %iota3A, %mul3A_723 : vector<16xi32>
          %add3A_725 = arith.constant 11 : i32
          %add3A_726 = vector.broadcast %add3A_725 : i32 to vector<16xi32>
          %add3A_727 = arith.addi %mul3A_724, %add3A_726 : vector<16xi32>
          tpu.vector_store_idx %arg13[%add3A_727], %add3A_721 : memref<256xf32, #tpu.memory_space<vmem>>[vector<16xi32>], vector<16xf32>,
          %mul3A_728 = arith.constant 16 : i32
          %mul3A_729 = arith.muli %add3A_139, %mul3A_728 : i32
          %add3A_730 = arith.constant 12 : i32
          %add3A_731 = arith.addi %mul3A_729, %add3A_730 : i32
          %get3A_732 = arith.index_cast %add3A_731 : i32 to index
          %get3A_733 = arith.constant 0 : index
          %get3A_734 = tpu.vector_load %arg10[%get3A_732, %get3A_733] {strides = array<i32>} : memref<208x128xf32, #tpu.memory_space<vmem>>, vector<16xf32>,
          %mul3A_735 = arith.mulf %get3A_734, %get3A_64 : vector<16xf32>
          %get3A_736 = arith.index_cast %add3A_731 : i32 to index
          %get3A_737 = arith.constant 16 : index
          %get3A_738 = tpu.vector_load %arg10[%get3A_736, %get3A_737] {strides = array<i32>} : memref<208x128xf32, #tpu.memory_space<vmem>>, vector<16xf32>,
          %mul3A_739 = arith.mulf %get3A_738, %get3A_67 : vector<16xf32>
          %add3A_740 = arith.addf %mul3A_735, %mul3A_739 : vector<16xf32>
          %get3A_741 = arith.index_cast %add3A_731 : i32 to index
          %get3A_742 = arith.constant 32 : index
          %get3A_743 = tpu.vector_load %arg10[%get3A_741, %get3A_742] {strides = array<i32>} : memref<208x128xf32, #tpu.memory_space<vmem>>, vector<16xf32>,
          %mul3A_744 = arith.mulf %get3A_743, %get3A_70 : vector<16xf32>
          %add3A_745 = arith.addf %add3A_740, %mul3A_744 : vector<16xf32>
          %get3A_746 = arith.index_cast %add3A_731 : i32 to index
          %get3A_747 = arith.constant 48 : index
          %get3A_748 = tpu.vector_load %arg10[%get3A_746, %get3A_747] {strides = array<i32>} : memref<208x128xf32, #tpu.memory_space<vmem>>, vector<16xf32>,
          %mul3A_749 = arith.mulf %get3A_748, %get3A_73 : vector<16xf32>
          %add3A_750 = arith.addf %add3A_745, %mul3A_749 : vector<16xf32>
          %get3A_751 = arith.index_cast %add3A_731 : i32 to index
          %get3A_752 = arith.constant 64 : index
          %get3A_753 = tpu.vector_load %arg10[%get3A_751, %get3A_752] {strides = array<i32>} : memref<208x128xf32, #tpu.memory_space<vmem>>, vector<16xf32>,
          %mul3A_754 = arith.mulf %get3A_753, %get3A_76 : vector<16xf32>
          %add3A_755 = arith.addf %add3A_750, %mul3A_754 : vector<16xf32>
          %get3A_756 = arith.index_cast %add3A_731 : i32 to index
          %get3A_757 = arith.constant 80 : index
          %get3A_758 = tpu.vector_load %arg10[%get3A_756, %get3A_757] {strides = array<i32>} : memref<208x128xf32, #tpu.memory_space<vmem>>, vector<16xf32>,
          %mul3A_759 = arith.mulf %get3A_758, %get3A_79 : vector<16xf32>
          %add3A_760 = arith.addf %add3A_755, %mul3A_759 : vector<16xf32>
          %get3A_761 = arith.index_cast %add3A_731 : i32 to index
          %get3A_762 = arith.constant 96 : index
          %get3A_763 = tpu.vector_load %arg10[%get3A_761, %get3A_762] {strides = array<i32>} : memref<208x128xf32, #tpu.memory_space<vmem>>, vector<16xf32>,
          %mul3A_764 = arith.mulf %get3A_763, %get3A_82 : vector<16xf32>
          %add3A_765 = arith.addf %add3A_760, %mul3A_764 : vector<16xf32>
          %get3A_766 = arith.index_cast %add3A_731 : i32 to index
          %get3A_767 = arith.constant 112 : index
          %get3A_768 = tpu.vector_load %arg10[%get3A_766, %get3A_767] {strides = array<i32>} : memref<208x128xf32, #tpu.memory_space<vmem>>, vector<16xf32>,
          %mul3A_769 = arith.mulf %get3A_768, %get3A_85 : vector<16xf32>
          %add3A_770 = arith.addf %add3A_765, %mul3A_769 : vector<16xf32>
          %mul3A_771 = arith.constant 16 : i32
          %mul3A_772 = vector.broadcast %mul3A_771 : i32 to vector<16xi32>
          %mul3A_773 = arith.muli %iota3A, %mul3A_772 : vector<16xi32>
          %add3A_774 = arith.constant 12 : i32
          %add3A_775 = vector.broadcast %add3A_774 : i32 to vector<16xi32>
          %add3A_776 = arith.addi %mul3A_773, %add3A_775 : vector<16xi32>
          tpu.vector_store_idx %arg13[%add3A_776], %add3A_770 : memref<256xf32, #tpu.memory_space<vmem>>[vector<16xi32>], vector<16xf32>,
          %mul3A_777 = arith.constant 16 : i32
          %mul3A_778 = arith.muli %add3A_139, %mul3A_777 : i32
          %add3A_779 = arith.constant 13 : i32
          %add3A_780 = arith.addi %mul3A_778, %add3A_779 : i32
          %get3A_781 = arith.index_cast %add3A_780 : i32 to index
          %get3A_782 = arith.constant 0 : index
          %get3A_783 = tpu.vector_load %arg10[%get3A_781, %get3A_782] {strides = array<i32>} : memref<208x128xf32, #tpu.memory_space<vmem>>, vector<16xf32>,
          %mul3A_784 = arith.mulf %get3A_783, %get3A_64 : vector<16xf32>
          %get3A_785 = arith.index_cast %add3A_780 : i32 to index
          %get3A_786 = arith.constant 16 : index
          %get3A_787 = tpu.vector_load %arg10[%get3A_785, %get3A_786] {strides = array<i32>} : memref<208x128xf32, #tpu.memory_space<vmem>>, vector<16xf32>,
          %mul3A_788 = arith.mulf %get3A_787, %get3A_67 : vector<16xf32>
          %add3A_789 = arith.addf %mul3A_784, %mul3A_788 : vector<16xf32>
          %get3A_790 = arith.index_cast %add3A_780 : i32 to index
          %get3A_791 = arith.constant 32 : index
          %get3A_792 = tpu.vector_load %arg10[%get3A_790, %get3A_791] {strides = array<i32>} : memref<208x128xf32, #tpu.memory_space<vmem>>, vector<16xf32>,
          %mul3A_793 = arith.mulf %get3A_792, %get3A_70 : vector<16xf32>
          %add3A_794 = arith.addf %add3A_789, %mul3A_793 : vector<16xf32>
          %get3A_795 = arith.index_cast %add3A_780 : i32 to index
          %get3A_796 = arith.constant 48 : index
          %get3A_797 = tpu.vector_load %arg10[%get3A_795, %get3A_796] {strides = array<i32>} : memref<208x128xf32, #tpu.memory_space<vmem>>, vector<16xf32>,
          %mul3A_798 = arith.mulf %get3A_797, %get3A_73 : vector<16xf32>
          %add3A_799 = arith.addf %add3A_794, %mul3A_798 : vector<16xf32>
          %get3A_800 = arith.index_cast %add3A_780 : i32 to index
          %get3A_801 = arith.constant 64 : index
          %get3A_802 = tpu.vector_load %arg10[%get3A_800, %get3A_801] {strides = array<i32>} : memref<208x128xf32, #tpu.memory_space<vmem>>, vector<16xf32>,
          %mul3A_803 = arith.mulf %get3A_802, %get3A_76 : vector<16xf32>
          %add3A_804 = arith.addf %add3A_799, %mul3A_803 : vector<16xf32>
          %get3A_805 = arith.index_cast %add3A_780 : i32 to index
          %get3A_806 = arith.constant 80 : index
          %get3A_807 = tpu.vector_load %arg10[%get3A_805, %get3A_806] {strides = array<i32>} : memref<208x128xf32, #tpu.memory_space<vmem>>, vector<16xf32>,
          %mul3A_808 = arith.mulf %get3A_807, %get3A_79 : vector<16xf32>
          %add3A_809 = arith.addf %add3A_804, %mul3A_808 : vector<16xf32>
          %get3A_810 = arith.index_cast %add3A_780 : i32 to index
          %get3A_811 = arith.constant 96 : index
          %get3A_812 = tpu.vector_load %arg10[%get3A_810, %get3A_811] {strides = array<i32>} : memref<208x128xf32, #tpu.memory_space<vmem>>, vector<16xf32>,
          %mul3A_813 = arith.mulf %get3A_812, %get3A_82 : vector<16xf32>
          %add3A_814 = arith.addf %add3A_809, %mul3A_813 : vector<16xf32>
          %get3A_815 = arith.index_cast %add3A_780 : i32 to index
          %get3A_816 = arith.constant 112 : index
          %get3A_817 = tpu.vector_load %arg10[%get3A_815, %get3A_816] {strides = array<i32>} : memref<208x128xf32, #tpu.memory_space<vmem>>, vector<16xf32>,
          %mul3A_818 = arith.mulf %get3A_817, %get3A_85 : vector<16xf32>
          %add3A_819 = arith.addf %add3A_814, %mul3A_818 : vector<16xf32>
          %mul3A_820 = arith.constant 16 : i32
          %mul3A_821 = vector.broadcast %mul3A_820 : i32 to vector<16xi32>
          %mul3A_822 = arith.muli %iota3A, %mul3A_821 : vector<16xi32>
          %add3A_823 = arith.constant 13 : i32
          %add3A_824 = vector.broadcast %add3A_823 : i32 to vector<16xi32>
          %add3A_825 = arith.addi %mul3A_822, %add3A_824 : vector<16xi32>
          tpu.vector_store_idx %arg13[%add3A_825], %add3A_819 : memref<256xf32, #tpu.memory_space<vmem>>[vector<16xi32>], vector<16xf32>,
          %mul3A_826 = arith.constant 16 : i32
          %mul3A_827 = arith.muli %add3A_139, %mul3A_826 : i32
          %add3A_828 = arith.constant 14 : i32
          %add3A_829 = arith.addi %mul3A_827, %add3A_828 : i32
          %get3A_830 = arith.index_cast %add3A_829 : i32 to index
          %get3A_831 = arith.constant 0 : index
          %get3A_832 = tpu.vector_load %arg10[%get3A_830, %get3A_831] {strides = array<i32>} : memref<208x128xf32, #tpu.memory_space<vmem>>, vector<16xf32>,
          %mul3A_833 = arith.mulf %get3A_832, %get3A_64 : vector<16xf32>
          %get3A_834 = arith.index_cast %add3A_829 : i32 to index
          %get3A_835 = arith.constant 16 : index
          %get3A_836 = tpu.vector_load %arg10[%get3A_834, %get3A_835] {strides = array<i32>} : memref<208x128xf32, #tpu.memory_space<vmem>>, vector<16xf32>,
          %mul3A_837 = arith.mulf %get3A_836, %get3A_67 : vector<16xf32>
          %add3A_838 = arith.addf %mul3A_833, %mul3A_837 : vector<16xf32>
          %get3A_839 = arith.index_cast %add3A_829 : i32 to index
          %get3A_840 = arith.constant 32 : index
          %get3A_841 = tpu.vector_load %arg10[%get3A_839, %get3A_840] {strides = array<i32>} : memref<208x128xf32, #tpu.memory_space<vmem>>, vector<16xf32>,
          %mul3A_842 = arith.mulf %get3A_841, %get3A_70 : vector<16xf32>
          %add3A_843 = arith.addf %add3A_838, %mul3A_842 : vector<16xf32>
          %get3A_844 = arith.index_cast %add3A_829 : i32 to index
          %get3A_845 = arith.constant 48 : index
          %get3A_846 = tpu.vector_load %arg10[%get3A_844, %get3A_845] {strides = array<i32>} : memref<208x128xf32, #tpu.memory_space<vmem>>, vector<16xf32>,
          %mul3A_847 = arith.mulf %get3A_846, %get3A_73 : vector<16xf32>
          %add3A_848 = arith.addf %add3A_843, %mul3A_847 : vector<16xf32>
          %get3A_849 = arith.index_cast %add3A_829 : i32 to index
          %get3A_850 = arith.constant 64 : index
          %get3A_851 = tpu.vector_load %arg10[%get3A_849, %get3A_850] {strides = array<i32>} : memref<208x128xf32, #tpu.memory_space<vmem>>, vector<16xf32>,
          %mul3A_852 = arith.mulf %get3A_851, %get3A_76 : vector<16xf32>
          %add3A_853 = arith.addf %add3A_848, %mul3A_852 : vector<16xf32>
          %get3A_854 = arith.index_cast %add3A_829 : i32 to index
          %get3A_855 = arith.constant 80 : index
          %get3A_856 = tpu.vector_load %arg10[%get3A_854, %get3A_855] {strides = array<i32>} : memref<208x128xf32, #tpu.memory_space<vmem>>, vector<16xf32>,
          %mul3A_857 = arith.mulf %get3A_856, %get3A_79 : vector<16xf32>
          %add3A_858 = arith.addf %add3A_853, %mul3A_857 : vector<16xf32>
          %get3A_859 = arith.index_cast %add3A_829 : i32 to index
          %get3A_860 = arith.constant 96 : index
          %get3A_861 = tpu.vector_load %arg10[%get3A_859, %get3A_860] {strides = array<i32>} : memref<208x128xf32, #tpu.memory_space<vmem>>, vector<16xf32>,
          %mul3A_862 = arith.mulf %get3A_861, %get3A_82 : vector<16xf32>
          %add3A_863 = arith.addf %add3A_858, %mul3A_862 : vector<16xf32>
          %get3A_864 = arith.index_cast %add3A_829 : i32 to index
          %get3A_865 = arith.constant 112 : index
          %get3A_866 = tpu.vector_load %arg10[%get3A_864, %get3A_865] {strides = array<i32>} : memref<208x128xf32, #tpu.memory_space<vmem>>, vector<16xf32>,
          %mul3A_867 = arith.mulf %get3A_866, %get3A_85 : vector<16xf32>
          %add3A_868 = arith.addf %add3A_863, %mul3A_867 : vector<16xf32>
          %mul3A_869 = arith.constant 16 : i32
          %mul3A_870 = vector.broadcast %mul3A_869 : i32 to vector<16xi32>
          %mul3A_871 = arith.muli %iota3A, %mul3A_870 : vector<16xi32>
          %add3A_872 = arith.constant 14 : i32
          %add3A_873 = vector.broadcast %add3A_872 : i32 to vector<16xi32>
          %add3A_874 = arith.addi %mul3A_871, %add3A_873 : vector<16xi32>
          tpu.vector_store_idx %arg13[%add3A_874], %add3A_868 : memref<256xf32, #tpu.memory_space<vmem>>[vector<16xi32>], vector<16xf32>,
          %mul3A_875 = arith.constant 16 : i32
          %mul3A_876 = arith.muli %add3A_139, %mul3A_875 : i32
          %add3A_877 = arith.constant 15 : i32
          %add3A_878 = arith.addi %mul3A_876, %add3A_877 : i32
          %get3A_879 = arith.index_cast %add3A_878 : i32 to index
          %get3A_880 = arith.constant 0 : index
          %get3A_881 = tpu.vector_load %arg10[%get3A_879, %get3A_880] {strides = array<i32>} : memref<208x128xf32, #tpu.memory_space<vmem>>, vector<16xf32>,
          %mul3A_882 = arith.mulf %get3A_881, %get3A_64 : vector<16xf32>
          %get3A_883 = arith.index_cast %add3A_878 : i32 to index
          %get3A_884 = arith.constant 16 : index
          %get3A_885 = tpu.vector_load %arg10[%get3A_883, %get3A_884] {strides = array<i32>} : memref<208x128xf32, #tpu.memory_space<vmem>>, vector<16xf32>,
          %mul3A_886 = arith.mulf %get3A_885, %get3A_67 : vector<16xf32>
          %add3A_887 = arith.addf %mul3A_882, %mul3A_886 : vector<16xf32>
          %get3A_888 = arith.index_cast %add3A_878 : i32 to index
          %get3A_889 = arith.constant 32 : index
          %get3A_890 = tpu.vector_load %arg10[%get3A_888, %get3A_889] {strides = array<i32>} : memref<208x128xf32, #tpu.memory_space<vmem>>, vector<16xf32>,
          %mul3A_891 = arith.mulf %get3A_890, %get3A_70 : vector<16xf32>
          %add3A_892 = arith.addf %add3A_887, %mul3A_891 : vector<16xf32>
          %get3A_893 = arith.index_cast %add3A_878 : i32 to index
          %get3A_894 = arith.constant 48 : index
          %get3A_895 = tpu.vector_load %arg10[%get3A_893, %get3A_894] {strides = array<i32>} : memref<208x128xf32, #tpu.memory_space<vmem>>, vector<16xf32>,
          %mul3A_896 = arith.mulf %get3A_895, %get3A_73 : vector<16xf32>
          %add3A_897 = arith.addf %add3A_892, %mul3A_896 : vector<16xf32>
          %get3A_898 = arith.index_cast %add3A_878 : i32 to index
          %get3A_899 = arith.constant 64 : index
          %get3A_900 = tpu.vector_load %arg10[%get3A_898, %get3A_899] {strides = array<i32>} : memref<208x128xf32, #tpu.memory_space<vmem>>, vector<16xf32>,
          %mul3A_901 = arith.mulf %get3A_900, %get3A_76 : vector<16xf32>
          %add3A_902 = arith.addf %add3A_897, %mul3A_901 : vector<16xf32>
          %get3A_903 = arith.index_cast %add3A_878 : i32 to index
          %get3A_904 = arith.constant 80 : index
          %get3A_905 = tpu.vector_load %arg10[%get3A_903, %get3A_904] {strides = array<i32>} : memref<208x128xf32, #tpu.memory_space<vmem>>, vector<16xf32>,
          %mul3A_906 = arith.mulf %get3A_905, %get3A_79 : vector<16xf32>
          %add3A_907 = arith.addf %add3A_902, %mul3A_906 : vector<16xf32>
          %get3A_908 = arith.index_cast %add3A_878 : i32 to index
          %get3A_909 = arith.constant 96 : index
          %get3A_910 = tpu.vector_load %arg10[%get3A_908, %get3A_909] {strides = array<i32>} : memref<208x128xf32, #tpu.memory_space<vmem>>, vector<16xf32>,
          %mul3A_911 = arith.mulf %get3A_910, %get3A_82 : vector<16xf32>
          %add3A_912 = arith.addf %add3A_907, %mul3A_911 : vector<16xf32>
          %get3A_913 = arith.index_cast %add3A_878 : i32 to index
          %get3A_914 = arith.constant 112 : index
          %get3A_915 = tpu.vector_load %arg10[%get3A_913, %get3A_914] {strides = array<i32>} : memref<208x128xf32, #tpu.memory_space<vmem>>, vector<16xf32>,
          %mul3A_916 = arith.mulf %get3A_915, %get3A_85 : vector<16xf32>
          %add3A_917 = arith.addf %add3A_912, %mul3A_916 : vector<16xf32>
          %mul3A_918 = arith.constant 16 : i32
          %mul3A_919 = vector.broadcast %mul3A_918 : i32 to vector<16xi32>
          %mul3A_920 = arith.muli %iota3A, %mul3A_919 : vector<16xi32>
          %add3A_921 = arith.constant 15 : i32
          %add3A_922 = vector.broadcast %add3A_921 : i32 to vector<16xi32>
          %add3A_923 = arith.addi %mul3A_920, %add3A_922 : vector<16xi32>
          tpu.vector_store_idx %arg13[%add3A_923], %add3A_917 : memref<256xf32, #tpu.memory_space<vmem>>[vector<16xi32>], vector<16xf32>,
          %get3A_924 = arith.constant 0 : index
          %get3A_925 = tpu.vector_load %arg13[%get3A_924] {strides = array<i32>} : memref<256xf32, #tpu.memory_space<vmem>>, vector<16xf32>,
          %get3A_926 = arith.constant 16 : index
          %get3A_927 = tpu.vector_load %arg13[%get3A_926] {strides = array<i32>} : memref<256xf32, #tpu.memory_space<vmem>>, vector<16xf32>,
          %add3A_928 = arith.addf %get3A_925, %get3A_927 : vector<16xf32>
          %get3A_929 = arith.constant 32 : index
          %get3A_930 = tpu.vector_load %arg13[%get3A_929] {strides = array<i32>} : memref<256xf32, #tpu.memory_space<vmem>>, vector<16xf32>,
          %add3A_931 = arith.addf %add3A_928, %get3A_930 : vector<16xf32>
          %get3A_932 = arith.constant 48 : index
          %get3A_933 = tpu.vector_load %arg13[%get3A_932] {strides = array<i32>} : memref<256xf32, #tpu.memory_space<vmem>>, vector<16xf32>,
          %add3A_934 = arith.addf %add3A_931, %get3A_933 : vector<16xf32>
          %get3A_935 = arith.constant 64 : index
          %get3A_936 = tpu.vector_load %arg13[%get3A_935] {strides = array<i32>} : memref<256xf32, #tpu.memory_space<vmem>>, vector<16xf32>,
          %add3A_937 = arith.addf %add3A_934, %get3A_936 : vector<16xf32>
          %get3A_938 = arith.constant 80 : index
          %get3A_939 = tpu.vector_load %arg13[%get3A_938] {strides = array<i32>} : memref<256xf32, #tpu.memory_space<vmem>>, vector<16xf32>,
          %add3A_940 = arith.addf %add3A_937, %get3A_939 : vector<16xf32>
          %get3A_941 = arith.constant 96 : index
          %get3A_942 = tpu.vector_load %arg13[%get3A_941] {strides = array<i32>} : memref<256xf32, #tpu.memory_space<vmem>>, vector<16xf32>,
          %add3A_943 = arith.addf %add3A_940, %get3A_942 : vector<16xf32>
          %get3A_944 = arith.constant 112 : index
          %get3A_945 = tpu.vector_load %arg13[%get3A_944] {strides = array<i32>} : memref<256xf32, #tpu.memory_space<vmem>>, vector<16xf32>,
          %add3A_946 = arith.addf %add3A_943, %get3A_945 : vector<16xf32>
          %get3A_947 = arith.constant 128 : index
          %get3A_948 = tpu.vector_load %arg13[%get3A_947] {strides = array<i32>} : memref<256xf32, #tpu.memory_space<vmem>>, vector<16xf32>,
          %add3A_949 = arith.addf %add3A_946, %get3A_948 : vector<16xf32>
          %get3A_950 = arith.constant 144 : index
          %get3A_951 = tpu.vector_load %arg13[%get3A_950] {strides = array<i32>} : memref<256xf32, #tpu.memory_space<vmem>>, vector<16xf32>,
          %add3A_952 = arith.addf %add3A_949, %get3A_951 : vector<16xf32>
          %get3A_953 = arith.constant 160 : index
          %get3A_954 = tpu.vector_load %arg13[%get3A_953] {strides = array<i32>} : memref<256xf32, #tpu.memory_space<vmem>>, vector<16xf32>,
          %add3A_955 = arith.addf %add3A_952, %get3A_954 : vector<16xf32>
          %get3A_956 = arith.constant 176 : index
          %get3A_957 = tpu.vector_load %arg13[%get3A_956] {strides = array<i32>} : memref<256xf32, #tpu.memory_space<vmem>>, vector<16xf32>,
          %add3A_958 = arith.addf %add3A_955, %get3A_957 : vector<16xf32>
          %get3A_959 = arith.constant 192 : index
          %get3A_960 = tpu.vector_load %arg13[%get3A_959] {strides = array<i32>} : memref<256xf32, #tpu.memory_space<vmem>>, vector<16xf32>,
          %add3A_961 = arith.addf %add3A_958, %get3A_960 : vector<16xf32>
          %get3A_962 = arith.constant 208 : index
          %get3A_963 = tpu.vector_load %arg13[%get3A_962] {strides = array<i32>} : memref<256xf32, #tpu.memory_space<vmem>>, vector<16xf32>,
          %add3A_964 = arith.addf %add3A_961, %get3A_963 : vector<16xf32>
          %get3A_965 = arith.constant 224 : index
          %get3A_966 = tpu.vector_load %arg13[%get3A_965] {strides = array<i32>} : memref<256xf32, #tpu.memory_space<vmem>>, vector<16xf32>,
          %add3A_967 = arith.addf %add3A_964, %get3A_966 : vector<16xf32>
          %get3A_968 = arith.constant 240 : index
          %get3A_969 = tpu.vector_load %arg13[%get3A_968] {strides = array<i32>} : memref<256xf32, #tpu.memory_space<vmem>>, vector<16xf32>,
          %add3A_970 = arith.addf %add3A_967, %get3A_969 : vector<16xf32>
          %mul3A_971 = arith.constant 16 : i32
          %mul3A_972 = arith.muli %add3A_139, %mul3A_971 : i32
          %swap3A = arith.index_cast %add3A_52 : i32 to index
          %swap3A_973 = arith.index_cast %mul3A_972 : i32 to index
          %swap3A_974 = tpu.vector_load %arg12[%swap3A, %swap3A_973] {strides = array<i32>} : memref<64x208xf32, #tpu.memory_space<vmem>>, vector<16xf32>,
          tpu.vector_store %arg12[%swap3A, %swap3A_973], %add3A_970 {strides = array<i32>} : memref<64x208xf32, #tpu.memory_space<vmem>>, vector<16xf32>,
        }
        %scan3A_90 = arith.constant 13 : i32
        %add3A_91 = arith.constant 1 : i32
        %add3A_92 = arith.addi %add3A_50, %add3A_91 : i32
        %dma_wait3A_93 = arith.constant 0 : i32
        %dma_wait3A_94 = arith.constant 0 : i32
        %dma_wait3A_95 = tpu.memref_slice %arg5[%dma_wait3A_93, %dma_wait3A_94] : memref<100000x128xf32, #tpu.memory_space<hbm>> -> memref<208x128xf32, #tpu.memory_space<hbm>>
        %dma_wait3A_96 = arith.constant 0 : i32
        %dma_wait3A_97 = arith.constant 0 : i32
        %dma_wait3A_98 = tpu.memref_slice %arg5[%dma_wait3A_96, %dma_wait3A_97] : memref<100000x128xf32, #tpu.memory_space<hbm>> -> memref<208x128xf32, #tpu.memory_space<hbm>>
        tpu.wait_dma2 semaphore(%arg15 : memref<!tpu.dma_semaphore, #tpu.memory_space<semaphore_mem>>) src(%dma_wait3A_98 : memref<208x128xf32, #tpu.memory_space<hbm>>) dst(%arg11 : memref<208x128xf32, #tpu.memory_space<vmem>>)
        %add3A_99 = arith.constant 1 : i32
        %add3A_100 = arith.addi %add3A_92, %add3A_99 : i32
        %lt3A_101 = arith.constant 64 : i32
        %lt3A_102 = arith.cmpi slt, %add3A_100, %lt3A_101 : i32
        %convert_element_type3A_103 = arith.extui %lt3A_102 : i1 to i32
        %cond3A_104 = arith.constant 0 : i32
        %cond3A_105 = arith.cmpi ne, %convert_element_type3A_103, %cond3A_104 : i32
        scf.if %cond3A_105 {
          %add3A_135 = arith.constant 1 : i32
          %add3A_136 = arith.addi %add3A_92, %add3A_135 : i32
          %dma_start3A_137 = arith.constant 0 : i32
          %dma_start3A_138 = arith.constant 0 : i32
          %dma_start3A_139 = arith.constant 0 : i32
          %dma_start3A_140 = tpu.memref_slice %arg10[%dma_start3A_138, %dma_start3A_139] : memref<208x128xf32, #tpu.memory_space<vmem>> -> memref<104x128xf32, #tpu.memory_space<vmem>>
          %dma_start3A_141 = arith.constant 0 : i32
          %dma_start3A_142 = tpu.memref_slice %arg7[%add3A_136, %dma_start3A_137, %dma_start3A_141] : memref<64x2x104xi32, #tpu.memory_space<vmem>> -> memref<1x1x104xi32, #tpu.memory_space<vmem>>
          %dma_start3A_143 = tpu.memref_squeeze %dma_start3A_142 : memref<1x1x104xi32, #tpu.memory_space<vmem>> -> memref<104xi32, #tpu.memory_space<vmem>>
          %dma_start3A_144 = arith.constant 0 : i32
          %dma_start3A_145 = arith.constant 0 : i32
          %dma_start3A_146 = tpu.memref_slice %arg5[%dma_start3A_144, %dma_start3A_145] : memref<100000x128xf32, #tpu.memory_space<hbm>> -> memref<100000x128xf32, #tpu.memory_space<hbm>>
          tpu.enqueue_indirect_dma source(%dma_start3A_146 : memref<100000x128xf32, #tpu.memory_space<hbm>>) target(%dma_start3A_140 : memref<104x128xf32, #tpu.memory_space<vmem>>) offsets(%dma_start3A_143 : memref<104xi32, #tpu.memory_space<vmem>>) semaphore(%arg14 : memref<!tpu.dma_semaphore, #tpu.memory_space<semaphore_mem>>)
          %dma_start3A_147 = arith.constant 1 : i32
          %dma_start3A_148 = arith.constant 104 : i32
          %dma_start3A_149 = arith.constant 0 : i32
          %dma_start3A_150 = tpu.memref_slice %arg10[%dma_start3A_148, %dma_start3A_149] : memref<208x128xf32, #tpu.memory_space<vmem>> -> memref<104x128xf32, #tpu.memory_space<vmem>>
          %dma_start3A_151 = arith.constant 0 : i32
          %dma_start3A_152 = tpu.memref_slice %arg7[%add3A_136, %dma_start3A_147, %dma_start3A_151] : memref<64x2x104xi32, #tpu.memory_space<vmem>> -> memref<1x1x104xi32, #tpu.memory_space<vmem>>
          %dma_start3A_153 = tpu.memref_squeeze %dma_start3A_152 : memref<1x1x104xi32, #tpu.memory_space<vmem>> -> memref<104xi32, #tpu.memory_space<vmem>>
          %dma_start3A_154 = arith.constant 0 : i32
          %dma_start3A_155 = arith.constant 0 : i32
          %dma_start3A_156 = tpu.memref_slice %arg5[%dma_start3A_154, %dma_start3A_155] : memref<100000x128xf32, #tpu.memory_space<hbm>> -> memref<100000x128xf32, #tpu.memory_space<hbm>>
          tpu.enqueue_indirect_dma source(%dma_start3A_156 : memref<100000x128xf32, #tpu.memory_space<hbm>>) target(%dma_start3A_150 : memref<104x128xf32, #tpu.memory_space<vmem>>) offsets(%dma_start3A_153 : memref<104xi32, #tpu.memory_space<vmem>>) semaphore(%arg14 : memref<!tpu.dma_semaphore, #tpu.memory_space<semaphore_mem>>)
        } else {
        }
        %get3A_106 = arith.index_cast %add3A_92 : i32 to index
        %get3A_107 = arith.constant 0 : index
        %get3A_108 = tpu.vector_load %arg9[%get3A_106, %get3A_107] {strides = array<i32>} : memref<64x128xf32, #tpu.memory_space<vmem>>, vector<16xf32>,
        %get3A_109 = arith.index_cast %add3A_92 : i32 to index
        %get3A_110 = arith.constant 16 : index
        %get3A_111 = tpu.vector_load %arg9[%get3A_109, %get3A_110] {strides = array<i32>} : memref<64x128xf32, #tpu.memory_space<vmem>>, vector<16xf32>,
        %get3A_112 = arith.index_cast %add3A_92 : i32 to index
        %get3A_113 = arith.constant 32 : index
        %get3A_114 = tpu.vector_load %arg9[%get3A_112, %get3A_113] {strides = array<i32>} : memref<64x128xf32, #tpu.memory_space<vmem>>, vector<16xf32>,
        %get3A_115 = arith.index_cast %add3A_92 : i32 to index
        %get3A_116 = arith.constant 48 : index
        %get3A_117 = tpu.vector_load %arg9[%get3A_115, %get3A_116] {strides = array<i32>} : memref<64x128xf32, #tpu.memory_space<vmem>>, vector<16xf32>,
        %get3A_118 = arith.index_cast %add3A_92 : i32 to index
        %get3A_119 = arith.constant 64 : index
        %get3A_120 = tpu.vector_load %arg9[%get3A_118, %get3A_119] {strides = array<i32>} : memref<64x128xf32, #tpu.memory_space<vmem>>, vector<16xf32>,
        %get3A_121 = arith.index_cast %add3A_92 : i32 to index
        %get3A_122 = arith.constant 80 : index
        %get3A_123 = tpu.vector_load %arg9[%get3A_121, %get3A_122] {strides = array<i32>} : memref<64x128xf32, #tpu.memory_space<vmem>>, vector<16xf32>,
        %get3A_124 = arith.index_cast %add3A_92 : i32 to index
        %get3A_125 = arith.constant 96 : index
        %get3A_126 = tpu.vector_load %arg9[%get3A_124, %get3A_125] {strides = array<i32>} : memref<64x128xf32, #tpu.memory_space<vmem>>, vector<16xf32>,
        %get3A_127 = arith.index_cast %add3A_92 : i32 to index
        %get3A_128 = arith.constant 112 : index
        %get3A_129 = tpu.vector_load %arg9[%get3A_127, %get3A_128] {strides = array<i32>} : memref<64x128xf32, #tpu.memory_space<vmem>>, vector<16xf32>,
        %scan3A_130 = arith.constant 0 : i32
        %scan3A_131 = arith.constant 13 : i32
        %scan3A_132 = arith.addi %scan3A_130, %scan3A_131 : i32
        %scan3A_133 = arith.constant 1 : i32
        scf.for %scan3A_135 = %scan3A_130 to %scan3A_132 step %scan3A_133  : i32 {
          %mul3A_136 = arith.constant 1 : i32
          %mul3A_137 = arith.muli %scan3A_135, %mul3A_136 : i32
          %add3A_138 = arith.constant 0 : i32
          %add3A_139 = arith.addi %add3A_138, %mul3A_137 : i32
          %mul3A_140 = arith.constant 16 : i32
          %mul3A_141 = arith.muli %add3A_139, %mul3A_140 : i32
          %add3A_142 = arith.constant 0 : i32
          %add3A_143 = arith.addi %mul3A_141, %add3A_142 : i32
          %get3A_144 = arith.index_cast %add3A_143 : i32 to index
          %get3A_145 = arith.constant 0 : index
          %get3A_146 = tpu.vector_load %arg11[%get3A_144, %get3A_145] {strides = array<i32>} : memref<208x128xf32, #tpu.memory_space<vmem>>, vector<16xf32>,
          %mul3A_147 = arith.mulf %get3A_146, %get3A_108 : vector<16xf32>
          %get3A_148 = arith.index_cast %add3A_143 : i32 to index
          %get3A_149 = arith.constant 16 : index
          %get3A_150 = tpu.vector_load %arg11[%get3A_148, %get3A_149] {strides = array<i32>} : memref<208x128xf32, #tpu.memory_space<vmem>>, vector<16xf32>,
          %mul3A_151 = arith.mulf %get3A_150, %get3A_111 : vector<16xf32>
          %add3A_152 = arith.addf %mul3A_147, %mul3A_151 : vector<16xf32>
          %get3A_153 = arith.index_cast %add3A_143 : i32 to index
          %get3A_154 = arith.constant 32 : index
          %get3A_155 = tpu.vector_load %arg11[%get3A_153, %get3A_154] {strides = array<i32>} : memref<208x128xf32, #tpu.memory_space<vmem>>, vector<16xf32>,
          %mul3A_156 = arith.mulf %get3A_155, %get3A_114 : vector<16xf32>
          %add3A_157 = arith.addf %add3A_152, %mul3A_156 : vector<16xf32>
          %get3A_158 = arith.index_cast %add3A_143 : i32 to index
          %get3A_159 = arith.constant 48 : index
          %get3A_160 = tpu.vector_load %arg11[%get3A_158, %get3A_159] {strides = array<i32>} : memref<208x128xf32, #tpu.memory_space<vmem>>, vector<16xf32>,
          %mul3A_161 = arith.mulf %get3A_160, %get3A_117 : vector<16xf32>
          %add3A_162 = arith.addf %add3A_157, %mul3A_161 : vector<16xf32>
          %get3A_163 = arith.index_cast %add3A_143 : i32 to index
          %get3A_164 = arith.constant 64 : index
          %get3A_165 = tpu.vector_load %arg11[%get3A_163, %get3A_164] {strides = array<i32>} : memref<208x128xf32, #tpu.memory_space<vmem>>, vector<16xf32>,
          %mul3A_166 = arith.mulf %get3A_165, %get3A_120 : vector<16xf32>
          %add3A_167 = arith.addf %add3A_162, %mul3A_166 : vector<16xf32>
          %get3A_168 = arith.index_cast %add3A_143 : i32 to index
          %get3A_169 = arith.constant 80 : index
          %get3A_170 = tpu.vector_load %arg11[%get3A_168, %get3A_169] {strides = array<i32>} : memref<208x128xf32, #tpu.memory_space<vmem>>, vector<16xf32>,
          %mul3A_171 = arith.mulf %get3A_170, %get3A_123 : vector<16xf32>
          %add3A_172 = arith.addf %add3A_167, %mul3A_171 : vector<16xf32>
          %get3A_173 = arith.index_cast %add3A_143 : i32 to index
          %get3A_174 = arith.constant 96 : index
          %get3A_175 = tpu.vector_load %arg11[%get3A_173, %get3A_174] {strides = array<i32>} : memref<208x128xf32, #tpu.memory_space<vmem>>, vector<16xf32>,
          %mul3A_176 = arith.mulf %get3A_175, %get3A_126 : vector<16xf32>
          %add3A_177 = arith.addf %add3A_172, %mul3A_176 : vector<16xf32>
          %get3A_178 = arith.index_cast %add3A_143 : i32 to index
          %get3A_179 = arith.constant 112 : index
          %get3A_180 = tpu.vector_load %arg11[%get3A_178, %get3A_179] {strides = array<i32>} : memref<208x128xf32, #tpu.memory_space<vmem>>, vector<16xf32>,
          %mul3A_181 = arith.mulf %get3A_180, %get3A_129 : vector<16xf32>
          %add3A_182 = arith.addf %add3A_177, %mul3A_181 : vector<16xf32>
          %mul3A_183 = arith.constant 16 : i32
          %mul3A_184 = vector.broadcast %mul3A_183 : i32 to vector<16xi32>
          %mul3A_185 = arith.muli %iota3A, %mul3A_184 : vector<16xi32>
          %add3A_186 = arith.constant 0 : i32
          %add3A_187 = vector.broadcast %add3A_186 : i32 to vector<16xi32>
          %add3A_188 = arith.addi %mul3A_185, %add3A_187 : vector<16xi32>
          tpu.vector_store_idx %arg13[%add3A_188], %add3A_182 : memref<256xf32, #tpu.memory_space<vmem>>[vector<16xi32>], vector<16xf32>,
          %mul3A_189 = arith.constant 16 : i32
          %mul3A_190 = arith.muli %add3A_139, %mul3A_189 : i32
          %add3A_191 = arith.constant 1 : i32
          %add3A_192 = arith.addi %mul3A_190, %add3A_191 : i32
          %get3A_193 = arith.index_cast %add3A_192 : i32 to index
          %get3A_194 = arith.constant 0 : index
          %get3A_195 = tpu.vector_load %arg11[%get3A_193, %get3A_194] {strides = array<i32>} : memref<208x128xf32, #tpu.memory_space<vmem>>, vector<16xf32>,
          %mul3A_196 = arith.mulf %get3A_195, %get3A_108 : vector<16xf32>
          %get3A_197 = arith.index_cast %add3A_192 : i32 to index
          %get3A_198 = arith.constant 16 : index
          %get3A_199 = tpu.vector_load %arg11[%get3A_197, %get3A_198] {strides = array<i32>} : memref<208x128xf32, #tpu.memory_space<vmem>>, vector<16xf32>,
          %mul3A_200 = arith.mulf %get3A_199, %get3A_111 : vector<16xf32>
          %add3A_201 = arith.addf %mul3A_196, %mul3A_200 : vector<16xf32>
          %get3A_202 = arith.index_cast %add3A_192 : i32 to index
          %get3A_203 = arith.constant 32 : index
          %get3A_204 = tpu.vector_load %arg11[%get3A_202, %get3A_203] {strides = array<i32>} : memref<208x128xf32, #tpu.memory_space<vmem>>, vector<16xf32>,
          %mul3A_205 = arith.mulf %get3A_204, %get3A_114 : vector<16xf32>
          %add3A_206 = arith.addf %add3A_201, %mul3A_205 : vector<16xf32>
          %get3A_207 = arith.index_cast %add3A_192 : i32 to index
          %get3A_208 = arith.constant 48 : index
          %get3A_209 = tpu.vector_load %arg11[%get3A_207, %get3A_208] {strides = array<i32>} : memref<208x128xf32, #tpu.memory_space<vmem>>, vector<16xf32>,
          %mul3A_210 = arith.mulf %get3A_209, %get3A_117 : vector<16xf32>
          %add3A_211 = arith.addf %add3A_206, %mul3A_210 : vector<16xf32>
          %get3A_212 = arith.index_cast %add3A_192 : i32 to index
          %get3A_213 = arith.constant 64 : index
          %get3A_214 = tpu.vector_load %arg11[%get3A_212, %get3A_213] {strides = array<i32>} : memref<208x128xf32, #tpu.memory_space<vmem>>, vector<16xf32>,
          %mul3A_215 = arith.mulf %get3A_214, %get3A_120 : vector<16xf32>
          %add3A_216 = arith.addf %add3A_211, %mul3A_215 : vector<16xf32>
          %get3A_217 = arith.index_cast %add3A_192 : i32 to index
          %get3A_218 = arith.constant 80 : index
          %get3A_219 = tpu.vector_load %arg11[%get3A_217, %get3A_218] {strides = array<i32>} : memref<208x128xf32, #tpu.memory_space<vmem>>, vector<16xf32>,
          %mul3A_220 = arith.mulf %get3A_219, %get3A_123 : vector<16xf32>
          %add3A_221 = arith.addf %add3A_216, %mul3A_220 : vector<16xf32>
          %get3A_222 = arith.index_cast %add3A_192 : i32 to index
          %get3A_223 = arith.constant 96 : index
          %get3A_224 = tpu.vector_load %arg11[%get3A_222, %get3A_223] {strides = array<i32>} : memref<208x128xf32, #tpu.memory_space<vmem>>, vector<16xf32>,
          %mul3A_225 = arith.mulf %get3A_224, %get3A_126 : vector<16xf32>
          %add3A_226 = arith.addf %add3A_221, %mul3A_225 : vector<16xf32>
          %get3A_227 = arith.index_cast %add3A_192 : i32 to index
          %get3A_228 = arith.constant 112 : index
          %get3A_229 = tpu.vector_load %arg11[%get3A_227, %get3A_228] {strides = array<i32>} : memref<208x128xf32, #tpu.memory_space<vmem>>, vector<16xf32>,
          %mul3A_230 = arith.mulf %get3A_229, %get3A_129 : vector<16xf32>
          %add3A_231 = arith.addf %add3A_226, %mul3A_230 : vector<16xf32>
          %mul3A_232 = arith.constant 16 : i32
          %mul3A_233 = vector.broadcast %mul3A_232 : i32 to vector<16xi32>
          %mul3A_234 = arith.muli %iota3A, %mul3A_233 : vector<16xi32>
          %add3A_235 = arith.constant 1 : i32
          %add3A_236 = vector.broadcast %add3A_235 : i32 to vector<16xi32>
          %add3A_237 = arith.addi %mul3A_234, %add3A_236 : vector<16xi32>
          tpu.vector_store_idx %arg13[%add3A_237], %add3A_231 : memref<256xf32, #tpu.memory_space<vmem>>[vector<16xi32>], vector<16xf32>,
          %mul3A_238 = arith.constant 16 : i32
          %mul3A_239 = arith.muli %add3A_139, %mul3A_238 : i32
          %add3A_240 = arith.constant 2 : i32
          %add3A_241 = arith.addi %mul3A_239, %add3A_240 : i32
          %get3A_242 = arith.index_cast %add3A_241 : i32 to index
          %get3A_243 = arith.constant 0 : index
          %get3A_244 = tpu.vector_load %arg11[%get3A_242, %get3A_243] {strides = array<i32>} : memref<208x128xf32, #tpu.memory_space<vmem>>, vector<16xf32>,
          %mul3A_245 = arith.mulf %get3A_244, %get3A_108 : vector<16xf32>
          %get3A_246 = arith.index_cast %add3A_241 : i32 to index
          %get3A_247 = arith.constant 16 : index
          %get3A_248 = tpu.vector_load %arg11[%get3A_246, %get3A_247] {strides = array<i32>} : memref<208x128xf32, #tpu.memory_space<vmem>>, vector<16xf32>,
          %mul3A_249 = arith.mulf %get3A_248, %get3A_111 : vector<16xf32>
          %add3A_250 = arith.addf %mul3A_245, %mul3A_249 : vector<16xf32>
          %get3A_251 = arith.index_cast %add3A_241 : i32 to index
          %get3A_252 = arith.constant 32 : index
          %get3A_253 = tpu.vector_load %arg11[%get3A_251, %get3A_252] {strides = array<i32>} : memref<208x128xf32, #tpu.memory_space<vmem>>, vector<16xf32>,
          %mul3A_254 = arith.mulf %get3A_253, %get3A_114 : vector<16xf32>
          %add3A_255 = arith.addf %add3A_250, %mul3A_254 : vector<16xf32>
          %get3A_256 = arith.index_cast %add3A_241 : i32 to index
          %get3A_257 = arith.constant 48 : index
          %get3A_258 = tpu.vector_load %arg11[%get3A_256, %get3A_257] {strides = array<i32>} : memref<208x128xf32, #tpu.memory_space<vmem>>, vector<16xf32>,
          %mul3A_259 = arith.mulf %get3A_258, %get3A_117 : vector<16xf32>
          %add3A_260 = arith.addf %add3A_255, %mul3A_259 : vector<16xf32>
          %get3A_261 = arith.index_cast %add3A_241 : i32 to index
          %get3A_262 = arith.constant 64 : index
          %get3A_263 = tpu.vector_load %arg11[%get3A_261, %get3A_262] {strides = array<i32>} : memref<208x128xf32, #tpu.memory_space<vmem>>, vector<16xf32>,
          %mul3A_264 = arith.mulf %get3A_263, %get3A_120 : vector<16xf32>
          %add3A_265 = arith.addf %add3A_260, %mul3A_264 : vector<16xf32>
          %get3A_266 = arith.index_cast %add3A_241 : i32 to index
          %get3A_267 = arith.constant 80 : index
          %get3A_268 = tpu.vector_load %arg11[%get3A_266, %get3A_267] {strides = array<i32>} : memref<208x128xf32, #tpu.memory_space<vmem>>, vector<16xf32>,
          %mul3A_269 = arith.mulf %get3A_268, %get3A_123 : vector<16xf32>
          %add3A_270 = arith.addf %add3A_265, %mul3A_269 : vector<16xf32>
          %get3A_271 = arith.index_cast %add3A_241 : i32 to index
          %get3A_272 = arith.constant 96 : index
          %get3A_273 = tpu.vector_load %arg11[%get3A_271, %get3A_272] {strides = array<i32>} : memref<208x128xf32, #tpu.memory_space<vmem>>, vector<16xf32>,
          %mul3A_274 = arith.mulf %get3A_273, %get3A_126 : vector<16xf32>
          %add3A_275 = arith.addf %add3A_270, %mul3A_274 : vector<16xf32>
          %get3A_276 = arith.index_cast %add3A_241 : i32 to index
          %get3A_277 = arith.constant 112 : index
          %get3A_278 = tpu.vector_load %arg11[%get3A_276, %get3A_277] {strides = array<i32>} : memref<208x128xf32, #tpu.memory_space<vmem>>, vector<16xf32>,
          %mul3A_279 = arith.mulf %get3A_278, %get3A_129 : vector<16xf32>
          %add3A_280 = arith.addf %add3A_275, %mul3A_279 : vector<16xf32>
          %mul3A_281 = arith.constant 16 : i32
          %mul3A_282 = vector.broadcast %mul3A_281 : i32 to vector<16xi32>
          %mul3A_283 = arith.muli %iota3A, %mul3A_282 : vector<16xi32>
          %add3A_284 = arith.constant 2 : i32
          %add3A_285 = vector.broadcast %add3A_284 : i32 to vector<16xi32>
          %add3A_286 = arith.addi %mul3A_283, %add3A_285 : vector<16xi32>
          tpu.vector_store_idx %arg13[%add3A_286], %add3A_280 : memref<256xf32, #tpu.memory_space<vmem>>[vector<16xi32>], vector<16xf32>,
          %mul3A_287 = arith.constant 16 : i32
          %mul3A_288 = arith.muli %add3A_139, %mul3A_287 : i32
          %add3A_289 = arith.constant 3 : i32
          %add3A_290 = arith.addi %mul3A_288, %add3A_289 : i32
          %get3A_291 = arith.index_cast %add3A_290 : i32 to index
          %get3A_292 = arith.constant 0 : index
          %get3A_293 = tpu.vector_load %arg11[%get3A_291, %get3A_292] {strides = array<i32>} : memref<208x128xf32, #tpu.memory_space<vmem>>, vector<16xf32>,
          %mul3A_294 = arith.mulf %get3A_293, %get3A_108 : vector<16xf32>
          %get3A_295 = arith.index_cast %add3A_290 : i32 to index
          %get3A_296 = arith.constant 16 : index
          %get3A_297 = tpu.vector_load %arg11[%get3A_295, %get3A_296] {strides = array<i32>} : memref<208x128xf32, #tpu.memory_space<vmem>>, vector<16xf32>,
          %mul3A_298 = arith.mulf %get3A_297, %get3A_111 : vector<16xf32>
          %add3A_299 = arith.addf %mul3A_294, %mul3A_298 : vector<16xf32>
          %get3A_300 = arith.index_cast %add3A_290 : i32 to index
          %get3A_301 = arith.constant 32 : index
          %get3A_302 = tpu.vector_load %arg11[%get3A_300, %get3A_301] {strides = array<i32>} : memref<208x128xf32, #tpu.memory_space<vmem>>, vector<16xf32>,
          %mul3A_303 = arith.mulf %get3A_302, %get3A_114 : vector<16xf32>
          %add3A_304 = arith.addf %add3A_299, %mul3A_303 : vector<16xf32>
          %get3A_305 = arith.index_cast %add3A_290 : i32 to index
          %get3A_306 = arith.constant 48 : index
          %get3A_307 = tpu.vector_load %arg11[%get3A_305, %get3A_306] {strides = array<i32>} : memref<208x128xf32, #tpu.memory_space<vmem>>, vector<16xf32>,
          %mul3A_308 = arith.mulf %get3A_307, %get3A_117 : vector<16xf32>
          %add3A_309 = arith.addf %add3A_304, %mul3A_308 : vector<16xf32>
          %get3A_310 = arith.index_cast %add3A_290 : i32 to index
          %get3A_311 = arith.constant 64 : index
          %get3A_312 = tpu.vector_load %arg11[%get3A_310, %get3A_311] {strides = array<i32>} : memref<208x128xf32, #tpu.memory_space<vmem>>, vector<16xf32>,
          %mul3A_313 = arith.mulf %get3A_312, %get3A_120 : vector<16xf32>
          %add3A_314 = arith.addf %add3A_309, %mul3A_313 : vector<16xf32>
          %get3A_315 = arith.index_cast %add3A_290 : i32 to index
          %get3A_316 = arith.constant 80 : index
          %get3A_317 = tpu.vector_load %arg11[%get3A_315, %get3A_316] {strides = array<i32>} : memref<208x128xf32, #tpu.memory_space<vmem>>, vector<16xf32>,
          %mul3A_318 = arith.mulf %get3A_317, %get3A_123 : vector<16xf32>
          %add3A_319 = arith.addf %add3A_314, %mul3A_318 : vector<16xf32>
          %get3A_320 = arith.index_cast %add3A_290 : i32 to index
          %get3A_321 = arith.constant 96 : index
          %get3A_322 = tpu.vector_load %arg11[%get3A_320, %get3A_321] {strides = array<i32>} : memref<208x128xf32, #tpu.memory_space<vmem>>, vector<16xf32>,
          %mul3A_323 = arith.mulf %get3A_322, %get3A_126 : vector<16xf32>
          %add3A_324 = arith.addf %add3A_319, %mul3A_323 : vector<16xf32>
          %get3A_325 = arith.index_cast %add3A_290 : i32 to index
          %get3A_326 = arith.constant 112 : index
          %get3A_327 = tpu.vector_load %arg11[%get3A_325, %get3A_326] {strides = array<i32>} : memref<208x128xf32, #tpu.memory_space<vmem>>, vector<16xf32>,
          %mul3A_328 = arith.mulf %get3A_327, %get3A_129 : vector<16xf32>
          %add3A_329 = arith.addf %add3A_324, %mul3A_328 : vector<16xf32>
          %mul3A_330 = arith.constant 16 : i32
          %mul3A_331 = vector.broadcast %mul3A_330 : i32 to vector<16xi32>
          %mul3A_332 = arith.muli %iota3A, %mul3A_331 : vector<16xi32>
          %add3A_333 = arith.constant 3 : i32
          %add3A_334 = vector.broadcast %add3A_333 : i32 to vector<16xi32>
          %add3A_335 = arith.addi %mul3A_332, %add3A_334 : vector<16xi32>
          tpu.vector_store_idx %arg13[%add3A_335], %add3A_329 : memref<256xf32, #tpu.memory_space<vmem>>[vector<16xi32>], vector<16xf32>,
          %mul3A_336 = arith.constant 16 : i32
          %mul3A_337 = arith.muli %add3A_139, %mul3A_336 : i32
          %add3A_338 = arith.constant 4 : i32
          %add3A_339 = arith.addi %mul3A_337, %add3A_338 : i32
          %get3A_340 = arith.index_cast %add3A_339 : i32 to index
          %get3A_341 = arith.constant 0 : index
          %get3A_342 = tpu.vector_load %arg11[%get3A_340, %get3A_341] {strides = array<i32>} : memref<208x128xf32, #tpu.memory_space<vmem>>, vector<16xf32>,
          %mul3A_343 = arith.mulf %get3A_342, %get3A_108 : vector<16xf32>
          %get3A_344 = arith.index_cast %add3A_339 : i32 to index
          %get3A_345 = arith.constant 16 : index
          %get3A_346 = tpu.vector_load %arg11[%get3A_344, %get3A_345] {strides = array<i32>} : memref<208x128xf32, #tpu.memory_space<vmem>>, vector<16xf32>,
          %mul3A_347 = arith.mulf %get3A_346, %get3A_111 : vector<16xf32>
          %add3A_348 = arith.addf %mul3A_343, %mul3A_347 : vector<16xf32>
          %get3A_349 = arith.index_cast %add3A_339 : i32 to index
          %get3A_350 = arith.constant 32 : index
          %get3A_351 = tpu.vector_load %arg11[%get3A_349, %get3A_350] {strides = array<i32>} : memref<208x128xf32, #tpu.memory_space<vmem>>, vector<16xf32>,
          %mul3A_352 = arith.mulf %get3A_351, %get3A_114 : vector<16xf32>
          %add3A_353 = arith.addf %add3A_348, %mul3A_352 : vector<16xf32>
          %get3A_354 = arith.index_cast %add3A_339 : i32 to index
          %get3A_355 = arith.constant 48 : index
          %get3A_356 = tpu.vector_load %arg11[%get3A_354, %get3A_355] {strides = array<i32>} : memref<208x128xf32, #tpu.memory_space<vmem>>, vector<16xf32>,
          %mul3A_357 = arith.mulf %get3A_356, %get3A_117 : vector<16xf32>
          %add3A_358 = arith.addf %add3A_353, %mul3A_357 : vector<16xf32>
          %get3A_359 = arith.index_cast %add3A_339 : i32 to index
          %get3A_360 = arith.constant 64 : index
          %get3A_361 = tpu.vector_load %arg11[%get3A_359, %get3A_360] {strides = array<i32>} : memref<208x128xf32, #tpu.memory_space<vmem>>, vector<16xf32>,
          %mul3A_362 = arith.mulf %get3A_361, %get3A_120 : vector<16xf32>
          %add3A_363 = arith.addf %add3A_358, %mul3A_362 : vector<16xf32>
          %get3A_364 = arith.index_cast %add3A_339 : i32 to index
          %get3A_365 = arith.constant 80 : index
          %get3A_366 = tpu.vector_load %arg11[%get3A_364, %get3A_365] {strides = array<i32>} : memref<208x128xf32, #tpu.memory_space<vmem>>, vector<16xf32>,
          %mul3A_367 = arith.mulf %get3A_366, %get3A_123 : vector<16xf32>
          %add3A_368 = arith.addf %add3A_363, %mul3A_367 : vector<16xf32>
          %get3A_369 = arith.index_cast %add3A_339 : i32 to index
          %get3A_370 = arith.constant 96 : index
          %get3A_371 = tpu.vector_load %arg11[%get3A_369, %get3A_370] {strides = array<i32>} : memref<208x128xf32, #tpu.memory_space<vmem>>, vector<16xf32>,
          %mul3A_372 = arith.mulf %get3A_371, %get3A_126 : vector<16xf32>
          %add3A_373 = arith.addf %add3A_368, %mul3A_372 : vector<16xf32>
          %get3A_374 = arith.index_cast %add3A_339 : i32 to index
          %get3A_375 = arith.constant 112 : index
          %get3A_376 = tpu.vector_load %arg11[%get3A_374, %get3A_375] {strides = array<i32>} : memref<208x128xf32, #tpu.memory_space<vmem>>, vector<16xf32>,
          %mul3A_377 = arith.mulf %get3A_376, %get3A_129 : vector<16xf32>
          %add3A_378 = arith.addf %add3A_373, %mul3A_377 : vector<16xf32>
          %mul3A_379 = arith.constant 16 : i32
          %mul3A_380 = vector.broadcast %mul3A_379 : i32 to vector<16xi32>
          %mul3A_381 = arith.muli %iota3A, %mul3A_380 : vector<16xi32>
          %add3A_382 = arith.constant 4 : i32
          %add3A_383 = vector.broadcast %add3A_382 : i32 to vector<16xi32>
          %add3A_384 = arith.addi %mul3A_381, %add3A_383 : vector<16xi32>
          tpu.vector_store_idx %arg13[%add3A_384], %add3A_378 : memref<256xf32, #tpu.memory_space<vmem>>[vector<16xi32>], vector<16xf32>,
          %mul3A_385 = arith.constant 16 : i32
          %mul3A_386 = arith.muli %add3A_139, %mul3A_385 : i32
          %add3A_387 = arith.constant 5 : i32
          %add3A_388 = arith.addi %mul3A_386, %add3A_387 : i32
          %get3A_389 = arith.index_cast %add3A_388 : i32 to index
          %get3A_390 = arith.constant 0 : index
          %get3A_391 = tpu.vector_load %arg11[%get3A_389, %get3A_390] {strides = array<i32>} : memref<208x128xf32, #tpu.memory_space<vmem>>, vector<16xf32>,
          %mul3A_392 = arith.mulf %get3A_391, %get3A_108 : vector<16xf32>
          %get3A_393 = arith.index_cast %add3A_388 : i32 to index
          %get3A_394 = arith.constant 16 : index
          %get3A_395 = tpu.vector_load %arg11[%get3A_393, %get3A_394] {strides = array<i32>} : memref<208x128xf32, #tpu.memory_space<vmem>>, vector<16xf32>,
          %mul3A_396 = arith.mulf %get3A_395, %get3A_111 : vector<16xf32>
          %add3A_397 = arith.addf %mul3A_392, %mul3A_396 : vector<16xf32>
          %get3A_398 = arith.index_cast %add3A_388 : i32 to index
          %get3A_399 = arith.constant 32 : index
          %get3A_400 = tpu.vector_load %arg11[%get3A_398, %get3A_399] {strides = array<i32>} : memref<208x128xf32, #tpu.memory_space<vmem>>, vector<16xf32>,
          %mul3A_401 = arith.mulf %get3A_400, %get3A_114 : vector<16xf32>
          %add3A_402 = arith.addf %add3A_397, %mul3A_401 : vector<16xf32>
          %get3A_403 = arith.index_cast %add3A_388 : i32 to index
          %get3A_404 = arith.constant 48 : index
          %get3A_405 = tpu.vector_load %arg11[%get3A_403, %get3A_404] {strides = array<i32>} : memref<208x128xf32, #tpu.memory_space<vmem>>, vector<16xf32>,
          %mul3A_406 = arith.mulf %get3A_405, %get3A_117 : vector<16xf32>
          %add3A_407 = arith.addf %add3A_402, %mul3A_406 : vector<16xf32>
          %get3A_408 = arith.index_cast %add3A_388 : i32 to index
          %get3A_409 = arith.constant 64 : index
          %get3A_410 = tpu.vector_load %arg11[%get3A_408, %get3A_409] {strides = array<i32>} : memref<208x128xf32, #tpu.memory_space<vmem>>, vector<16xf32>,
          %mul3A_411 = arith.mulf %get3A_410, %get3A_120 : vector<16xf32>
          %add3A_412 = arith.addf %add3A_407, %mul3A_411 : vector<16xf32>
          %get3A_413 = arith.index_cast %add3A_388 : i32 to index
          %get3A_414 = arith.constant 80 : index
          %get3A_415 = tpu.vector_load %arg11[%get3A_413, %get3A_414] {strides = array<i32>} : memref<208x128xf32, #tpu.memory_space<vmem>>, vector<16xf32>,
          %mul3A_416 = arith.mulf %get3A_415, %get3A_123 : vector<16xf32>
          %add3A_417 = arith.addf %add3A_412, %mul3A_416 : vector<16xf32>
          %get3A_418 = arith.index_cast %add3A_388 : i32 to index
          %get3A_419 = arith.constant 96 : index
          %get3A_420 = tpu.vector_load %arg11[%get3A_418, %get3A_419] {strides = array<i32>} : memref<208x128xf32, #tpu.memory_space<vmem>>, vector<16xf32>,
          %mul3A_421 = arith.mulf %get3A_420, %get3A_126 : vector<16xf32>
          %add3A_422 = arith.addf %add3A_417, %mul3A_421 : vector<16xf32>
          %get3A_423 = arith.index_cast %add3A_388 : i32 to index
          %get3A_424 = arith.constant 112 : index
          %get3A_425 = tpu.vector_load %arg11[%get3A_423, %get3A_424] {strides = array<i32>} : memref<208x128xf32, #tpu.memory_space<vmem>>, vector<16xf32>,
          %mul3A_426 = arith.mulf %get3A_425, %get3A_129 : vector<16xf32>
          %add3A_427 = arith.addf %add3A_422, %mul3A_426 : vector<16xf32>
          %mul3A_428 = arith.constant 16 : i32
          %mul3A_429 = vector.broadcast %mul3A_428 : i32 to vector<16xi32>
          %mul3A_430 = arith.muli %iota3A, %mul3A_429 : vector<16xi32>
          %add3A_431 = arith.constant 5 : i32
          %add3A_432 = vector.broadcast %add3A_431 : i32 to vector<16xi32>
          %add3A_433 = arith.addi %mul3A_430, %add3A_432 : vector<16xi32>
          tpu.vector_store_idx %arg13[%add3A_433], %add3A_427 : memref<256xf32, #tpu.memory_space<vmem>>[vector<16xi32>], vector<16xf32>,
          %mul3A_434 = arith.constant 16 : i32
          %mul3A_435 = arith.muli %add3A_139, %mul3A_434 : i32
          %add3A_436 = arith.constant 6 : i32
          %add3A_437 = arith.addi %mul3A_435, %add3A_436 : i32
          %get3A_438 = arith.index_cast %add3A_437 : i32 to index
          %get3A_439 = arith.constant 0 : index
          %get3A_440 = tpu.vector_load %arg11[%get3A_438, %get3A_439] {strides = array<i32>} : memref<208x128xf32, #tpu.memory_space<vmem>>, vector<16xf32>,
          %mul3A_441 = arith.mulf %get3A_440, %get3A_108 : vector<16xf32>
          %get3A_442 = arith.index_cast %add3A_437 : i32 to index
          %get3A_443 = arith.constant 16 : index
          %get3A_444 = tpu.vector_load %arg11[%get3A_442, %get3A_443] {strides = array<i32>} : memref<208x128xf32, #tpu.memory_space<vmem>>, vector<16xf32>,
          %mul3A_445 = arith.mulf %get3A_444, %get3A_111 : vector<16xf32>
          %add3A_446 = arith.addf %mul3A_441, %mul3A_445 : vector<16xf32>
          %get3A_447 = arith.index_cast %add3A_437 : i32 to index
          %get3A_448 = arith.constant 32 : index
          %get3A_449 = tpu.vector_load %arg11[%get3A_447, %get3A_448] {strides = array<i32>} : memref<208x128xf32, #tpu.memory_space<vmem>>, vector<16xf32>,
          %mul3A_450 = arith.mulf %get3A_449, %get3A_114 : vector<16xf32>
          %add3A_451 = arith.addf %add3A_446, %mul3A_450 : vector<16xf32>
          %get3A_452 = arith.index_cast %add3A_437 : i32 to index
          %get3A_453 = arith.constant 48 : index
          %get3A_454 = tpu.vector_load %arg11[%get3A_452, %get3A_453] {strides = array<i32>} : memref<208x128xf32, #tpu.memory_space<vmem>>, vector<16xf32>,
          %mul3A_455 = arith.mulf %get3A_454, %get3A_117 : vector<16xf32>
          %add3A_456 = arith.addf %add3A_451, %mul3A_455 : vector<16xf32>
          %get3A_457 = arith.index_cast %add3A_437 : i32 to index
          %get3A_458 = arith.constant 64 : index
          %get3A_459 = tpu.vector_load %arg11[%get3A_457, %get3A_458] {strides = array<i32>} : memref<208x128xf32, #tpu.memory_space<vmem>>, vector<16xf32>,
          %mul3A_460 = arith.mulf %get3A_459, %get3A_120 : vector<16xf32>
          %add3A_461 = arith.addf %add3A_456, %mul3A_460 : vector<16xf32>
          %get3A_462 = arith.index_cast %add3A_437 : i32 to index
          %get3A_463 = arith.constant 80 : index
          %get3A_464 = tpu.vector_load %arg11[%get3A_462, %get3A_463] {strides = array<i32>} : memref<208x128xf32, #tpu.memory_space<vmem>>, vector<16xf32>,
          %mul3A_465 = arith.mulf %get3A_464, %get3A_123 : vector<16xf32>
          %add3A_466 = arith.addf %add3A_461, %mul3A_465 : vector<16xf32>
          %get3A_467 = arith.index_cast %add3A_437 : i32 to index
          %get3A_468 = arith.constant 96 : index
          %get3A_469 = tpu.vector_load %arg11[%get3A_467, %get3A_468] {strides = array<i32>} : memref<208x128xf32, #tpu.memory_space<vmem>>, vector<16xf32>,
          %mul3A_470 = arith.mulf %get3A_469, %get3A_126 : vector<16xf32>
          %add3A_471 = arith.addf %add3A_466, %mul3A_470 : vector<16xf32>
          %get3A_472 = arith.index_cast %add3A_437 : i32 to index
          %get3A_473 = arith.constant 112 : index
          %get3A_474 = tpu.vector_load %arg11[%get3A_472, %get3A_473] {strides = array<i32>} : memref<208x128xf32, #tpu.memory_space<vmem>>, vector<16xf32>,
          %mul3A_475 = arith.mulf %get3A_474, %get3A_129 : vector<16xf32>
          %add3A_476 = arith.addf %add3A_471, %mul3A_475 : vector<16xf32>
          %mul3A_477 = arith.constant 16 : i32
          %mul3A_478 = vector.broadcast %mul3A_477 : i32 to vector<16xi32>
          %mul3A_479 = arith.muli %iota3A, %mul3A_478 : vector<16xi32>
          %add3A_480 = arith.constant 6 : i32
          %add3A_481 = vector.broadcast %add3A_480 : i32 to vector<16xi32>
          %add3A_482 = arith.addi %mul3A_479, %add3A_481 : vector<16xi32>
          tpu.vector_store_idx %arg13[%add3A_482], %add3A_476 : memref<256xf32, #tpu.memory_space<vmem>>[vector<16xi32>], vector<16xf32>,
          %mul3A_483 = arith.constant 16 : i32
          %mul3A_484 = arith.muli %add3A_139, %mul3A_483 : i32
          %add3A_485 = arith.constant 7 : i32
          %add3A_486 = arith.addi %mul3A_484, %add3A_485 : i32
          %get3A_487 = arith.index_cast %add3A_486 : i32 to index
          %get3A_488 = arith.constant 0 : index
          %get3A_489 = tpu.vector_load %arg11[%get3A_487, %get3A_488] {strides = array<i32>} : memref<208x128xf32, #tpu.memory_space<vmem>>, vector<16xf32>,
          %mul3A_490 = arith.mulf %get3A_489, %get3A_108 : vector<16xf32>
          %get3A_491 = arith.index_cast %add3A_486 : i32 to index
          %get3A_492 = arith.constant 16 : index
          %get3A_493 = tpu.vector_load %arg11[%get3A_491, %get3A_492] {strides = array<i32>} : memref<208x128xf32, #tpu.memory_space<vmem>>, vector<16xf32>,
          %mul3A_494 = arith.mulf %get3A_493, %get3A_111 : vector<16xf32>
          %add3A_495 = arith.addf %mul3A_490, %mul3A_494 : vector<16xf32>
          %get3A_496 = arith.index_cast %add3A_486 : i32 to index
          %get3A_497 = arith.constant 32 : index
          %get3A_498 = tpu.vector_load %arg11[%get3A_496, %get3A_497] {strides = array<i32>} : memref<208x128xf32, #tpu.memory_space<vmem>>, vector<16xf32>,
          %mul3A_499 = arith.mulf %get3A_498, %get3A_114 : vector<16xf32>
          %add3A_500 = arith.addf %add3A_495, %mul3A_499 : vector<16xf32>
          %get3A_501 = arith.index_cast %add3A_486 : i32 to index
          %get3A_502 = arith.constant 48 : index
          %get3A_503 = tpu.vector_load %arg11[%get3A_501, %get3A_502] {strides = array<i32>} : memref<208x128xf32, #tpu.memory_space<vmem>>, vector<16xf32>,
          %mul3A_504 = arith.mulf %get3A_503, %get3A_117 : vector<16xf32>
          %add3A_505 = arith.addf %add3A_500, %mul3A_504 : vector<16xf32>
          %get3A_506 = arith.index_cast %add3A_486 : i32 to index
          %get3A_507 = arith.constant 64 : index
          %get3A_508 = tpu.vector_load %arg11[%get3A_506, %get3A_507] {strides = array<i32>} : memref<208x128xf32, #tpu.memory_space<vmem>>, vector<16xf32>,
          %mul3A_509 = arith.mulf %get3A_508, %get3A_120 : vector<16xf32>
          %add3A_510 = arith.addf %add3A_505, %mul3A_509 : vector<16xf32>
          %get3A_511 = arith.index_cast %add3A_486 : i32 to index
          %get3A_512 = arith.constant 80 : index
          %get3A_513 = tpu.vector_load %arg11[%get3A_511, %get3A_512] {strides = array<i32>} : memref<208x128xf32, #tpu.memory_space<vmem>>, vector<16xf32>,
          %mul3A_514 = arith.mulf %get3A_513, %get3A_123 : vector<16xf32>
          %add3A_515 = arith.addf %add3A_510, %mul3A_514 : vector<16xf32>
          %get3A_516 = arith.index_cast %add3A_486 : i32 to index
          %get3A_517 = arith.constant 96 : index
          %get3A_518 = tpu.vector_load %arg11[%get3A_516, %get3A_517] {strides = array<i32>} : memref<208x128xf32, #tpu.memory_space<vmem>>, vector<16xf32>,
          %mul3A_519 = arith.mulf %get3A_518, %get3A_126 : vector<16xf32>
          %add3A_520 = arith.addf %add3A_515, %mul3A_519 : vector<16xf32>
          %get3A_521 = arith.index_cast %add3A_486 : i32 to index
          %get3A_522 = arith.constant 112 : index
          %get3A_523 = tpu.vector_load %arg11[%get3A_521, %get3A_522] {strides = array<i32>} : memref<208x128xf32, #tpu.memory_space<vmem>>, vector<16xf32>,
          %mul3A_524 = arith.mulf %get3A_523, %get3A_129 : vector<16xf32>
          %add3A_525 = arith.addf %add3A_520, %mul3A_524 : vector<16xf32>
          %mul3A_526 = arith.constant 16 : i32
          %mul3A_527 = vector.broadcast %mul3A_526 : i32 to vector<16xi32>
          %mul3A_528 = arith.muli %iota3A, %mul3A_527 : vector<16xi32>
          %add3A_529 = arith.constant 7 : i32
          %add3A_530 = vector.broadcast %add3A_529 : i32 to vector<16xi32>
          %add3A_531 = arith.addi %mul3A_528, %add3A_530 : vector<16xi32>
          tpu.vector_store_idx %arg13[%add3A_531], %add3A_525 : memref<256xf32, #tpu.memory_space<vmem>>[vector<16xi32>], vector<16xf32>,
          %mul3A_532 = arith.constant 16 : i32
          %mul3A_533 = arith.muli %add3A_139, %mul3A_532 : i32
          %add3A_534 = arith.constant 8 : i32
          %add3A_535 = arith.addi %mul3A_533, %add3A_534 : i32
          %get3A_536 = arith.index_cast %add3A_535 : i32 to index
          %get3A_537 = arith.constant 0 : index
          %get3A_538 = tpu.vector_load %arg11[%get3A_536, %get3A_537] {strides = array<i32>} : memref<208x128xf32, #tpu.memory_space<vmem>>, vector<16xf32>,
          %mul3A_539 = arith.mulf %get3A_538, %get3A_108 : vector<16xf32>
          %get3A_540 = arith.index_cast %add3A_535 : i32 to index
          %get3A_541 = arith.constant 16 : index
          %get3A_542 = tpu.vector_load %arg11[%get3A_540, %get3A_541] {strides = array<i32>} : memref<208x128xf32, #tpu.memory_space<vmem>>, vector<16xf32>,
          %mul3A_543 = arith.mulf %get3A_542, %get3A_111 : vector<16xf32>
          %add3A_544 = arith.addf %mul3A_539, %mul3A_543 : vector<16xf32>
          %get3A_545 = arith.index_cast %add3A_535 : i32 to index
          %get3A_546 = arith.constant 32 : index
          %get3A_547 = tpu.vector_load %arg11[%get3A_545, %get3A_546] {strides = array<i32>} : memref<208x128xf32, #tpu.memory_space<vmem>>, vector<16xf32>,
          %mul3A_548 = arith.mulf %get3A_547, %get3A_114 : vector<16xf32>
          %add3A_549 = arith.addf %add3A_544, %mul3A_548 : vector<16xf32>
          %get3A_550 = arith.index_cast %add3A_535 : i32 to index
          %get3A_551 = arith.constant 48 : index
          %get3A_552 = tpu.vector_load %arg11[%get3A_550, %get3A_551] {strides = array<i32>} : memref<208x128xf32, #tpu.memory_space<vmem>>, vector<16xf32>,
          %mul3A_553 = arith.mulf %get3A_552, %get3A_117 : vector<16xf32>
          %add3A_554 = arith.addf %add3A_549, %mul3A_553 : vector<16xf32>
          %get3A_555 = arith.index_cast %add3A_535 : i32 to index
          %get3A_556 = arith.constant 64 : index
          %get3A_557 = tpu.vector_load %arg11[%get3A_555, %get3A_556] {strides = array<i32>} : memref<208x128xf32, #tpu.memory_space<vmem>>, vector<16xf32>,
          %mul3A_558 = arith.mulf %get3A_557, %get3A_120 : vector<16xf32>
          %add3A_559 = arith.addf %add3A_554, %mul3A_558 : vector<16xf32>
          %get3A_560 = arith.index_cast %add3A_535 : i32 to index
          %get3A_561 = arith.constant 80 : index
          %get3A_562 = tpu.vector_load %arg11[%get3A_560, %get3A_561] {strides = array<i32>} : memref<208x128xf32, #tpu.memory_space<vmem>>, vector<16xf32>,
          %mul3A_563 = arith.mulf %get3A_562, %get3A_123 : vector<16xf32>
          %add3A_564 = arith.addf %add3A_559, %mul3A_563 : vector<16xf32>
          %get3A_565 = arith.index_cast %add3A_535 : i32 to index
          %get3A_566 = arith.constant 96 : index
          %get3A_567 = tpu.vector_load %arg11[%get3A_565, %get3A_566] {strides = array<i32>} : memref<208x128xf32, #tpu.memory_space<vmem>>, vector<16xf32>,
          %mul3A_568 = arith.mulf %get3A_567, %get3A_126 : vector<16xf32>
          %add3A_569 = arith.addf %add3A_564, %mul3A_568 : vector<16xf32>
          %get3A_570 = arith.index_cast %add3A_535 : i32 to index
          %get3A_571 = arith.constant 112 : index
          %get3A_572 = tpu.vector_load %arg11[%get3A_570, %get3A_571] {strides = array<i32>} : memref<208x128xf32, #tpu.memory_space<vmem>>, vector<16xf32>,
          %mul3A_573 = arith.mulf %get3A_572, %get3A_129 : vector<16xf32>
          %add3A_574 = arith.addf %add3A_569, %mul3A_573 : vector<16xf32>
          %mul3A_575 = arith.constant 16 : i32
          %mul3A_576 = vector.broadcast %mul3A_575 : i32 to vector<16xi32>
          %mul3A_577 = arith.muli %iota3A, %mul3A_576 : vector<16xi32>
          %add3A_578 = arith.constant 8 : i32
          %add3A_579 = vector.broadcast %add3A_578 : i32 to vector<16xi32>
          %add3A_580 = arith.addi %mul3A_577, %add3A_579 : vector<16xi32>
          tpu.vector_store_idx %arg13[%add3A_580], %add3A_574 : memref<256xf32, #tpu.memory_space<vmem>>[vector<16xi32>], vector<16xf32>,
          %mul3A_581 = arith.constant 16 : i32
          %mul3A_582 = arith.muli %add3A_139, %mul3A_581 : i32
          %add3A_583 = arith.constant 9 : i32
          %add3A_584 = arith.addi %mul3A_582, %add3A_583 : i32
          %get3A_585 = arith.index_cast %add3A_584 : i32 to index
          %get3A_586 = arith.constant 0 : index
          %get3A_587 = tpu.vector_load %arg11[%get3A_585, %get3A_586] {strides = array<i32>} : memref<208x128xf32, #tpu.memory_space<vmem>>, vector<16xf32>,
          %mul3A_588 = arith.mulf %get3A_587, %get3A_108 : vector<16xf32>
          %get3A_589 = arith.index_cast %add3A_584 : i32 to index
          %get3A_590 = arith.constant 16 : index
          %get3A_591 = tpu.vector_load %arg11[%get3A_589, %get3A_590] {strides = array<i32>} : memref<208x128xf32, #tpu.memory_space<vmem>>, vector<16xf32>,
          %mul3A_592 = arith.mulf %get3A_591, %get3A_111 : vector<16xf32>
          %add3A_593 = arith.addf %mul3A_588, %mul3A_592 : vector<16xf32>
          %get3A_594 = arith.index_cast %add3A_584 : i32 to index
          %get3A_595 = arith.constant 32 : index
          %get3A_596 = tpu.vector_load %arg11[%get3A_594, %get3A_595] {strides = array<i32>} : memref<208x128xf32, #tpu.memory_space<vmem>>, vector<16xf32>,
          %mul3A_597 = arith.mulf %get3A_596, %get3A_114 : vector<16xf32>
          %add3A_598 = arith.addf %add3A_593, %mul3A_597 : vector<16xf32>
          %get3A_599 = arith.index_cast %add3A_584 : i32 to index
          %get3A_600 = arith.constant 48 : index
          %get3A_601 = tpu.vector_load %arg11[%get3A_599, %get3A_600] {strides = array<i32>} : memref<208x128xf32, #tpu.memory_space<vmem>>, vector<16xf32>,
          %mul3A_602 = arith.mulf %get3A_601, %get3A_117 : vector<16xf32>
          %add3A_603 = arith.addf %add3A_598, %mul3A_602 : vector<16xf32>
          %get3A_604 = arith.index_cast %add3A_584 : i32 to index
          %get3A_605 = arith.constant 64 : index
          %get3A_606 = tpu.vector_load %arg11[%get3A_604, %get3A_605] {strides = array<i32>} : memref<208x128xf32, #tpu.memory_space<vmem>>, vector<16xf32>,
          %mul3A_607 = arith.mulf %get3A_606, %get3A_120 : vector<16xf32>
          %add3A_608 = arith.addf %add3A_603, %mul3A_607 : vector<16xf32>
          %get3A_609 = arith.index_cast %add3A_584 : i32 to index
          %get3A_610 = arith.constant 80 : index
          %get3A_611 = tpu.vector_load %arg11[%get3A_609, %get3A_610] {strides = array<i32>} : memref<208x128xf32, #tpu.memory_space<vmem>>, vector<16xf32>,
          %mul3A_612 = arith.mulf %get3A_611, %get3A_123 : vector<16xf32>
          %add3A_613 = arith.addf %add3A_608, %mul3A_612 : vector<16xf32>
          %get3A_614 = arith.index_cast %add3A_584 : i32 to index
          %get3A_615 = arith.constant 96 : index
          %get3A_616 = tpu.vector_load %arg11[%get3A_614, %get3A_615] {strides = array<i32>} : memref<208x128xf32, #tpu.memory_space<vmem>>, vector<16xf32>,
          %mul3A_617 = arith.mulf %get3A_616, %get3A_126 : vector<16xf32>
          %add3A_618 = arith.addf %add3A_613, %mul3A_617 : vector<16xf32>
          %get3A_619 = arith.index_cast %add3A_584 : i32 to index
          %get3A_620 = arith.constant 112 : index
          %get3A_621 = tpu.vector_load %arg11[%get3A_619, %get3A_620] {strides = array<i32>} : memref<208x128xf32, #tpu.memory_space<vmem>>, vector<16xf32>,
          %mul3A_622 = arith.mulf %get3A_621, %get3A_129 : vector<16xf32>
          %add3A_623 = arith.addf %add3A_618, %mul3A_622 : vector<16xf32>
          %mul3A_624 = arith.constant 16 : i32
          %mul3A_625 = vector.broadcast %mul3A_624 : i32 to vector<16xi32>
          %mul3A_626 = arith.muli %iota3A, %mul3A_625 : vector<16xi32>
          %add3A_627 = arith.constant 9 : i32
          %add3A_628 = vector.broadcast %add3A_627 : i32 to vector<16xi32>
          %add3A_629 = arith.addi %mul3A_626, %add3A_628 : vector<16xi32>
          tpu.vector_store_idx %arg13[%add3A_629], %add3A_623 : memref<256xf32, #tpu.memory_space<vmem>>[vector<16xi32>], vector<16xf32>,
          %mul3A_630 = arith.constant 16 : i32
          %mul3A_631 = arith.muli %add3A_139, %mul3A_630 : i32
          %add3A_632 = arith.constant 10 : i32
          %add3A_633 = arith.addi %mul3A_631, %add3A_632 : i32
          %get3A_634 = arith.index_cast %add3A_633 : i32 to index
          %get3A_635 = arith.constant 0 : index
          %get3A_636 = tpu.vector_load %arg11[%get3A_634, %get3A_635] {strides = array<i32>} : memref<208x128xf32, #tpu.memory_space<vmem>>, vector<16xf32>,
          %mul3A_637 = arith.mulf %get3A_636, %get3A_108 : vector<16xf32>
          %get3A_638 = arith.index_cast %add3A_633 : i32 to index
          %get3A_639 = arith.constant 16 : index
          %get3A_640 = tpu.vector_load %arg11[%get3A_638, %get3A_639] {strides = array<i32>} : memref<208x128xf32, #tpu.memory_space<vmem>>, vector<16xf32>,
          %mul3A_641 = arith.mulf %get3A_640, %get3A_111 : vector<16xf32>
          %add3A_642 = arith.addf %mul3A_637, %mul3A_641 : vector<16xf32>
          %get3A_643 = arith.index_cast %add3A_633 : i32 to index
          %get3A_644 = arith.constant 32 : index
          %get3A_645 = tpu.vector_load %arg11[%get3A_643, %get3A_644] {strides = array<i32>} : memref<208x128xf32, #tpu.memory_space<vmem>>, vector<16xf32>,
          %mul3A_646 = arith.mulf %get3A_645, %get3A_114 : vector<16xf32>
          %add3A_647 = arith.addf %add3A_642, %mul3A_646 : vector<16xf32>
          %get3A_648 = arith.index_cast %add3A_633 : i32 to index
          %get3A_649 = arith.constant 48 : index
          %get3A_650 = tpu.vector_load %arg11[%get3A_648, %get3A_649] {strides = array<i32>} : memref<208x128xf32, #tpu.memory_space<vmem>>, vector<16xf32>,
          %mul3A_651 = arith.mulf %get3A_650, %get3A_117 : vector<16xf32>
          %add3A_652 = arith.addf %add3A_647, %mul3A_651 : vector<16xf32>
          %get3A_653 = arith.index_cast %add3A_633 : i32 to index
          %get3A_654 = arith.constant 64 : index
          %get3A_655 = tpu.vector_load %arg11[%get3A_653, %get3A_654] {strides = array<i32>} : memref<208x128xf32, #tpu.memory_space<vmem>>, vector<16xf32>,
          %mul3A_656 = arith.mulf %get3A_655, %get3A_120 : vector<16xf32>
          %add3A_657 = arith.addf %add3A_652, %mul3A_656 : vector<16xf32>
          %get3A_658 = arith.index_cast %add3A_633 : i32 to index
          %get3A_659 = arith.constant 80 : index
          %get3A_660 = tpu.vector_load %arg11[%get3A_658, %get3A_659] {strides = array<i32>} : memref<208x128xf32, #tpu.memory_space<vmem>>, vector<16xf32>,
          %mul3A_661 = arith.mulf %get3A_660, %get3A_123 : vector<16xf32>
          %add3A_662 = arith.addf %add3A_657, %mul3A_661 : vector<16xf32>
          %get3A_663 = arith.index_cast %add3A_633 : i32 to index
          %get3A_664 = arith.constant 96 : index
          %get3A_665 = tpu.vector_load %arg11[%get3A_663, %get3A_664] {strides = array<i32>} : memref<208x128xf32, #tpu.memory_space<vmem>>, vector<16xf32>,
          %mul3A_666 = arith.mulf %get3A_665, %get3A_126 : vector<16xf32>
          %add3A_667 = arith.addf %add3A_662, %mul3A_666 : vector<16xf32>
          %get3A_668 = arith.index_cast %add3A_633 : i32 to index
          %get3A_669 = arith.constant 112 : index
          %get3A_670 = tpu.vector_load %arg11[%get3A_668, %get3A_669] {strides = array<i32>} : memref<208x128xf32, #tpu.memory_space<vmem>>, vector<16xf32>,
          %mul3A_671 = arith.mulf %get3A_670, %get3A_129 : vector<16xf32>
          %add3A_672 = arith.addf %add3A_667, %mul3A_671 : vector<16xf32>
          %mul3A_673 = arith.constant 16 : i32
          %mul3A_674 = vector.broadcast %mul3A_673 : i32 to vector<16xi32>
          %mul3A_675 = arith.muli %iota3A, %mul3A_674 : vector<16xi32>
          %add3A_676 = arith.constant 10 : i32
          %add3A_677 = vector.broadcast %add3A_676 : i32 to vector<16xi32>
          %add3A_678 = arith.addi %mul3A_675, %add3A_677 : vector<16xi32>
          tpu.vector_store_idx %arg13[%add3A_678], %add3A_672 : memref<256xf32, #tpu.memory_space<vmem>>[vector<16xi32>], vector<16xf32>,
          %mul3A_679 = arith.constant 16 : i32
          %mul3A_680 = arith.muli %add3A_139, %mul3A_679 : i32
          %add3A_681 = arith.constant 11 : i32
          %add3A_682 = arith.addi %mul3A_680, %add3A_681 : i32
          %get3A_683 = arith.index_cast %add3A_682 : i32 to index
          %get3A_684 = arith.constant 0 : index
          %get3A_685 = tpu.vector_load %arg11[%get3A_683, %get3A_684] {strides = array<i32>} : memref<208x128xf32, #tpu.memory_space<vmem>>, vector<16xf32>,
          %mul3A_686 = arith.mulf %get3A_685, %get3A_108 : vector<16xf32>
          %get3A_687 = arith.index_cast %add3A_682 : i32 to index
          %get3A_688 = arith.constant 16 : index
          %get3A_689 = tpu.vector_load %arg11[%get3A_687, %get3A_688] {strides = array<i32>} : memref<208x128xf32, #tpu.memory_space<vmem>>, vector<16xf32>,
          %mul3A_690 = arith.mulf %get3A_689, %get3A_111 : vector<16xf32>
          %add3A_691 = arith.addf %mul3A_686, %mul3A_690 : vector<16xf32>
          %get3A_692 = arith.index_cast %add3A_682 : i32 to index
          %get3A_693 = arith.constant 32 : index
          %get3A_694 = tpu.vector_load %arg11[%get3A_692, %get3A_693] {strides = array<i32>} : memref<208x128xf32, #tpu.memory_space<vmem>>, vector<16xf32>,
          %mul3A_695 = arith.mulf %get3A_694, %get3A_114 : vector<16xf32>
          %add3A_696 = arith.addf %add3A_691, %mul3A_695 : vector<16xf32>
          %get3A_697 = arith.index_cast %add3A_682 : i32 to index
          %get3A_698 = arith.constant 48 : index
          %get3A_699 = tpu.vector_load %arg11[%get3A_697, %get3A_698] {strides = array<i32>} : memref<208x128xf32, #tpu.memory_space<vmem>>, vector<16xf32>,
          %mul3A_700 = arith.mulf %get3A_699, %get3A_117 : vector<16xf32>
          %add3A_701 = arith.addf %add3A_696, %mul3A_700 : vector<16xf32>
          %get3A_702 = arith.index_cast %add3A_682 : i32 to index
          %get3A_703 = arith.constant 64 : index
          %get3A_704 = tpu.vector_load %arg11[%get3A_702, %get3A_703] {strides = array<i32>} : memref<208x128xf32, #tpu.memory_space<vmem>>, vector<16xf32>,
          %mul3A_705 = arith.mulf %get3A_704, %get3A_120 : vector<16xf32>
          %add3A_706 = arith.addf %add3A_701, %mul3A_705 : vector<16xf32>
          %get3A_707 = arith.index_cast %add3A_682 : i32 to index
          %get3A_708 = arith.constant 80 : index
          %get3A_709 = tpu.vector_load %arg11[%get3A_707, %get3A_708] {strides = array<i32>} : memref<208x128xf32, #tpu.memory_space<vmem>>, vector<16xf32>,
          %mul3A_710 = arith.mulf %get3A_709, %get3A_123 : vector<16xf32>
          %add3A_711 = arith.addf %add3A_706, %mul3A_710 : vector<16xf32>
          %get3A_712 = arith.index_cast %add3A_682 : i32 to index
          %get3A_713 = arith.constant 96 : index
          %get3A_714 = tpu.vector_load %arg11[%get3A_712, %get3A_713] {strides = array<i32>} : memref<208x128xf32, #tpu.memory_space<vmem>>, vector<16xf32>,
          %mul3A_715 = arith.mulf %get3A_714, %get3A_126 : vector<16xf32>
          %add3A_716 = arith.addf %add3A_711, %mul3A_715 : vector<16xf32>
          %get3A_717 = arith.index_cast %add3A_682 : i32 to index
          %get3A_718 = arith.constant 112 : index
          %get3A_719 = tpu.vector_load %arg11[%get3A_717, %get3A_718] {strides = array<i32>} : memref<208x128xf32, #tpu.memory_space<vmem>>, vector<16xf32>,
          %mul3A_720 = arith.mulf %get3A_719, %get3A_129 : vector<16xf32>
          %add3A_721 = arith.addf %add3A_716, %mul3A_720 : vector<16xf32>
          %mul3A_722 = arith.constant 16 : i32
          %mul3A_723 = vector.broadcast %mul3A_722 : i32 to vector<16xi32>
          %mul3A_724 = arith.muli %iota3A, %mul3A_723 : vector<16xi32>
          %add3A_725 = arith.constant 11 : i32
          %add3A_726 = vector.broadcast %add3A_725 : i32 to vector<16xi32>
          %add3A_727 = arith.addi %mul3A_724, %add3A_726 : vector<16xi32>
          tpu.vector_store_idx %arg13[%add3A_727], %add3A_721 : memref<256xf32, #tpu.memory_space<vmem>>[vector<16xi32>], vector<16xf32>,
          %mul3A_728 = arith.constant 16 : i32
          %mul3A_729 = arith.muli %add3A_139, %mul3A_728 : i32
          %add3A_730 = arith.constant 12 : i32
          %add3A_731 = arith.addi %mul3A_729, %add3A_730 : i32
          %get3A_732 = arith.index_cast %add3A_731 : i32 to index
          %get3A_733 = arith.constant 0 : index
          %get3A_734 = tpu.vector_load %arg11[%get3A_732, %get3A_733] {strides = array<i32>} : memref<208x128xf32, #tpu.memory_space<vmem>>, vector<16xf32>,
          %mul3A_735 = arith.mulf %get3A_734, %get3A_108 : vector<16xf32>
          %get3A_736 = arith.index_cast %add3A_731 : i32 to index
          %get3A_737 = arith.constant 16 : index
          %get3A_738 = tpu.vector_load %arg11[%get3A_736, %get3A_737] {strides = array<i32>} : memref<208x128xf32, #tpu.memory_space<vmem>>, vector<16xf32>,
          %mul3A_739 = arith.mulf %get3A_738, %get3A_111 : vector<16xf32>
          %add3A_740 = arith.addf %mul3A_735, %mul3A_739 : vector<16xf32>
          %get3A_741 = arith.index_cast %add3A_731 : i32 to index
          %get3A_742 = arith.constant 32 : index
          %get3A_743 = tpu.vector_load %arg11[%get3A_741, %get3A_742] {strides = array<i32>} : memref<208x128xf32, #tpu.memory_space<vmem>>, vector<16xf32>,
          %mul3A_744 = arith.mulf %get3A_743, %get3A_114 : vector<16xf32>
          %add3A_745 = arith.addf %add3A_740, %mul3A_744 : vector<16xf32>
          %get3A_746 = arith.index_cast %add3A_731 : i32 to index
          %get3A_747 = arith.constant 48 : index
          %get3A_748 = tpu.vector_load %arg11[%get3A_746, %get3A_747] {strides = array<i32>} : memref<208x128xf32, #tpu.memory_space<vmem>>, vector<16xf32>,
          %mul3A_749 = arith.mulf %get3A_748, %get3A_117 : vector<16xf32>
          %add3A_750 = arith.addf %add3A_745, %mul3A_749 : vector<16xf32>
          %get3A_751 = arith.index_cast %add3A_731 : i32 to index
          %get3A_752 = arith.constant 64 : index
          %get3A_753 = tpu.vector_load %arg11[%get3A_751, %get3A_752] {strides = array<i32>} : memref<208x128xf32, #tpu.memory_space<vmem>>, vector<16xf32>,
          %mul3A_754 = arith.mulf %get3A_753, %get3A_120 : vector<16xf32>
          %add3A_755 = arith.addf %add3A_750, %mul3A_754 : vector<16xf32>
          %get3A_756 = arith.index_cast %add3A_731 : i32 to index
          %get3A_757 = arith.constant 80 : index
          %get3A_758 = tpu.vector_load %arg11[%get3A_756, %get3A_757] {strides = array<i32>} : memref<208x128xf32, #tpu.memory_space<vmem>>, vector<16xf32>,
          %mul3A_759 = arith.mulf %get3A_758, %get3A_123 : vector<16xf32>
          %add3A_760 = arith.addf %add3A_755, %mul3A_759 : vector<16xf32>
          %get3A_761 = arith.index_cast %add3A_731 : i32 to index
          %get3A_762 = arith.constant 96 : index
          %get3A_763 = tpu.vector_load %arg11[%get3A_761, %get3A_762] {strides = array<i32>} : memref<208x128xf32, #tpu.memory_space<vmem>>, vector<16xf32>,
          %mul3A_764 = arith.mulf %get3A_763, %get3A_126 : vector<16xf32>
          %add3A_765 = arith.addf %add3A_760, %mul3A_764 : vector<16xf32>
          %get3A_766 = arith.index_cast %add3A_731 : i32 to index
          %get3A_767 = arith.constant 112 : index
          %get3A_768 = tpu.vector_load %arg11[%get3A_766, %get3A_767] {strides = array<i32>} : memref<208x128xf32, #tpu.memory_space<vmem>>, vector<16xf32>,
          %mul3A_769 = arith.mulf %get3A_768, %get3A_129 : vector<16xf32>
          %add3A_770 = arith.addf %add3A_765, %mul3A_769 : vector<16xf32>
          %mul3A_771 = arith.constant 16 : i32
          %mul3A_772 = vector.broadcast %mul3A_771 : i32 to vector<16xi32>
          %mul3A_773 = arith.muli %iota3A, %mul3A_772 : vector<16xi32>
          %add3A_774 = arith.constant 12 : i32
          %add3A_775 = vector.broadcast %add3A_774 : i32 to vector<16xi32>
          %add3A_776 = arith.addi %mul3A_773, %add3A_775 : vector<16xi32>
          tpu.vector_store_idx %arg13[%add3A_776], %add3A_770 : memref<256xf32, #tpu.memory_space<vmem>>[vector<16xi32>], vector<16xf32>,
          %mul3A_777 = arith.constant 16 : i32
          %mul3A_778 = arith.muli %add3A_139, %mul3A_777 : i32
          %add3A_779 = arith.constant 13 : i32
          %add3A_780 = arith.addi %mul3A_778, %add3A_779 : i32
          %get3A_781 = arith.index_cast %add3A_780 : i32 to index
          %get3A_782 = arith.constant 0 : index
          %get3A_783 = tpu.vector_load %arg11[%get3A_781, %get3A_782] {strides = array<i32>} : memref<208x128xf32, #tpu.memory_space<vmem>>, vector<16xf32>,
          %mul3A_784 = arith.mulf %get3A_783, %get3A_108 : vector<16xf32>
          %get3A_785 = arith.index_cast %add3A_780 : i32 to index
          %get3A_786 = arith.constant 16 : index
          %get3A_787 = tpu.vector_load %arg11[%get3A_785, %get3A_786] {strides = array<i32>} : memref<208x128xf32, #tpu.memory_space<vmem>>, vector<16xf32>,
          %mul3A_788 = arith.mulf %get3A_787, %get3A_111 : vector<16xf32>
          %add3A_789 = arith.addf %mul3A_784, %mul3A_788 : vector<16xf32>
          %get3A_790 = arith.index_cast %add3A_780 : i32 to index
          %get3A_791 = arith.constant 32 : index
          %get3A_792 = tpu.vector_load %arg11[%get3A_790, %get3A_791] {strides = array<i32>} : memref<208x128xf32, #tpu.memory_space<vmem>>, vector<16xf32>,
          %mul3A_793 = arith.mulf %get3A_792, %get3A_114 : vector<16xf32>
          %add3A_794 = arith.addf %add3A_789, %mul3A_793 : vector<16xf32>
          %get3A_795 = arith.index_cast %add3A_780 : i32 to index
          %get3A_796 = arith.constant 48 : index
          %get3A_797 = tpu.vector_load %arg11[%get3A_795, %get3A_796] {strides = array<i32>} : memref<208x128xf32, #tpu.memory_space<vmem>>, vector<16xf32>,
          %mul3A_798 = arith.mulf %get3A_797, %get3A_117 : vector<16xf32>
          %add3A_799 = arith.addf %add3A_794, %mul3A_798 : vector<16xf32>
          %get3A_800 = arith.index_cast %add3A_780 : i32 to index
          %get3A_801 = arith.constant 64 : index
          %get3A_802 = tpu.vector_load %arg11[%get3A_800, %get3A_801] {strides = array<i32>} : memref<208x128xf32, #tpu.memory_space<vmem>>, vector<16xf32>,
          %mul3A_803 = arith.mulf %get3A_802, %get3A_120 : vector<16xf32>
          %add3A_804 = arith.addf %add3A_799, %mul3A_803 : vector<16xf32>
          %get3A_805 = arith.index_cast %add3A_780 : i32 to index
          %get3A_806 = arith.constant 80 : index
          %get3A_807 = tpu.vector_load %arg11[%get3A_805, %get3A_806] {strides = array<i32>} : memref<208x128xf32, #tpu.memory_space<vmem>>, vector<16xf32>,
          %mul3A_808 = arith.mulf %get3A_807, %get3A_123 : vector<16xf32>
          %add3A_809 = arith.addf %add3A_804, %mul3A_808 : vector<16xf32>
          %get3A_810 = arith.index_cast %add3A_780 : i32 to index
          %get3A_811 = arith.constant 96 : index
          %get3A_812 = tpu.vector_load %arg11[%get3A_810, %get3A_811] {strides = array<i32>} : memref<208x128xf32, #tpu.memory_space<vmem>>, vector<16xf32>,
          %mul3A_813 = arith.mulf %get3A_812, %get3A_126 : vector<16xf32>
          %add3A_814 = arith.addf %add3A_809, %mul3A_813 : vector<16xf32>
          %get3A_815 = arith.index_cast %add3A_780 : i32 to index
          %get3A_816 = arith.constant 112 : index
          %get3A_817 = tpu.vector_load %arg11[%get3A_815, %get3A_816] {strides = array<i32>} : memref<208x128xf32, #tpu.memory_space<vmem>>, vector<16xf32>,
          %mul3A_818 = arith.mulf %get3A_817, %get3A_129 : vector<16xf32>
          %add3A_819 = arith.addf %add3A_814, %mul3A_818 : vector<16xf32>
          %mul3A_820 = arith.constant 16 : i32
          %mul3A_821 = vector.broadcast %mul3A_820 : i32 to vector<16xi32>
          %mul3A_822 = arith.muli %iota3A, %mul3A_821 : vector<16xi32>
          %add3A_823 = arith.constant 13 : i32
          %add3A_824 = vector.broadcast %add3A_823 : i32 to vector<16xi32>
          %add3A_825 = arith.addi %mul3A_822, %add3A_824 : vector<16xi32>
          tpu.vector_store_idx %arg13[%add3A_825], %add3A_819 : memref<256xf32, #tpu.memory_space<vmem>>[vector<16xi32>], vector<16xf32>,
          %mul3A_826 = arith.constant 16 : i32
          %mul3A_827 = arith.muli %add3A_139, %mul3A_826 : i32
          %add3A_828 = arith.constant 14 : i32
          %add3A_829 = arith.addi %mul3A_827, %add3A_828 : i32
          %get3A_830 = arith.index_cast %add3A_829 : i32 to index
          %get3A_831 = arith.constant 0 : index
          %get3A_832 = tpu.vector_load %arg11[%get3A_830, %get3A_831] {strides = array<i32>} : memref<208x128xf32, #tpu.memory_space<vmem>>, vector<16xf32>,
          %mul3A_833 = arith.mulf %get3A_832, %get3A_108 : vector<16xf32>
          %get3A_834 = arith.index_cast %add3A_829 : i32 to index
          %get3A_835 = arith.constant 16 : index
          %get3A_836 = tpu.vector_load %arg11[%get3A_834, %get3A_835] {strides = array<i32>} : memref<208x128xf32, #tpu.memory_space<vmem>>, vector<16xf32>,
          %mul3A_837 = arith.mulf %get3A_836, %get3A_111 : vector<16xf32>
          %add3A_838 = arith.addf %mul3A_833, %mul3A_837 : vector<16xf32>
          %get3A_839 = arith.index_cast %add3A_829 : i32 to index
          %get3A_840 = arith.constant 32 : index
          %get3A_841 = tpu.vector_load %arg11[%get3A_839, %get3A_840] {strides = array<i32>} : memref<208x128xf32, #tpu.memory_space<vmem>>, vector<16xf32>,
          %mul3A_842 = arith.mulf %get3A_841, %get3A_114 : vector<16xf32>
          %add3A_843 = arith.addf %add3A_838, %mul3A_842 : vector<16xf32>
          %get3A_844 = arith.index_cast %add3A_829 : i32 to index
          %get3A_845 = arith.constant 48 : index
          %get3A_846 = tpu.vector_load %arg11[%get3A_844, %get3A_845] {strides = array<i32>} : memref<208x128xf32, #tpu.memory_space<vmem>>, vector<16xf32>,
          %mul3A_847 = arith.mulf %get3A_846, %get3A_117 : vector<16xf32>
          %add3A_848 = arith.addf %add3A_843, %mul3A_847 : vector<16xf32>
          %get3A_849 = arith.index_cast %add3A_829 : i32 to index
          %get3A_850 = arith.constant 64 : index
          %get3A_851 = tpu.vector_load %arg11[%get3A_849, %get3A_850] {strides = array<i32>} : memref<208x128xf32, #tpu.memory_space<vmem>>, vector<16xf32>,
          %mul3A_852 = arith.mulf %get3A_851, %get3A_120 : vector<16xf32>
          %add3A_853 = arith.addf %add3A_848, %mul3A_852 : vector<16xf32>
          %get3A_854 = arith.index_cast %add3A_829 : i32 to index
          %get3A_855 = arith.constant 80 : index
          %get3A_856 = tpu.vector_load %arg11[%get3A_854, %get3A_855] {strides = array<i32>} : memref<208x128xf32, #tpu.memory_space<vmem>>, vector<16xf32>,
          %mul3A_857 = arith.mulf %get3A_856, %get3A_123 : vector<16xf32>
          %add3A_858 = arith.addf %add3A_853, %mul3A_857 : vector<16xf32>
          %get3A_859 = arith.index_cast %add3A_829 : i32 to index
          %get3A_860 = arith.constant 96 : index
          %get3A_861 = tpu.vector_load %arg11[%get3A_859, %get3A_860] {strides = array<i32>} : memref<208x128xf32, #tpu.memory_space<vmem>>, vector<16xf32>,
          %mul3A_862 = arith.mulf %get3A_861, %get3A_126 : vector<16xf32>
          %add3A_863 = arith.addf %add3A_858, %mul3A_862 : vector<16xf32>
          %get3A_864 = arith.index_cast %add3A_829 : i32 to index
          %get3A_865 = arith.constant 112 : index
          %get3A_866 = tpu.vector_load %arg11[%get3A_864, %get3A_865] {strides = array<i32>} : memref<208x128xf32, #tpu.memory_space<vmem>>, vector<16xf32>,
          %mul3A_867 = arith.mulf %get3A_866, %get3A_129 : vector<16xf32>
          %add3A_868 = arith.addf %add3A_863, %mul3A_867 : vector<16xf32>
          %mul3A_869 = arith.constant 16 : i32
          %mul3A_870 = vector.broadcast %mul3A_869 : i32 to vector<16xi32>
          %mul3A_871 = arith.muli %iota3A, %mul3A_870 : vector<16xi32>
          %add3A_872 = arith.constant 14 : i32
          %add3A_873 = vector.broadcast %add3A_872 : i32 to vector<16xi32>
          %add3A_874 = arith.addi %mul3A_871, %add3A_873 : vector<16xi32>
          tpu.vector_store_idx %arg13[%add3A_874], %add3A_868 : memref<256xf32, #tpu.memory_space<vmem>>[vector<16xi32>], vector<16xf32>,
          %mul3A_875 = arith.constant 16 : i32
          %mul3A_876 = arith.muli %add3A_139, %mul3A_875 : i32
          %add3A_877 = arith.constant 15 : i32
          %add3A_878 = arith.addi %mul3A_876, %add3A_877 : i32
          %get3A_879 = arith.index_cast %add3A_878 : i32 to index
          %get3A_880 = arith.constant 0 : index
          %get3A_881 = tpu.vector_load %arg11[%get3A_879, %get3A_880] {strides = array<i32>} : memref<208x128xf32, #tpu.memory_space<vmem>>, vector<16xf32>,
          %mul3A_882 = arith.mulf %get3A_881, %get3A_108 : vector<16xf32>
          %get3A_883 = arith.index_cast %add3A_878 : i32 to index
          %get3A_884 = arith.constant 16 : index
          %get3A_885 = tpu.vector_load %arg11[%get3A_883, %get3A_884] {strides = array<i32>} : memref<208x128xf32, #tpu.memory_space<vmem>>, vector<16xf32>,
          %mul3A_886 = arith.mulf %get3A_885, %get3A_111 : vector<16xf32>
          %add3A_887 = arith.addf %mul3A_882, %mul3A_886 : vector<16xf32>
          %get3A_888 = arith.index_cast %add3A_878 : i32 to index
          %get3A_889 = arith.constant 32 : index
          %get3A_890 = tpu.vector_load %arg11[%get3A_888, %get3A_889] {strides = array<i32>} : memref<208x128xf32, #tpu.memory_space<vmem>>, vector<16xf32>,
          %mul3A_891 = arith.mulf %get3A_890, %get3A_114 : vector<16xf32>
          %add3A_892 = arith.addf %add3A_887, %mul3A_891 : vector<16xf32>
          %get3A_893 = arith.index_cast %add3A_878 : i32 to index
          %get3A_894 = arith.constant 48 : index
          %get3A_895 = tpu.vector_load %arg11[%get3A_893, %get3A_894] {strides = array<i32>} : memref<208x128xf32, #tpu.memory_space<vmem>>, vector<16xf32>,
          %mul3A_896 = arith.mulf %get3A_895, %get3A_117 : vector<16xf32>
          %add3A_897 = arith.addf %add3A_892, %mul3A_896 : vector<16xf32>
          %get3A_898 = arith.index_cast %add3A_878 : i32 to index
          %get3A_899 = arith.constant 64 : index
          %get3A_900 = tpu.vector_load %arg11[%get3A_898, %get3A_899] {strides = array<i32>} : memref<208x128xf32, #tpu.memory_space<vmem>>, vector<16xf32>,
          %mul3A_901 = arith.mulf %get3A_900, %get3A_120 : vector<16xf32>
          %add3A_902 = arith.addf %add3A_897, %mul3A_901 : vector<16xf32>
          %get3A_903 = arith.index_cast %add3A_878 : i32 to index
          %get3A_904 = arith.constant 80 : index
          %get3A_905 = tpu.vector_load %arg11[%get3A_903, %get3A_904] {strides = array<i32>} : memref<208x128xf32, #tpu.memory_space<vmem>>, vector<16xf32>,
          %mul3A_906 = arith.mulf %get3A_905, %get3A_123 : vector<16xf32>
          %add3A_907 = arith.addf %add3A_902, %mul3A_906 : vector<16xf32>
          %get3A_908 = arith.index_cast %add3A_878 : i32 to index
          %get3A_909 = arith.constant 96 : index
          %get3A_910 = tpu.vector_load %arg11[%get3A_908, %get3A_909] {strides = array<i32>} : memref<208x128xf32, #tpu.memory_space<vmem>>, vector<16xf32>,
          %mul3A_911 = arith.mulf %get3A_910, %get3A_126 : vector<16xf32>
          %add3A_912 = arith.addf %add3A_907, %mul3A_911 : vector<16xf32>
          %get3A_913 = arith.index_cast %add3A_878 : i32 to index
          %get3A_914 = arith.constant 112 : index
          %get3A_915 = tpu.vector_load %arg11[%get3A_913, %get3A_914] {strides = array<i32>} : memref<208x128xf32, #tpu.memory_space<vmem>>, vector<16xf32>,
          %mul3A_916 = arith.mulf %get3A_915, %get3A_129 : vector<16xf32>
          %add3A_917 = arith.addf %add3A_912, %mul3A_916 : vector<16xf32>
          %mul3A_918 = arith.constant 16 : i32
          %mul3A_919 = vector.broadcast %mul3A_918 : i32 to vector<16xi32>
          %mul3A_920 = arith.muli %iota3A, %mul3A_919 : vector<16xi32>
          %add3A_921 = arith.constant 15 : i32
          %add3A_922 = vector.broadcast %add3A_921 : i32 to vector<16xi32>
          %add3A_923 = arith.addi %mul3A_920, %add3A_922 : vector<16xi32>
          tpu.vector_store_idx %arg13[%add3A_923], %add3A_917 : memref<256xf32, #tpu.memory_space<vmem>>[vector<16xi32>], vector<16xf32>,
          %get3A_924 = arith.constant 0 : index
          %get3A_925 = tpu.vector_load %arg13[%get3A_924] {strides = array<i32>} : memref<256xf32, #tpu.memory_space<vmem>>, vector<16xf32>,
          %get3A_926 = arith.constant 16 : index
          %get3A_927 = tpu.vector_load %arg13[%get3A_926] {strides = array<i32>} : memref<256xf32, #tpu.memory_space<vmem>>, vector<16xf32>,
          %add3A_928 = arith.addf %get3A_925, %get3A_927 : vector<16xf32>
          %get3A_929 = arith.constant 32 : index
          %get3A_930 = tpu.vector_load %arg13[%get3A_929] {strides = array<i32>} : memref<256xf32, #tpu.memory_space<vmem>>, vector<16xf32>,
          %add3A_931 = arith.addf %add3A_928, %get3A_930 : vector<16xf32>
          %get3A_932 = arith.constant 48 : index
          %get3A_933 = tpu.vector_load %arg13[%get3A_932] {strides = array<i32>} : memref<256xf32, #tpu.memory_space<vmem>>, vector<16xf32>,
          %add3A_934 = arith.addf %add3A_931, %get3A_933 : vector<16xf32>
          %get3A_935 = arith.constant 64 : index
          %get3A_936 = tpu.vector_load %arg13[%get3A_935] {strides = array<i32>} : memref<256xf32, #tpu.memory_space<vmem>>, vector<16xf32>,
          %add3A_937 = arith.addf %add3A_934, %get3A_936 : vector<16xf32>
          %get3A_938 = arith.constant 80 : index
          %get3A_939 = tpu.vector_load %arg13[%get3A_938] {strides = array<i32>} : memref<256xf32, #tpu.memory_space<vmem>>, vector<16xf32>,
          %add3A_940 = arith.addf %add3A_937, %get3A_939 : vector<16xf32>
          %get3A_941 = arith.constant 96 : index
          %get3A_942 = tpu.vector_load %arg13[%get3A_941] {strides = array<i32>} : memref<256xf32, #tpu.memory_space<vmem>>, vector<16xf32>,
          %add3A_943 = arith.addf %add3A_940, %get3A_942 : vector<16xf32>
          %get3A_944 = arith.constant 112 : index
          %get3A_945 = tpu.vector_load %arg13[%get3A_944] {strides = array<i32>} : memref<256xf32, #tpu.memory_space<vmem>>, vector<16xf32>,
          %add3A_946 = arith.addf %add3A_943, %get3A_945 : vector<16xf32>
          %get3A_947 = arith.constant 128 : index
          %get3A_948 = tpu.vector_load %arg13[%get3A_947] {strides = array<i32>} : memref<256xf32, #tpu.memory_space<vmem>>, vector<16xf32>,
          %add3A_949 = arith.addf %add3A_946, %get3A_948 : vector<16xf32>
          %get3A_950 = arith.constant 144 : index
          %get3A_951 = tpu.vector_load %arg13[%get3A_950] {strides = array<i32>} : memref<256xf32, #tpu.memory_space<vmem>>, vector<16xf32>,
          %add3A_952 = arith.addf %add3A_949, %get3A_951 : vector<16xf32>
          %get3A_953 = arith.constant 160 : index
          %get3A_954 = tpu.vector_load %arg13[%get3A_953] {strides = array<i32>} : memref<256xf32, #tpu.memory_space<vmem>>, vector<16xf32>,
          %add3A_955 = arith.addf %add3A_952, %get3A_954 : vector<16xf32>
          %get3A_956 = arith.constant 176 : index
          %get3A_957 = tpu.vector_load %arg13[%get3A_956] {strides = array<i32>} : memref<256xf32, #tpu.memory_space<vmem>>, vector<16xf32>,
          %add3A_958 = arith.addf %add3A_955, %get3A_957 : vector<16xf32>
          %get3A_959 = arith.constant 192 : index
          %get3A_960 = tpu.vector_load %arg13[%get3A_959] {strides = array<i32>} : memref<256xf32, #tpu.memory_space<vmem>>, vector<16xf32>,
          %add3A_961 = arith.addf %add3A_958, %get3A_960 : vector<16xf32>
          %get3A_962 = arith.constant 208 : index
          %get3A_963 = tpu.vector_load %arg13[%get3A_962] {strides = array<i32>} : memref<256xf32, #tpu.memory_space<vmem>>, vector<16xf32>,
          %add3A_964 = arith.addf %add3A_961, %get3A_963 : vector<16xf32>
          %get3A_965 = arith.constant 224 : index
          %get3A_966 = tpu.vector_load %arg13[%get3A_965] {strides = array<i32>} : memref<256xf32, #tpu.memory_space<vmem>>, vector<16xf32>,
          %add3A_967 = arith.addf %add3A_964, %get3A_966 : vector<16xf32>
          %get3A_968 = arith.constant 240 : index
          %get3A_969 = tpu.vector_load %arg13[%get3A_968] {strides = array<i32>} : memref<256xf32, #tpu.memory_space<vmem>>, vector<16xf32>,
          %add3A_970 = arith.addf %add3A_967, %get3A_969 : vector<16xf32>
          %mul3A_971 = arith.constant 16 : i32
          %mul3A_972 = arith.muli %add3A_139, %mul3A_971 : i32
          %swap3A = arith.index_cast %add3A_92 : i32 to index
          %swap3A_973 = arith.index_cast %mul3A_972 : i32 to index
          %swap3A_974 = tpu.vector_load %arg12[%swap3A, %swap3A_973] {strides = array<i32>} : memref<64x208xf32, #tpu.memory_space<vmem>>, vector<16xf32>,
          tpu.vector_store %arg12[%swap3A, %swap3A_973], %add3A_970 {strides = array<i32>} : memref<64x208xf32, #tpu.memory_space<vmem>>, vector<16xf32>,
        }
        %scan3A_134 = arith.constant 13 : i32
      }
      %scan3A_45 = arith.constant 32 : i32
      "tpu.region"() ({
        %run_scoped3A = tpu.sem_alloc : memref<!tpu.dma_semaphore, #tpu.memory_space<semaphore_mem>>
        %dma_start3A_46 = arith.constant 0 : i32
        %dma_start3A_47 = tpu.memref_slice %arg6[%add3A_14, %dma_start3A_46] : memref<16384x208xf32, #tpu.memory_space<hbm>> -> memref<64x208xf32, #tpu.memory_space<hbm>>
        %dma_start3A_48 = arith.constant 0 : i32
        %dma_start3A_49 = tpu.memref_slice %arg6[%add3A_14, %dma_start3A_48] : memref<16384x208xf32, #tpu.memory_space<hbm>> -> memref<64x208xf32, #tpu.memory_space<hbm>>
        tpu.enqueue_dma source(%arg12 : memref<64x208xf32, #tpu.memory_space<vmem>>) target(%dma_start3A_49 : memref<64x208xf32, #tpu.memory_space<hbm>>) target_semaphore(%run_scoped3A : memref<!tpu.dma_semaphore, #tpu.memory_space<semaphore_mem>>)
        %dma_wait3A_50 = arith.constant 0 : i32
        %dma_wait3A_51 = tpu.memref_slice %arg6[%add3A_14, %dma_wait3A_50] : memref<16384x208xf32, #tpu.memory_space<hbm>> -> memref<64x208xf32, #tpu.memory_space<hbm>>
        %dma_wait3A_52 = arith.constant 0 : i32
        %dma_wait3A_53 = tpu.memref_slice %arg6[%add3A_14, %dma_wait3A_52] : memref<16384x208xf32, #tpu.memory_space<hbm>> -> memref<64x208xf32, #tpu.memory_space<hbm>>
        tpu.wait_dma2 semaphore(%run_scoped3A : memref<!tpu.dma_semaphore, #tpu.memory_space<semaphore_mem>>) src(%arg12 : memref<64x208xf32, #tpu.memory_space<vmem>>) dst(%dma_wait3A_53 : memref<64x208xf32, #tpu.memory_space<hbm>>)
        tpu.yield
      }) : () -> ()
    }
    %scan3A_6 = arith.constant 8 : i32
    return
  }
}

module attributes {stable_mosaic.version = 14 : i64} {
  func.func @body(%arg0: i32, %arg1: memref<2048x208xf32, #tpu.memory_space<vmem>>, %arg2: memref<1x1xf32, #tpu.memory_space<smem>>) attributes {dimension_semantics = [#tpu.dimension_semantics<arbitrary>], iteration_bounds = array<i64: 8>, scalar_prefetch = 0 : i64, scratch_operands = 0 : i64, tpu.core_type = #tpu.core_type<tc>, window_params = [{transform_indices = @transform_0, window_bounds = array<i64: 2048, 208>}, {transform_indices = @transform_1, window_bounds = array<i64: 1, 1>}]} {
    %get3A = arith.constant 0 : index
    %get3A_0 = arith.constant 0 : index
    %get3A_1 = vector.load %arg1[%get3A, %get3A_0] : memref<2048x208xf32, #tpu.memory_space<vmem>>, vector<2048x208xf32>
    %iota3A = tpu.iota {dimensions = array<i32: 1>} : vector<2048x208xi32>
    %abs3A = math.absf %get3A_1 : vector<2048x208xf32>
    %neg3A = arith.constant 0.000000e+00 : f32
    %neg3A_2 = vector.broadcast %neg3A : f32 to vector<2048x208xf32>
    %neg3A_3 = arith.subf %neg3A_2, %abs3A : vector<2048x208xf32>
    %exp3A = math.exp %neg3A_3 : vector<2048x208xf32>
    %log1p3A = math.log1p %exp3A : vector<2048x208xf32>
    %eq3A = arith.constant 0 : i32
    %eq3A_4 = vector.broadcast %eq3A : i32 to vector<2048x208xi32>
    %eq3A_5 = arith.cmpi eq, %iota3A, %eq3A_4 : vector<2048x208xi32>
    %neg3A_6 = arith.constant 0.000000e+00 : f32
    %neg3A_7 = vector.broadcast %neg3A_6 : f32 to vector<2048x208xf32>
    %neg3A_8 = arith.subf %neg3A_7, %get3A_1 : vector<2048x208xf32>
    %max3A = arith.constant 0.000000e+00 : f32
    %max3A_9 = vector.broadcast %max3A : f32 to vector<2048x208xf32>
    %max3A_10 = arith.maximumf %neg3A_8, %max3A_9 : vector<2048x208xf32>
    %max3A_11 = arith.constant 0.000000e+00 : f32
    %max3A_12 = vector.broadcast %max3A_11 : f32 to vector<2048x208xf32>
    %max3A_13 = arith.maximumf %get3A_1, %max3A_12 : vector<2048x208xf32>
    %select_n3A = arith.select %eq3A_5, %max3A_10, %max3A_13 : vector<2048x208xi1>, vector<2048x208xf32>
    %lt3A = arith.constant 201 : i32
    %lt3A_14 = vector.broadcast %lt3A : i32 to vector<2048x208xi32>
    %lt3A_15 = arith.cmpi slt, %iota3A, %lt3A_14 : vector<2048x208xi32>
    %add3A = arith.addf %log1p3A, %select_n3A : vector<2048x208xf32>
    %jit3A = arith.constant 0.000000e+00 : f32
    %broadcast_in_dim3A = vector.broadcast %jit3A : f32 to vector<2048x208xf32>
    %select_n3A_16 = arith.select %lt3A_15, %add3A, %broadcast_in_dim3A : vector<2048x208xi1>, vector<2048x208xf32>
    %reduce_sum3A = vector.shape_cast %select_n3A_16 : vector<2048x208xf32> to vector<1x2048x208xf32>
    %reduce_sum3A_17 = arith.constant dense<0.000000e+00> : vector<1xf32>
    %reduce_sum3A_18 = vector.multi_reduction <add>, %reduce_sum3A, %reduce_sum3A_17 [1, 2] : vector<1x2048x208xf32> to vector<1xf32>
    %reduce_sum3A_19 = vector.shape_cast %reduce_sum3A_18 : vector<1xf32> to vector<1x1x1xf32>
    %reduce_sum3A_20 = vector.extract %reduce_sum3A_19[0, 0, 0] : f32 from vector<1x1x1xf32>
    %eq3A_21 = arith.constant 0 : i32
    %eq3A_22 = arith.cmpi eq, %arg0, %eq3A_21 : i32
    %convert_element_type3A = arith.extui %eq3A_22 : i1 to i32
    %cond3A = arith.constant 0 : i32
    %cond3A_23 = arith.cmpi ne, %convert_element_type3A, %cond3A : i32
    scf.if %cond3A_23 {
      %swap3A_30 = arith.constant 0.000000e+00 : f32
      %swap3A_31 = arith.constant 0 : index
      %swap3A_32 = arith.constant 0 : index
      %swap3A_33 = memref.load %arg2[%swap3A_31, %swap3A_32] : memref<1x1xf32, #tpu.memory_space<smem>>
      memref.store %swap3A_30, %arg2[%swap3A_31, %swap3A_32] : memref<1x1xf32, #tpu.memory_space<smem>>
    } else {
    }
    %get3A_24 = arith.constant 0 : index
    %get3A_25 = arith.constant 0 : index
    %get3A_26 = memref.load %arg2[%get3A_24, %get3A_25] : memref<1x1xf32, #tpu.memory_space<smem>>
    %add3A_27 = arith.addf %get3A_26, %reduce_sum3A_20 : f32
    %swap3A = arith.constant 0 : index
    %swap3A_28 = arith.constant 0 : index
    %swap3A_29 = memref.load %arg2[%swap3A, %swap3A_28] : memref<1x1xf32, #tpu.memory_space<smem>>
    memref.store %add3A_27, %arg2[%swap3A, %swap3A_28] : memref<1x1xf32, #tpu.memory_space<smem>>
    return
  }
  func.func @transform_0(%arg0: i32) -> (i32, i32) {
    %c0_i32 = arith.constant 0 : i32
    %c0_i32_0 = arith.constant 0 : i32
    return %arg0, %c0_i32 : i32, i32
  }
  func.func @transform_1(%arg0: i32) -> (i32, i32) {
    %c0_i32 = arith.constant 0 : i32
    %c0_i32_0 = arith.constant 0 : i32
    %c0_i32_1 = arith.constant 0 : i32
    return %c0_i32, %c0_i32_0 : i32, i32
  }
}

</mosaic_0001>

<sc_bundles>
// kernel: kernel.4.cloned.1.call-start
scs
__scs_entry_jumppad:
0x0: {  	(pc) =	sbr.rel $0x88, $3  }
0x1: {  	(tag) =	ssettag $0x0;
	lr =	simm.s32 $0x1  }
0x2: {  	[smem:$0x3F9C] =	sst lr;
	_ =	strace $0xD0000000  }
0x3: {  	_ = 	snop  }
0x4: {  	_ = 	snop  }
0x5: {  	_ = 	snop  }
0x6: {  	_ = 	snop  }
0x7: {  	_ = 	snop  }
__scs_overlays_trampoline_lowered:
0x8: {  	[smem:$0x3FAB] =	sst s0  }
0x9: {  	[smem:$0x3FAC] =	sst s1  }
0xa: {  	[smem:$0x3FAD] =	sst s2  }
0xb: {  	[smem:$0x3FAE] =	sst s3  }
0xc: {  	[smem:$0x3FAF] =	sst s4  }
0xd: {  	[smem:$0x3FB0] =	sst s5  }
0xe: {  	[smem:$0x3FB1] =	sst s6  }
0xf: {  	[smem:$0x3FB2] =	sst s7  }
0x10: {  	[smem:$0x3FB3] =	sst s8  }
0x11: {  	[smem:$0x3FB4] =	sst s9;
	s0 =	simm.s32 @!p0 $0x0  }
0x12: {  	s1 =	sld [smem:$0x3F9A];
	s0 =	simm.s32 @p0 $0x1  }
0x13: {  	[smem:$0x3FB5] =	sst s0;
	s0 =	simm.s32 @!p1 $0x0  }
0x14: {  	s2 =	sld [smem:$0x3F99];
	s0 =	simm.s32 @p1 $0x1  }
0x15: {  	[smem:$0x3FB6] =	sst s0;
	s0 =	simm.s32 @!p2 $0x0  }
0x16: {  	s3 =	sld [smem:$0x3FDB];
	s0 =	simm.s32 @p2 $0x1  }
0x17: {  	s4 =	simm.s32 $0x1BF5;
	[smem:$0x3FB8] =	sst s0  }
0x18: {  	s0 =	sld [smem:$0x3F9B];
	_ =	swait.ge [sflag:s4], $0x0  }
0x19: {  	s7 =	sld [smem:$0x3F9C]  }
0x1a: {  	s8 =	sadd.s32 $0xFFFFE003, lr  }
0x1b: {  	s9 =	sadd.s32 $0xFFFFFEF7, lr;
	s5 =	simm.s32 $0xFFFFFFFF;
	p2 =	slt.u32 s8, $0xFFFFF086  }
0x1c: {  	p1 =	slt.u32 s9, $0xF7A;
	s5 =	simm.s32 @!p2 $0x0  }
0x1d: {  	s5 =	simm.s32 @p1 $0x1;
	p0 =	seq.s32 s7, s2  }
0x1e: {  	s7 =	smul.u32 @!p0 $0xF7A, s2;
	p2 =	seq.s32 @!p0 s5, $0x0  }
0x1f: {  	s9 =	smul.u32 $0xF7A, s1;
	s8 =	simm.s32 @!p0 $0x1BF5;
	p2 =	por !p2, p0  }
0x20: {  	[sflag:s8] =	ssyncset.s32 @!p0 $0xFFFFF086;
	s6 =	sadd.s32 @!p0 s3, s7;
	s7 =	simm.s32 @!p0 $0x108  }
0x21: {  	s3 =	sadd.s32 s3, s9;
	s6 =	sadd.s32 @!p0 $0x88, s6;
	s7 =	simm.s32 @p2 $0x1082  }
0x22: {  	[simem:s7], [sflag:s8] =	dma.local @!p0 [hbm:s6], $0xF7A  }
0x23: {  	s9 =	sor.u32 $0xD0000000, s2;
	s6 =	simm.s32 $0x108;
	_ =	swait.ge @!p0 [sflag:s8], $0x0  }
0x24: {  	s3 =	sadd.s32 $0x88, s3;
	s6 =	simm.s32 @!p1 $0x1082;
	[sflag:s4] =	ssyncset.s32 $0xFFFFF086  }
0x25: {  	[simem:s6], [sflag:s4] =	dma.local [hbm:s3], $0xF7A  }
0x26: {  	[smem:$0x3F9C] =	sst s1;
	(tag) =	ssettag s2;
	_ =	strace s9  }
0x27: {  	s1 =	sld [smem:$0x3FAC]  }
0x28: {  	s2 =	sld [smem:$0x3FAD]  }
0x29: {  	s4 =	sld [smem:$0x3FAF]  }
0x2a: {  	p0 =	seq.s32 s5, $0x0;
	s5 =	sld [smem:$0x3FB0]  }
0x2b: {  	s6 =	sld [smem:$0x3FB1]  }
0x2c: {  	s7 =	sld [smem:$0x3FB2]  }
0x2d: {  	s3 =	simm.s32 $0x108;
	s8 =	sld [smem:$0x3FB3]  }
0x2e: {  	s3 =	simm.s32 @!p0 $0x1082;
	s9 =	sld [smem:$0x3FB4]  }
0x2f: {  	lr =	sadd.s32 s0, s3;
	s0 =	sld [smem:$0x3FAB]  }
0x30: {  	s3 =	sld [smem:$0x3FAE]  }
0x31: {  	[smem:$0x3FB7] =	sst s10  }
0x32: {  	s10 =	sld [smem:$0x3FB5];
	_ =	sdelay $0x3  }
0x33: {  	p0 =	seq.s32 s10, $0x1;
	s10 =	sld [smem:$0x3FB7];
	_ =	sdelay $0x3  }
0x34: {  	[smem:$0x3FB7] =	sst s10  }
0x35: {  	s10 =	sld [smem:$0x3FB6];
	_ =	sdelay $0x3  }
0x36: {  	p1 =	seq.s32 s10, $0x1;
	s10 =	sld [smem:$0x3FB7];
	_ =	sdelay $0x3  }
0x37: {  	[smem:$0x3FB7] =	sst s10  }
0x38: {  	s10 =	sld [smem:$0x3FB8]  }
0x39: {  	_ = 	snop;
	(pc) =	sbr.ind lr, $3  }
0x3a: {  	_ = 	snop  }
0x3b: {  	_ = 	snop  }
0x3c: {  	p2 =	seq.s32 s10, $0x1;
	s10 =	sld [smem:$0x3FB7]  }
0x3d: {  	_ =	shalt  }
0x3e: {  	_ =	shalt  }
0x3f: {  	_ =	shalt  }
0x40: {  	_ =	shalt  }
0x41: {  	_ =	shalt  }
0x42: {  	_ =	shalt  }
0x43: {  	_ =	shalt  }
0x44: {  	_ =	shalt  }
0x45: {  	_ =	shalt  }
0x46: {  	_ =	shalt  }
0x47: {  	_ =	shalt  }
0x48: {  	_ =	shalt  }
0x49: {  	_ =	shalt  }
0x4a: {  	_ =	shalt  }
0x4b: {  	_ =	shalt  }
0x4c: {  	_ =	shalt  }
0x4d: {  	_ =	shalt  }
0x4e: {  	_ =	shalt  }
0x4f: {  	_ =	shalt  }
0x50: {  	_ =	shalt  }
0x51: {  	_ =	shalt  }
0x52: {  	_ =	shalt  }
0x53: {  	_ =	shalt  }
0x54: {  	_ =	shalt  }
0x55: {  	_ =	shalt  }
0x56: {  	_ =	shalt  }
0x57: {  	_ =	shalt  }
0x58: {  	_ =	shalt  }
0x59: {  	_ =	shalt  }
0x5a: {  	_ =	shalt  }
0x5b: {  	_ =	shalt  }
0x5c: {  	_ =	shalt  }
0x5d: {  	_ =	shalt  }
0x5e: {  	_ =	shalt  }
0x5f: {  	_ =	shalt  }
0x60: {  	_ =	shalt  }
0x61: {  	_ =	shalt  }
0x62: {  	_ =	shalt  }
0x63: {  	_ =	shalt  }
0x64: {  	_ =	shalt  }
0x65: {  	_ =	shalt  }
0x66: {  	_ =	shalt  }
0x67: {  	_ =	shalt  }
0x68: {  	_ =	shalt  }
0x69: {  	_ =	shalt  }
0x6a: {  	_ =	shalt  }
0x6b: {  	_ =	shalt  }
0x6c: {  	_ =	shalt  }
0x6d: {  	_ =	shalt  }
0x6e: {  	_ =	shalt  }
0x6f: {  	_ =	shalt  }
0x70: {  	_ =	shalt  }
0x71: {  	_ =	shalt  }
0x72: {  	_ =	shalt  }
0x73: {  	_ =	shalt  }
0x74: {  	_ =	shalt  }
0x75: {  	_ =	shalt  }
0x76: {  	_ =	shalt  }
0x77: {  	_ =	shalt  }
0x78: {  	_ =	shalt  }
0x79: {  	_ =	shalt  }
0x7a: {  	_ =	shalt  }
0x7b: {  	_ =	shalt  }
0x7c: {  	_ =	shalt  }
0x7d: {  	_ =	shalt  }
0x7e: {  	_ =	shalt  }
0x7f: {  	_ =	shalt  }
0x80: {  	_ =	shalt  }
0x81: {  	_ =	shalt  }
0x82: {  	_ =	shalt  }
0x83: {  	_ =	shalt  }
0x84: {  	_ =	shalt  }
0x85: {  	_ =	shalt  }
0x86: {  	_ =	shalt  }
0x87: {  	_ =	shalt  }
.Lfunc_end0:
.L_simem_size_0:
called_computation_lowered:
.L_overlay_start_0:
0x88: {  	s2 =	sld [smem:$0x3FD9]  }
0x89: {  	s3 =	sld [smem:$0x3FFE];
	_ =	sdelay $0x1  }
0x8a: {  	s1 =	srdreg.scid  }
0x8b: {  	s0 =	sand.u32 $0x1, s1  }
0x8c: {  	s17 =	sshll.u32 s0, $0xA;
	s2 =	sadd.s32 s3, s2  }
0x8d: {  	s2 =	sadd.s32 s2, s17  }
0x8e: {  	[smem:$0x3FC3] =	sst s2  }
0x8f: {  	_ = 	snop  }
0x90: {  	s2 =	sld [smem:$0x3FC9]  }
0x91: {  	s18 =	sld [smem:$0x3FC6]  }
0x92: {  	s4 =	sld [smem:$0x3FC5];
	(tm) =	ssettm $0x1  }
0x93: {  	s5 =	sld [smem:$0x3FFB];
	_ =	sdelay $0x3  }
0x94: {  	_ =	strace s5  }
0x95: {  	s5 =	sld [smem:$0x3FFC];
	_ =	sdelay $0x3  }
0x96: {  	_ =	strace s5  }
0x97: {  	s5 =	sld [smem:$0x3FFD];
	_ =	sdelay $0x3  }
0x98: {  	_ =	strace s5  }
0x99: {  	_ =	strace $0x8FFFFFFF  }
0x9a: {  	s19 =	sld [smem:$0x3FDB];
	_ =	sdelay $0x1  }
0x9b: {  	s6 =	simm.s32 $_scs_section_size  }
0x9c: {  	s7 =	simm.s32 $_size__tile_overlayer_lowered;
	s8 =	simm.s32 $_tile_overlayer_lowered  }
0x9d: {  	s22 =	simm.s32 $0x1BFF;
	s21 =	sshll.u32 s8, $0x1;
	s5 =	sadd.s32 s6, s19  }
0x9e: {  	s9 =	simm.s32 $0x0;
	s20 =	sshll.u32 s7, $0x1;
	s7 =	sadd.s32 s21, s5  }
0x9f: {  	[timem:s9], [sflag:s22] =	dma.local [hbm:s7], s20  }
0xa0: {  	_ =	swait.ge [sflag:s22], s20  }
0xa1: {  	s6 =	ssub.s32 $0x0, s20;
	[sflag:s22] =	ssyncset.done $0x0  }
0xa2: {  	[sflag:s22] =	ssyncadd.s32 s6;
	_ =	sdelay $0x1  }
0xa3: {  	s23 =	simm.s32 $0x1B8B  }
0xa4: {  	_ =	swait.ge [sflag:s23], $0x1  }
0xa5: {  	[sflag:s23] =	ssyncset.done $0x0  }
0xa6: {  	s25 =	simm.s32 $0x1B8E;
	s24 =	sld [smem:$0x3FFE];
	[sflag:s23] =	ssyncadd.s32 $0xFFFFFFFF  }
0xa7: {  	s26 =	simm.s32 $execute0_lowered;
	[smem:$0x3FD2] =	sst s25  }
0xa8: {  	s7 =	sshll.u32 s26, $0x1;
	_ =	strace $0x80000046;
	[dreg:$0x1] =	wrdreg $0xFFFFFFFF  }
0xa9: {  	s28 =	simm.s32 $_size_execute0_lowered;
	s5 =	sadd.s32 s5, s7;
	[dreg:$0x0] =	wrdreg $0x0  }
0xaa: {  	s7 =	sshll.u32 s28, $0x1;
	[dreg:$0x2] =	wrdreg s5  }
0xab: {  	[dreg:$0x3] =	wrdreg s7  }
0xac: {  	[dreg:$0x4] =	wrdreg $0xC0  }
0xad: {  	_ =	task [dreg:s9], $0x5FFFF  }
0xae: {  	[dreg:$0x1] =	wrdreg $0xFFFFFFFF  }
0xaf: {  	[dreg:$0x0] =	wrdreg $0x60  }
0xb0: {  	[dreg:$0x2] =	wrdreg s2  }
0xb1: {  	[dreg:$0x3] =	wrdreg s24  }
0xb2: {  	[dreg:$0x4] =	wrdreg s18  }
0xb3: {  	[dreg:$0x5] =	wrdreg s4  }
0xb4: {  	[dreg:$0x6] =	wrdreg $0x9  }
0xb5: {  	_ =	task.clear_ibuf [dreg:s9], $0x7FFFF;
	_ =	strace $0x90000046  }
0xb6: {  	s29 =	simm.s32 $0x9;
	_ =	strace $0x80000048  }
0xb7: {  	_ =	swait.ge [sflag:s29], $0x1  }
0xb8: {  	[sflag:s29] =	ssyncadd.s32 $0xFFFFFFFF  }
0xb9: {  	_ =	strace $0x90000048  }
0xba: {  	_ =	sfence  }
0xbb: {  	s30 =	sld [smem:$0x0];
	_ =	sdelay $0x2  }
0xbc: {  	s31 =	sshll.u32 s1, $0xD;
	s1 =	sshrl.u32 s1, $0x2  }
0xbd: {  	s3 =	sand.u32 $0x4000, s31;
	s1 =	sadd.s32 s1, s30  }
0xbe: {  	s0 =	sor.u32 s3, s0;
	s1 =	sshll.u32 s1, $0x11  }
0xbf: {  	s0 =	sor.u32 s1, s0  }
0xc0: {  	s0 =	sadd.s32 $0x8F2B, s0  }
0xc1: {  	[sflag:s0] =	ssyncadd.remote.s32 $0x1  }
0xc2: {  	_ =	sfence.sel $0xFFFF  }
0xc3: {  	[dreg:$0x0] =	wrdreg $0xFFFFFFFF;
	(pc) =	sbr.abs _section_cstart, $3  }
0xc4: {  	[dreg:$0x1] =	wrdreg $0xFFFFFFFF  }
0xc5: {  	_ =	task.clear_ibuf [dreg:s9], $0x2FFFF;
	_ =	strace $0x9FFFFFFF  }
0xc6: {  	(tm) =	ssettm $0x7FFFFFFF  }
0xc7: {  	_ =	shalt  }
tec
execute0_lowered:
.L_overlay_start_1:
0x0: {  	(tag) =	ssettag $0x1  }
0x1: {  	s0 =	rddreg [dreg:$0x1]  }
0x2: {  	s3 =	rddreg [dreg:$0x3];
	s4 =	simm.s32 $0x0;
	s5 =	srdreg.scid  }
0x3: {  	s1 =	stileid.u32;
	s10 =	simm.s32 $0x4;
	s11 =	simm.s32 $0x4000  }
0x4: {  	s12 =	simm.s32 $0x40;
	s13 =	simm.s32 $0x4080;
	s14 =	simm.s32 $0x3  }
0x5: {  	v0 =	vlaneseq.u32;
	s15 =	simm.s32 $0x68;
	s16 =	simm.s32 $0x6080;
	s17 =	simm.s32 $0x80  }
0x6: {  	s18 =	simm.s32 $0x9480;
	s19 =	simm.s32 $0x1;
	s20 =	simm.s32 $0xC880;
	v0 =	vmul.u32 $0x10, v0  }
0x7: {  	s21 =	simm.s32 $0xFC80;
	s22 =	simm.s32 $0x17080;
	s5 =	sand.u32 $0x1, s5  }
0x8: {  	s23 =	simm.s32 $0x2;
	s24 =	simm.s32 $0x13080;
	s8 =	ssub.s32 $0x2, s5;
	v1 =	vor.u32 $0x1, v0;
	v2 =	vor.u32 $0x2, v0;
	v3 =	vor.u32 $0x3, v0  }
0x9: {  	[smem:$0x7FF] =	sst s4;
	s6 =	sadd.s32 $0x600, s0;
	s30 =	sshrl.u32 s8, $0x1;
	v4 =	vor.u32 $0x4, v0;
	v5 =	vor.u32 $0x5, v0;
	v6 =	vor.u32 $0x6, v0  }
0xa: {  	s7 =	sadd.s32 $0x80600, s0;
	s31 =	sshll.u32 s1, $0xA;
	v7 =	vor.u32 $0x7, v0;
	v8 =	vor.u32 $0x8, v0;
	v9 =	vor.u32 $0x9, v0;
	s0 =	ssub.s32 s8, s30  }
0xb: {  	s1 =	simm.s32 $0x0;
	s5 =	sshll.u32 s5, $0x9;
	v10 =	vor.u32 $0xA, v0;
	v11 =	vor.u32 $0xB, v0;
	v12 =	vor.u32 $0xC, v0;
	s0 =	smax.u32 s0, $0x1  }
0xc: {  	_ =	strace $0x80000047;
	v13 =	vor.u32 $0xD, v0;
	v14 =	vor.u32 $0xE, v0;
	v15 =	vor.u32 $0xF, v0;
	s8 =	sor.u32 s5, s31;
	[dreg:$0x5] =	wrdreg s0  }
.LBB2_1:
0xd: {  	[dreg:$0x6] =	wrdreg s1;
	s26 =	simm.s32 $0x0  }
.LBB2_2:
0xe: {  	s0 =	sshll.u32 s26, $0x6  }
0xf: {  	s0 =	sadd.s32 s8, s0  }
0x10: {  	s28 =	sshll.u32 s0, $0x5  }
0x11: {  	s29 =	simm.s32 $0x0;
	s5 =	sadd.s32 s6, s28  }
0x12: {  	[tilespmem:s29], [sflag:$0x4] =	stream.linear.gather [hbm4b:s5+s29], $0x4000, $0x38;
	[tilespmem:$0x17180] =	vst v63  }
0x13: {  	_ =	swait.ge [sflag:s10], $0x4000  }
0x14: {  	[sflag:s10] =	ssyncset.done $0x0  }
0x15: {  	[sflag:s10] =	ssyncadd.s32 $0xFFFFC000  }
0x16: {  	s0 =	sshrl.u32 s0, $0x3;
	s1 =	rddreg [dreg:$0x0]  }
0x17: {  	s0 =	sadd.s32 s1, s0  }
0x18: {  	[tilespmem:s11], [sflag:$0x4] =	stream.linear.gather [hbm4b:s0+s29], $0x40, $0x38;
	[tilespmem:$0x17180] =	vst v63  }
0x19: {  	_ =	swait.ge [sflag:s10], $0x40  }
0x1a: {  	[sflag:s10] =	ssyncset.done $0x0  }
0x1b: {  	[sflag:s10] =	ssyncadd.s32 $0xFFFFFFC0  }
0x1c: {  	s31 =	rddreg [dreg:$0x2]  }
0x1d: {  	[tilespmem:s13], [sflag:$0x3] =	stream.indirect.gather [hbm4b:s31+s12], $0x80, s11, s12, $0xb8;
	[tilespmem:$0x17180] =	vst v63  }
0x1e: {  	_ =	swait.ge [sflag:s14], $0x2000  }
0x1f: {  	[sflag:s14] =	ssyncset.done $0x0  }
0x20: {  	[sflag:s14] =	ssyncadd.s32 $0xFFFFE000  }
0x21: {  	[tilespmem:s16], [sflag:$0x1] =	stream.indirect.gather [hbm4b:s3+s15], $0x80, s29, s15, $0xb8;
	[tilespmem:$0x17180] =	vst v63  }
0x22: {  	_ = 	snop  }
0x23: {  	[tilespmem:s18], [sflag:$0x1] =	stream.indirect.gather [hbm4b:s3+s15], $0x80, s17, s15, $0xb8;
	[tilespmem:$0x17180] =	vst v63  }
.LBB2_3:
0x24: {  	_ =	swait.ge [sflag:s19], $0x6800;
	s30 =	sshllo.u32 s29, $0x1  }
0x25: {  	[sflag:s19] =	ssyncset.done $0x0;
	s0 =	sshll.u32 s30, $0x8  }
0x26: {  	[sflag:s19] =	ssyncadd.s32 $0xFFFF9800;
	s0 =	sand.u32 $0x3FFFFF00, s0  }
0x27: {  	[tilespmem:s20], [sflag:$0x2] =	stream.indirect.gather [hbm4b:s3+s15], $0x80, s0, s15, $0xb8;
	[tilespmem:$0x17180] =	vst v63  }
0x28: {  	s5 =	sshll.u32 s29, $0x8;
	s0 =	sor.u32 $0x80, s0  }
0x29: {  	[tilespmem:s21], [sflag:$0x2] =	stream.indirect.gather [hbm4b:s3+s15], $0x80, s0, s15, $0xb8;
	[tilespmem:$0x17180] =	vst v63  }
0x2a: {  	v16 =	vld [tilespmem:s5+$0x4080]  }
0x2b: {  	v17 =	vld [tilespmem:s5+$0x4090]  }
0x2c: {  	v18 =	vld [tilespmem:s5+$0x40A0]  }
0x2d: {  	v19 =	vld [tilespmem:s5+$0x40B0]  }
0x2e: {  	s25 =	sshll.u32 s29, $0x9;
	v20 =	vld [tilespmem:s5+$0x40C0]  }
0x2f: {  	s0 =	sand.u32 $0x3800, s25;
	v21 =	vld [tilespmem:s5+$0x40D0]  }
0x30: {  	s9 =	sand.u32 $0x300, s5;
	s25 =	simm.s32 $0x0;
	s31 =	sadd.s32 $0x13080, s0;
	v22 =	vld [tilespmem:s5+$0x40E0]  }
0x31: {  	v23 =	vld [tilespmem:s5+$0x40F0];
	s5 =	simm.s32 $0x6480;
	s0 =	sor.u32 s9, s31;
	s9 =	simm.s32 $0x0  }
.LBB2_4:
0x32: {  	v24 =	vld [tilespmem:s5+$0xFFFFFC00]  }
0x33: {  	v25 =	vld [tilespmem:s5+$0xFFFFFC10];
	_ =	sdelay $0x1  }
0x34: {  	v26 =	vld [tilespmem:s5+$0xFFFFFC20];
	_ =	sdelay $0x1  }
0x35: {  	v27 =	vld [tilespmem:s5+$0xFFFFFC30]  }
0x36: {  	v24 =	vmul.f32 v24, v16;
	v25 =	vmul.f32 v25, v17  }
0x37: {  	v28 =	vld [tilespmem:s5+$0xFFFFFC40]  }
0x38: {  	v38 =	vmul.f32 v26, v18;
	v24 =	vadd.f32 v25, v24  }
0x39: {  	v39 =	vld [tilespmem:s5+$0xFFFFFC50]  }
0x3a: {  	v40 =	vmul.f32 v27, v19;
	v24 =	vadd.f32 v38, v24  }
0x3b: {  	v41 =	vld [tilespmem:s5+$0xFFFFFC60]  }
0x3c: {  	v42 =	vmul.f32 v28, v20;
	v24 =	vadd.f32 v40, v24  }
0x3d: {  	v43 =	vld [tilespmem:s5+$0xFFFFFC70]  }
0x3e: {  	v44 =	vmul.f32 v39, v21;
	v24 =	vadd.f32 v42, v24;
	_ =	sdelay $0x1  }
0x3f: {  	v45 =	vmul.f32 v41, v22;
	v24 =	vadd.f32 v44, v24;
	_ =	sdelay $0x1  }
0x40: {  	v46 =	vmul.f32 v43, v23;
	v24 =	vadd.f32 v45, v24;
	_ =	sdelay $0x1  }
0x41: {  	v24 =	vadd.f32 v46, v24;
	_ =	sdelay $0x1  }
0x42: {  	[tilespmem:v0+s22+$0x0] =	vst.idx.msk $0xffff, v24  }
0x43: {  	v24 =	vld [tilespmem:s5+$0xFFFFFC80]  }
0x44: {  	v47 =	vld [tilespmem:s5+$0xFFFFFC90];
	_ =	sdelay $0x1  }
0x45: {  	v48 =	vld [tilespmem:s5+$0xFFFFFCA0];
	_ =	sdelay $0x1  }
0x46: {  	v49 =	vld [tilespmem:s5+$0xFFFFFCB0]  }
0x47: {  	v24 =	vmul.f32 v24, v16;
	v25 =	vmul.f32 v47, v17  }
0x48: {  	v50 =	vld [tilespmem:s5+$0xFFFFFCC0]  }
0x49: {  	v51 =	vmul.f32 v48, v18;
	v24 =	vadd.f32 v25, v24  }
0x4a: {  	v52 =	vld [tilespmem:s5+$0xFFFFFCD0]  }
0x4b: {  	v53 =	vmul.f32 v49, v19;
	v24 =	vadd.f32 v51, v24  }
0x4c: {  	v54 =	vld [tilespmem:s5+$0xFFFFFCE0]  }
0x4d: {  	v55 =	vmul.f32 v50, v20;
	v24 =	vadd.f32 v53, v24  }
0x4e: {  	v56 =	vld [tilespmem:s5+$0xFFFFFCF0]  }
0x4f: {  	v57 =	vmul.f32 v52, v21;
	v24 =	vadd.f32 v55, v24;
	_ =	sdelay $0x1  }
0x50: {  	v58 =	vmul.f32 v54, v22;
	v24 =	vadd.f32 v57, v24;
	_ =	sdelay $0x1  }
0x51: {  	v59 =	vmul.f32 v56, v23;
	v24 =	vadd.f32 v58, v24;
	_ =	sdelay $0x1  }
0x52: {  	v24 =	vadd.f32 v59, v24;
	_ =	sdelay $0x1  }
0x53: {  	[tilespmem:v1+s22+$0x0] =	vst.idx.msk $0xffff, v24  }
0x54: {  	v24 =	vld [tilespmem:s5+$0xFFFFFD00]  }
0x55: {  	v60 =	vld [tilespmem:s5+$0xFFFFFD10];
	_ =	sdelay $0x1  }
0x56: {  	v61 =	vld [tilespmem:s5+$0xFFFFFD20];
	_ =	sdelay $0x1  }
0x57: {  	v62 =	vld [tilespmem:s5+$0xFFFFFD30]  }
0x58: {  	v24 =	vmul.f32 v24, v16;
	v25 =	vmul.f32 v60, v17  }
0x59: {  	v63 =	vld [tilespmem:s5+$0xFFFFFD40]  }
0x5a: {  	v32 =	vmul.f32 v61, v18;
	v24 =	vadd.f32 v25, v24  }
0x5b: {  	v33 =	vld [tilespmem:s5+$0xFFFFFD50]  }
0x5c: {  	v34 =	vmul.f32 v62, v19;
	v24 =	vadd.f32 v32, v24  }
0x5d: {  	v35 =	vld [tilespmem:s5+$0xFFFFFD60]  }
0x5e: {  	v36 =	vmul.f32 v63, v20;
	v24 =	vadd.f32 v34, v24  }
0x5f: {  	v37 =	vld [tilespmem:s5+$0xFFFFFD70]  }
0x60: {  	v38 =	vmul.f32 v33, v21;
	v24 =	vadd.f32 v36, v24;
	_ =	sdelay $0x1  }
0x61: {  	v39 =	vmul.f32 v35, v22;
	v24 =	vadd.f32 v38, v24;
	_ =	sdelay $0x1  }
0x62: {  	v40 =	vmul.f32 v37, v23;
	v24 =	vadd.f32 v39, v24;
	_ =	sdelay $0x1  }
0x63: {  	v24 =	vadd.f32 v40, v24;
	_ =	sdelay $0x1  }
0x64: {  	[tilespmem:v2+s22+$0x0] =	vst.idx.msk $0xffff, v24  }
0x65: {  	v24 =	vld [tilespmem:s5+$0xFFFFFD80]  }
0x66: {  	v41 =	vld [tilespmem:s5+$0xFFFFFD90];
	_ =	sdelay $0x1  }
0x67: {  	v42 =	vld [tilespmem:s5+$0xFFFFFDA0];
	_ =	sdelay $0x1  }
0x68: {  	v43 =	vld [tilespmem:s5+$0xFFFFFDB0]  }
0x69: {  	v24 =	vmul.f32 v24, v16;
	v25 =	vmul.f32 v41, v17  }
0x6a: {  	v44 =	vld [tilespmem:s5+$0xFFFFFDC0]  }
0x6b: {  	v45 =	vmul.f32 v42, v18;
	v24 =	vadd.f32 v25, v24  }
0x6c: {  	v46 =	vld [tilespmem:s5+$0xFFFFFDD0]  }
0x6d: {  	v47 =	vmul.f32 v43, v19;
	v24 =	vadd.f32 v45, v24  }
0x6e: {  	v48 =	vld [tilespmem:s5+$0xFFFFFDE0]  }
0x6f: {  	v49 =	vmul.f32 v44, v20;
	v24 =	vadd.f32 v47, v24  }
0x70: {  	v50 =	vld [tilespmem:s5+$0xFFFFFDF0]  }
0x71: {  	v51 =	vmul.f32 v46, v21;
	v24 =	vadd.f32 v49, v24;
	_ =	sdelay $0x1  }
0x72: {  	v52 =	vmul.f32 v48, v22;
	v24 =	vadd.f32 v51, v24;
	_ =	sdelay $0x1  }
0x73: {  	v53 =	vmul.f32 v50, v23;
	v24 =	vadd.f32 v52, v24;
	_ =	sdelay $0x1  }
0x74: {  	v24 =	vadd.f32 v53, v24;
	_ =	sdelay $0x1  }
0x75: {  	[tilespmem:v3+s22+$0x0] =	vst.idx.msk $0xffff, v24  }
0x76: {  	v24 =	vld [tilespmem:s5+$0xFFFFFE00]  }
0x77: {  	v54 =	vld [tilespmem:s5+$0xFFFFFE10];
	_ =	sdelay $0x1  }
0x78: {  	v55 =	vld [tilespmem:s5+$0xFFFFFE20];
	_ =	sdelay $0x1  }
0x79: {  	v56 =	vld [tilespmem:s5+$0xFFFFFE30]  }
0x7a: {  	v24 =	vmul.f32 v24, v16;
	v25 =	vmul.f32 v54, v17  }
0x7b: {  	v57 =	vld [tilespmem:s5+$0xFFFFFE40]  }
0x7c: {  	v58 =	vmul.f32 v55, v18;
	v24 =	vadd.f32 v25, v24  }
0x7d: {  	v59 =	vld [tilespmem:s5+$0xFFFFFE50]  }
0x7e: {  	v60 =	vmul.f32 v56, v19;
	v24 =	vadd.f32 v58, v24  }
0x7f: {  	v61 =	vld [tilespmem:s5+$0xFFFFFE60]  }
0x80: {  	v62 =	vmul.f32 v57, v20;
	v24 =	vadd.f32 v60, v24  }
0x81: {  	v63 =	vld [tilespmem:s5+$0xFFFFFE70]  }
0x82: {  	v31 =	vmul.f32 v59, v21;
	v24 =	vadd.f32 v62, v24;
	_ =	sdelay $0x1  }
0x83: {  	v32 =	vmul.f32 v61, v22;
	v24 =	vadd.f32 v31, v24;
	_ =	sdelay $0x1  }
0x84: {  	v33 =	vmul.f32 v63, v23;
	v24 =	vadd.f32 v32, v24;
	_ =	sdelay $0x1  }
0x85: {  	v24 =	vadd.f32 v33, v24;
	_ =	sdelay $0x1  }
0x86: {  	[tilespmem:v4+s22+$0x0] =	vst.idx.msk $0xffff, v24  }
0x87: {  	v24 =	vld [tilespmem:s5+$0xFFFFFE80]  }
0x88: {  	v34 =	vld [tilespmem:s5+$0xFFFFFE90];
	_ =	sdelay $0x1  }
0x89: {  	v35 =	vld [tilespmem:s5+$0xFFFFFEA0];
	_ =	sdelay $0x1  }
0x8a: {  	v36 =	vld [tilespmem:s5+$0xFFFFFEB0]  }
0x8b: {  	v24 =	vmul.f32 v24, v16;
	v25 =	vmul.f32 v34, v17  }
0x8c: {  	v37 =	vld [tilespmem:s5+$0xFFFFFEC0]  }
0x8d: {  	v38 =	vmul.f32 v35, v18;
	v24 =	vadd.f32 v25, v24  }
0x8e: {  	v39 =	vld [tilespmem:s5+$0xFFFFFED0]  }
0x8f: {  	v40 =	vmul.f32 v36, v19;
	v24 =	vadd.f32 v38, v24  }
0x90: {  	v41 =	vld [tilespmem:s5+$0xFFFFFEE0]  }
0x91: {  	v42 =	vmul.f32 v37, v20;
	v24 =	vadd.f32 v40, v24  }
0x92: {  	v43 =	vld [tilespmem:s5+$0xFFFFFEF0]  }
0x93: {  	v44 =	vmul.f32 v39, v21;
	v24 =	vadd.f32 v42, v24;
	_ =	sdelay $0x1  }
0x94: {  	v45 =	vmul.f32 v41, v22;
	v24 =	vadd.f32 v44, v24;
	_ =	sdelay $0x1  }
0x95: {  	v46 =	vmul.f32 v43, v23;
	v24 =	vadd.f32 v45, v24;
	_ =	sdelay $0x1  }
0x96: {  	v24 =	vadd.f32 v46, v24;
	_ =	sdelay $0x1  }
0x97: {  	[tilespmem:v5+s22+$0x0] =	vst.idx.msk $0xffff, v24  }
0x98: {  	v24 =	vld [tilespmem:s5+$0xFFFFFF00]  }
0x99: {  	v47 =	vld [tilespmem:s5+$0xFFFFFF10];
	_ =	sdelay $0x1  }
0x9a: {  	v48 =	vld [tilespmem:s5+$0xFFFFFF20];
	_ =	sdelay $0x1  }
0x9b: {  	v49 =	vld [tilespmem:s5+$0xFFFFFF30]  }
0x9c: {  	v24 =	vmul.f32 v24, v16;
	v25 =	vmul.f32 v47, v17  }
0x9d: {  	v50 =	vld [tilespmem:s5+$0xFFFFFF40]  }
0x9e: {  	v51 =	vmul.f32 v48, v18;
	v24 =	vadd.f32 v25, v24  }
0x9f: {  	v52 =	vld [tilespmem:s5+$0xFFFFFF50]  }
0xa0: {  	v53 =	vmul.f32 v49, v19;
	v24 =	vadd.f32 v51, v24  }
0xa1: {  	v54 =	vld [tilespmem:s5+$0xFFFFFF60]  }
0xa2: {  	v55 =	vmul.f32 v50, v20;
	v24 =	vadd.f32 v53, v24  }
0xa3: {  	v56 =	vld [tilespmem:s5+$0xFFFFFF70]  }
0xa4: {  	v57 =	vmul.f32 v52, v21;
	v24 =	vadd.f32 v55, v24;
	_ =	sdelay $0x1  }
0xa5: {  	v58 =	vmul.f32 v54, v22;
	v24 =	vadd.f32 v57, v24;
	_ =	sdelay $0x1  }
0xa6: {  	v59 =	vmul.f32 v56, v23;
	v24 =	vadd.f32 v58, v24;
	_ =	sdelay $0x1  }
0xa7: {  	v24 =	vadd.f32 v59, v24;
	_ =	sdelay $0x1  }
0xa8: {  	[tilespmem:v6+s22+$0x0] =	vst.idx.msk $0xffff, v24  }
0xa9: {  	v24 =	vld [tilespmem:s5+$0xFFFFFF80]  }
0xaa: {  	v60 =	vld [tilespmem:s5+$0xFFFFFF90];
	_ =	sdelay $0x1  }
0xab: {  	v61 =	vld [tilespmem:s5+$0xFFFFFFA0];
	_ =	sdelay $0x1  }
0xac: {  	v62 =	vld [tilespmem:s5+$0xFFFFFFB0]  }
0xad: {  	v24 =	vmul.f32 v24, v16;
	v25 =	vmul.f32 v60, v17  }
0xae: {  	v63 =	vld [tilespmem:s5+$0xFFFFFFC0]  }
0xaf: {  	v32 =	vmul.f32 v61, v18;
	v24 =	vadd.f32 v25, v24  }
0xb0: {  	v33 =	vld [tilespmem:s5+$0xFFFFFFD0]  }
0xb1: {  	v34 =	vmul.f32 v62, v19;
	v24 =	vadd.f32 v32, v24  }
0xb2: {  	v35 =	vld [tilespmem:s5+$0xFFFFFFE0]  }
0xb3: {  	v36 =	vmul.f32 v63, v20;
	v24 =	vadd.f32 v34, v24  }
0xb4: {  	v37 =	vld [tilespmem:s5+$0xFFFFFFF0]  }
0xb5: {  	v38 =	vmul.f32 v33, v21;
	v24 =	vadd.f32 v36, v24;
	_ =	sdelay $0x1  }
0xb6: {  	v39 =	vmul.f32 v35, v22;
	v24 =	vadd.f32 v38, v24;
	_ =	sdelay $0x1  }
0xb7: {  	v40 =	vmul.f32 v37, v23;
	v24 =	vadd.f32 v39, v24;
	_ =	sdelay $0x1  }
0xb8: {  	v24 =	vadd.f32 v40, v24;
	_ =	sdelay $0x1  }
0xb9: {  	[tilespmem:v7+s22+$0x0] =	vst.idx.msk $0xffff, v24  }
0xba: {  	v24 =	vld [tilespmem:s5+$0x0]  }
0xbb: {  	v41 =	vld [tilespmem:s5+$0x10];
	_ =	sdelay $0x1  }
0xbc: {  	v42 =	vld [tilespmem:s5+$0x20];
	_ =	sdelay $0x1  }
0xbd: {  	v43 =	vld [tilespmem:s5+$0x30]  }
0xbe: {  	v24 =	vmul.f32 v24, v16;
	v25 =	vmul.f32 v41, v17  }
0xbf: {  	v44 =	vld [tilespmem:s5+$0x40]  }
0xc0: {  	v45 =	vmul.f32 v42, v18;
	v24 =	vadd.f32 v25, v24  }
0xc1: {  	v46 =	vld [tilespmem:s5+$0x50]  }
0xc2: {  	v47 =	vmul.f32 v43, v19;
	v24 =	vadd.f32 v45, v24  }
0xc3: {  	v48 =	vld [tilespmem:s5+$0x60]  }
0xc4: {  	v49 =	vmul.f32 v44, v20;
	v24 =	vadd.f32 v47, v24  }
0xc5: {  	v50 =	vld [tilespmem:s5+$0x70]  }
0xc6: {  	v51 =	vmul.f32 v46, v21;
	v24 =	vadd.f32 v49, v24;
	_ =	sdelay $0x1  }
0xc7: {  	v52 =	vmul.f32 v48, v22;
	v24 =	vadd.f32 v51, v24;
	_ =	sdelay $0x1  }
0xc8: {  	v53 =	vmul.f32 v50, v23;
	v24 =	vadd.f32 v52, v24;
	_ =	sdelay $0x1  }
0xc9: {  	v24 =	vadd.f32 v53, v24;
	_ =	sdelay $0x1  }
0xca: {  	[tilespmem:v8+s22+$0x0] =	vst.idx.msk $0xffff, v24  }
0xcb: {  	v24 =	vld [tilespmem:s5+$0x80]  }
0xcc: {  	v54 =	vld [tilespmem:s5+$0x90];
	_ =	sdelay $0x1  }
0xcd: {  	v55 =	vld [tilespmem:s5+$0xA0];
	_ =	sdelay $0x1  }
0xce: {  	v56 =	vld [tilespmem:s5+$0xB0]  }
0xcf: {  	v24 =	vmul.f32 v24, v16;
	v25 =	vmul.f32 v54, v17  }
0xd0: {  	v57 =	vld [tilespmem:s5+$0xC0]  }
0xd1: {  	v58 =	vmul.f32 v55, v18;
	v24 =	vadd.f32 v25, v24  }
0xd2: {  	v59 =	vld [tilespmem:s5+$0xD0]  }
0xd3: {  	v60 =	vmul.f32 v56, v19;
	v24 =	vadd.f32 v58, v24  }
0xd4: {  	v61 =	vld [tilespmem:s5+$0xE0]  }
0xd5: {  	v62 =	vmul.f32 v57, v20;
	v24 =	vadd.f32 v60, v24  }
0xd6: {  	v63 =	vld [tilespmem:s5+$0xF0]  }
0xd7: {  	v32 =	vmul.f32 v59, v21;
	v24 =	vadd.f32 v62, v24;
	_ =	sdelay $0x1  }
0xd8: {  	v33 =	vmul.f32 v61, v22;
	v24 =	vadd.f32 v32, v24;
	_ =	sdelay $0x1  }
0xd9: {  	v34 =	vmul.f32 v63, v23;
	v24 =	vadd.f32 v33, v24;
	_ =	sdelay $0x1  }
0xda: {  	v24 =	vadd.f32 v34, v24;
	_ =	sdelay $0x1  }
0xdb: {  	[tilespmem:v9+s22+$0x0] =	vst.idx.msk $0xffff, v24  }
0xdc: {  	v24 =	vld [tilespmem:s5+$0x100]  }
0xdd: {  	v35 =	vld [tilespmem:s5+$0x110];
	_ =	sdelay $0x1  }
0xde: {  	v36 =	vld [tilespmem:s5+$0x120];
	_ =	sdelay $0x1  }
0xdf: {  	v37 =	vld [tilespmem:s5+$0x130]  }
0xe0: {  	v24 =	vmul.f32 v24, v16;
	v25 =	vmul.f32 v35, v17  }
0xe1: {  	v38 =	vld [tilespmem:s5+$0x140]  }
0xe2: {  	v39 =	vmul.f32 v36, v18;
	v24 =	vadd.f32 v25, v24  }
0xe3: {  	v40 =	vld [tilespmem:s5+$0x150]  }
0xe4: {  	v41 =	vmul.f32 v37, v19;
	v24 =	vadd.f32 v39, v24  }
0xe5: {  	v42 =	vld [tilespmem:s5+$0x160]  }
0xe6: {  	v43 =	vmul.f32 v38, v20;
	v24 =	vadd.f32 v41, v24  }
0xe7: {  	v44 =	vld [tilespmem:s5+$0x170]  }
0xe8: {  	v45 =	vmul.f32 v40, v21;
	v24 =	vadd.f32 v43, v24;
	_ =	sdelay $0x1  }
0xe9: {  	v46 =	vmul.f32 v42, v22;
	v24 =	vadd.f32 v45, v24;
	_ =	sdelay $0x1  }
0xea: {  	v47 =	vmul.f32 v44, v23;
	v24 =	vadd.f32 v46, v24;
	_ =	sdelay $0x1  }
0xeb: {  	v24 =	vadd.f32 v47, v24;
	_ =	sdelay $0x1  }
0xec: {  	[tilespmem:v10+s22+$0x0] =	vst.idx.msk $0xffff, v24  }
0xed: {  	v24 =	vld [tilespmem:s5+$0x180]  }
0xee: {  	v48 =	vld [tilespmem:s5+$0x190];
	_ =	sdelay $0x1  }
0xef: {  	v49 =	vld [tilespmem:s5+$0x1A0];
	_ =	sdelay $0x1  }
0xf0: {  	v50 =	vld [tilespmem:s5+$0x1B0]  }
0xf1: {  	v24 =	vmul.f32 v24, v16;
	v25 =	vmul.f32 v48, v17  }
0xf2: {  	v51 =	vld [tilespmem:s5+$0x1C0]  }
0xf3: {  	v52 =	vmul.f32 v49, v18;
	v24 =	vadd.f32 v25, v24  }
0xf4: {  	v53 =	vld [tilespmem:s5+$0x1D0]  }
0xf5: {  	v54 =	vmul.f32 v50, v19;
	v24 =	vadd.f32 v52, v24  }
0xf6: {  	v55 =	vld [tilespmem:s5+$0x1E0]  }
0xf7: {  	v56 =	vmul.f32 v51, v20;
	v24 =	vadd.f32 v54, v24  }
0xf8: {  	v57 =	vld [tilespmem:s5+$0x1F0]  }
0xf9: {  	v58 =	vmul.f32 v53, v21;
	v24 =	vadd.f32 v56, v24;
	_ =	sdelay $0x1  }
0xfa: {  	v59 =	vmul.f32 v55, v22;
	v24 =	vadd.f32 v58, v24;
	_ =	sdelay $0x1  }
0xfb: {  	v60 =	vmul.f32 v57, v23;
	v24 =	vadd.f32 v59, v24;
	_ =	sdelay $0x1  }
0xfc: {  	v24 =	vadd.f32 v60, v24;
	_ =	sdelay $0x1  }
0xfd: {  	[tilespmem:v11+s22+$0x0] =	vst.idx.msk $0xffff, v24  }
0xfe: {  	v24 =	vld [tilespmem:s5+$0x200]  }
0xff: {  	v61 =	vld [tilespmem:s5+$0x210];
	_ =	sdelay $0x1  }
0x100: {  	v62 =	vld [tilespmem:s5+$0x220];
	_ =	sdelay $0x1  }
0x101: {  	v63 =	vld [tilespmem:s5+$0x230]  }
0x102: {  	v24 =	vmul.f32 v24, v16;
	v25 =	vmul.f32 v61, v17  }
0x103: {  	v32 =	vld [tilespmem:s5+$0x240]  }
0x104: {  	v33 =	vmul.f32 v62, v18;
	v24 =	vadd.f32 v25, v24  }
0x105: {  	v34 =	vld [tilespmem:s5+$0x250]  }
0x106: {  	v35 =	vmul.f32 v63, v19;
	v24 =	vadd.f32 v33, v24  }
0x107: {  	v36 =	vld [tilespmem:s5+$0x260]  }
0x108: {  	v37 =	vmul.f32 v32, v20;
	v24 =	vadd.f32 v35, v24  }
0x109: {  	v38 =	vld [tilespmem:s5+$0x270]  }
0x10a: {  	v39 =	vmul.f32 v34, v21;
	v24 =	vadd.f32 v37, v24;
	_ =	sdelay $0x1  }
0x10b: {  	v40 =	vmul.f32 v36, v22;
	v24 =	vadd.f32 v39, v24;
	_ =	sdelay $0x1  }
0x10c: {  	v41 =	vmul.f32 v38, v23;
	v24 =	vadd.f32 v40, v24;
	_ =	sdelay $0x1  }
0x10d: {  	v24 =	vadd.f32 v41, v24;
	_ =	sdelay $0x1  }
0x10e: {  	[tilespmem:v12+s22+$0x0] =	vst.idx.msk $0xffff, v24  }
0x10f: {  	v24 =	vld [tilespmem:s5+$0x280]  }
0x110: {  	v42 =	vld [tilespmem:s5+$0x290];
	_ =	sdelay $0x1  }
0x111: {  	v43 =	vld [tilespmem:s5+$0x2A0];
	_ =	sdelay $0x1  }
0x112: {  	v44 =	vld [tilespmem:s5+$0x2B0]  }
0x113: {  	v24 =	vmul.f32 v24, v16;
	v25 =	vmul.f32 v42, v17  }
0x114: {  	v45 =	vld [tilespmem:s5+$0x2C0]  }
0x115: {  	v46 =	vmul.f32 v43, v18;
	v24 =	vadd.f32 v25, v24  }
0x116: {  	v47 =	vld [tilespmem:s5+$0x2D0]  }
0x117: {  	v48 =	vmul.f32 v44, v19;
	v24 =	vadd.f32 v46, v24  }
0x118: {  	v49 =	vld [tilespmem:s5+$0x2E0]  }
0x119: {  	v50 =	vmul.f32 v45, v20;
	v24 =	vadd.f32 v48, v24  }
0x11a: {  	v51 =	vld [tilespmem:s5+$0x2F0]  }
0x11b: {  	v52 =	vmul.f32 v47, v21;
	v24 =	vadd.f32 v50, v24;
	_ =	sdelay $0x1  }
0x11c: {  	v53 =	vmul.f32 v49, v22;
	v24 =	vadd.f32 v52, v24;
	_ =	sdelay $0x1  }
0x11d: {  	v54 =	vmul.f32 v51, v23;
	v24 =	vadd.f32 v53, v24;
	_ =	sdelay $0x1  }
0x11e: {  	v24 =	vadd.f32 v54, v24;
	_ =	sdelay $0x1  }
0x11f: {  	[tilespmem:v13+s22+$0x0] =	vst.idx.msk $0xffff, v24  }
0x120: {  	v24 =	vld [tilespmem:s5+$0x300]  }
0x121: {  	v55 =	vld [tilespmem:s5+$0x310];
	_ =	sdelay $0x1  }
0x122: {  	v56 =	vld [tilespmem:s5+$0x320];
	_ =	sdelay $0x1  }
0x123: {  	v57 =	vld [tilespmem:s5+$0x330]  }
0x124: {  	v24 =	vmul.f32 v24, v16;
	v25 =	vmul.f32 v55, v17  }
0x125: {  	v58 =	vld [tilespmem:s5+$0x340]  }
0x126: {  	v59 =	vmul.f32 v56, v18;
	v24 =	vadd.f32 v25, v24  }
0x127: {  	v60 =	vld [tilespmem:s5+$0x350]  }
0x128: {  	v61 =	vmul.f32 v57, v19;
	v24 =	vadd.f32 v59, v24  }
0x129: {  	v62 =	vld [tilespmem:s5+$0x360]  }
0x12a: {  	v63 =	vmul.f32 v58, v20;
	v24 =	vadd.f32 v61, v24  }
0x12b: {  	v32 =	vld [tilespmem:s5+$0x370]  }
0x12c: {  	v33 =	vmul.f32 v60, v21;
	v24 =	vadd.f32 v63, v24;
	_ =	sdelay $0x1  }
0x12d: {  	v34 =	vmul.f32 v62, v22;
	v24 =	vadd.f32 v33, v24;
	_ =	sdelay $0x1  }
0x12e: {  	v35 =	vmul.f32 v32, v23;
	v24 =	vadd.f32 v34, v24;
	_ =	sdelay $0x1  }
0x12f: {  	v24 =	vadd.f32 v35, v24;
	_ =	sdelay $0x1  }
0x130: {  	[tilespmem:v14+s22+$0x0] =	vst.idx.msk $0xffff, v24  }
0x131: {  	v24 =	vld [tilespmem:s5+$0x380]  }
0x132: {  	v36 =	vld [tilespmem:s5+$0x390];
	_ =	sdelay $0x1  }
0x133: {  	v37 =	vld [tilespmem:s5+$0x3A0];
	_ =	sdelay $0x1  }
0x134: {  	v38 =	vld [tilespmem:s5+$0x3B0]  }
0x135: {  	v24 =	vmul.f32 v24, v16;
	v25 =	vmul.f32 v36, v17  }
0x136: {  	v39 =	vld [tilespmem:s5+$0x3C0]  }
0x137: {  	v40 =	vmul.f32 v37, v18;
	v24 =	vadd.f32 v25, v24  }
0x138: {  	v41 =	vld [tilespmem:s5+$0x3D0]  }
0x139: {  	v42 =	vmul.f32 v38, v19;
	v24 =	vadd.f32 v40, v24  }
0x13a: {  	v43 =	vld [tilespmem:s5+$0x3E0]  }
0x13b: {  	v44 =	vmul.f32 v39, v20;
	v24 =	vadd.f32 v42, v24  }
0x13c: {  	v45 =	vld [tilespmem:s5+$0x3F0]  }
0x13d: {  	v46 =	vmul.f32 v41, v21;
	v24 =	vadd.f32 v44, v24;
	_ =	sdelay $0x1  }
0x13e: {  	v47 =	vmul.f32 v43, v22;
	v24 =	vadd.f32 v46, v24;
	_ =	sdelay $0x1  }
0x13f: {  	v48 =	vmul.f32 v45, v23;
	v24 =	vadd.f32 v47, v24;
	_ =	sdelay $0x1  }
0x140: {  	v24 =	vadd.f32 v48, v24;
	_ =	sdelay $0x1  }
0x141: {  	[tilespmem:v15+s22+$0x0] =	vst.idx.msk $0xffff, v24  }
0x142: {  	v24 =	vld [tilespmem:$0x17080]  }
0x143: {  	v49 =	vld [tilespmem:$0x17090];
	_ =	sdelay $0x1  }
0x144: {  	v50 =	vld [tilespmem:$0x170A0];
	_ =	sdelay $0x1  }
0x145: {  	v51 =	vld [tilespmem:$0x170B0]  }
0x146: {  	v24 =	vadd.f32 v49, v24  }
0x147: {  	v52 =	vld [tilespmem:$0x170C0]  }
0x148: {  	v24 =	vadd.f32 v50, v24  }
0x149: {  	v53 =	vld [tilespmem:$0x170D0]  }
0x14a: {  	v24 =	vadd.f32 v51, v24  }
0x14b: {  	v54 =	vld [tilespmem:$0x170E0]  }
0x14c: {  	v24 =	vadd.f32 v52, v24  }
0x14d: {  	v55 =	vld [tilespmem:$0x170F0]  }
0x14e: {  	v24 =	vadd.f32 v53, v24  }
0x14f: {  	v56 =	vld [tilespmem:$0x17100]  }
0x150: {  	v24 =	vadd.f32 v54, v24  }
0x151: {  	v57 =	vld [tilespmem:$0x17110]  }
0x152: {  	v24 =	vadd.f32 v55, v24  }
0x153: {  	v58 =	vld [tilespmem:$0x17120]  }
0x154: {  	v24 =	vadd.f32 v56, v24  }
0x155: {  	v59 =	vld [tilespmem:$0x17130]  }
0x156: {  	v24 =	vadd.f32 v57, v24  }
0x157: {  	v60 =	vld [tilespmem:$0x17140]  }
0x158: {  	v24 =	vadd.f32 v58, v24  }
0x159: {  	v61 =	vld [tilespmem:$0x17150]  }
0x15a: {  	v24 =	vadd.f32 v59, v24  }
0x15b: {  	v62 =	vld [tilespmem:$0x17160]  }
0x15c: {  	v24 =	vadd.f32 v60, v24  }
0x15d: {  	v63 =	vld [tilespmem:$0x17170]  }
0x15e: {  	v24 =	vadd.f32 v61, v24  }
0x15f: {  	p0 =	sne.s32 s25, $0xC0  }
.Ltmp0:
0x160: {  	v24 =	vadd.f32 v62, v24;
	(pc) =	sbr.rel @p0 .LBB2_4-.Ltmp0, $4  }
0x161: {  	s1 =	sand.u32 $0x400, s9  }
0x162: {  	s2 =	sand.u32 $0x70, s25;
	s1 =	sadd.s32 s1, s0;
	v24 =	vadd.f32 v63, v24  }
0x163: {  	s1 =	sadd.s32 s2, s1  }
0x164: {  	s9 =	sadd.s32 $0x80, s9;
	s25 =	sadd.s32 $0x10, s25;
	s5 =	sadd.s32 $0x800, s5;
	[tilespmem:s1+$0x0] =	vst v24  }
0x165: {  	p0 =	seq.s32 s29, $0x1F  }
0x166: {  	_ =	swait.ge [sflag:s23], $0x6800;
	s0 =	sshll.u32 @!p0 s29, $0x9  }
0x167: {  	[sflag:s23] =	ssyncset.done $0x0;
	s2 =	simm.s32 @!p0 $0x68;
	s0 =	sand.u32 @!p0 $0x3FFFFE00, s0  }
0x168: {  	s5 =	simm.s32 @!p0 $0x6080;
	[sflag:s23] =	ssyncadd.s32 $0xFFFF9800;
	s1 =	sadd.s32 @!p0 $0x200, s0  }
0x169: {  	[tilespmem:s5], [sflag:$0x1] =	stream.indirect.gather @!p0 [hbm4b:s3+s2], $0x80, s1, s2, $0xb8;
	[tilespmem:$0x17180] =	vst v63  }
0x16a: {  	s25 =	sshll.u32 s30, $0x7;
	s0 =	sadd.s32 @!p0 $0x280, s0;
	s1 =	simm.s32 @!p0 $0x9480  }
0x16b: {  	[tilespmem:s1], [sflag:$0x1] =	stream.indirect.gather @!p0 [hbm4b:s3+s2], $0x80, s0, s2, $0xb8;
	[tilespmem:$0x17180] =	vst v63  }
0x16c: {  	v16 =	vld [tilespmem:s25+$0x4080]  }
0x16d: {  	v17 =	vld [tilespmem:s25+$0x4090]  }
0x16e: {  	v18 =	vld [tilespmem:s25+$0x40A0]  }
0x16f: {  	v19 =	vld [tilespmem:s25+$0x40B0]  }
0x170: {  	v20 =	vld [tilespmem:s25+$0x40C0]  }
0x171: {  	v21 =	vld [tilespmem:s25+$0x40D0]  }
0x172: {  	s9 =	simm.s32 $0xCC80;
	s30 =	sand.u32 $0x380, s25;
	v22 =	vld [tilespmem:s25+$0x40E0]  }
0x173: {  	s5 =	simm.s32 $0x0;
	s0 =	sadd.s32 s30, s31;
	v23 =	vld [tilespmem:s25+$0x40F0];
	s25 =	simm.s32 $0x0  }
.LBB2_6:
0x174: {  	v24 =	vld [tilespmem:s9+$0xFFFFFC00]  }
0x175: {  	v25 =	vld [tilespmem:s9+$0xFFFFFC10];
	_ =	sdelay $0x1  }
0x176: {  	v26 =	vld [tilespmem:s9+$0xFFFFFC20];
	_ =	sdelay $0x1  }
0x177: {  	v27 =	vld [tilespmem:s9+$0xFFFFFC30]  }
0x178: {  	v24 =	vmul.f32 v24, v16;
	v25 =	vmul.f32 v25, v17  }
0x179: {  	v28 =	vld [tilespmem:s9+$0xFFFFFC40]  }
0x17a: {  	v38 =	vmul.f32 v26, v18;
	v24 =	vadd.f32 v25, v24  }
0x17b: {  	v39 =	vld [tilespmem:s9+$0xFFFFFC50]  }
0x17c: {  	v40 =	vmul.f32 v27, v19;
	v24 =	vadd.f32 v38, v24  }
0x17d: {  	v41 =	vld [tilespmem:s9+$0xFFFFFC60]  }
0x17e: {  	v42 =	vmul.f32 v28, v20;
	v24 =	vadd.f32 v40, v24  }
0x17f: {  	v43 =	vld [tilespmem:s9+$0xFFFFFC70]  }
0x180: {  	v44 =	vmul.f32 v39, v21;
	v24 =	vadd.f32 v42, v24;
	_ =	sdelay $0x1  }
0x181: {  	v45 =	vmul.f32 v41, v22;
	v24 =	vadd.f32 v44, v24;
	_ =	sdelay $0x1  }
0x182: {  	v46 =	vmul.f32 v43, v23;
	v24 =	vadd.f32 v45, v24;
	_ =	sdelay $0x1  }
0x183: {  	v24 =	vadd.f32 v46, v24;
	_ =	sdelay $0x1  }
0x184: {  	[tilespmem:v0+s22+$0x0] =	vst.idx.msk $0xffff, v24  }
0x185: {  	v24 =	vld [tilespmem:s9+$0xFFFFFC80]  }
0x186: {  	v47 =	vld [tilespmem:s9+$0xFFFFFC90];
	_ =	sdelay $0x1  }
0x187: {  	v48 =	vld [tilespmem:s9+$0xFFFFFCA0];
	_ =	sdelay $0x1  }
0x188: {  	v49 =	vld [tilespmem:s9+$0xFFFFFCB0]  }
0x189: {  	v24 =	vmul.f32 v24, v16;
	v25 =	vmul.f32 v47, v17  }
0x18a: {  	v50 =	vld [tilespmem:s9+$0xFFFFFCC0]  }
0x18b: {  	v51 =	vmul.f32 v48, v18;
	v24 =	vadd.f32 v25, v24  }
0x18c: {  	v52 =	vld [tilespmem:s9+$0xFFFFFCD0]  }
0x18d: {  	v53 =	vmul.f32 v49, v19;
	v24 =	vadd.f32 v51, v24  }
0x18e: {  	v54 =	vld [tilespmem:s9+$0xFFFFFCE0]  }
0x18f: {  	v55 =	vmul.f32 v50, v20;
	v24 =	vadd.f32 v53, v24  }
0x190: {  	v56 =	vld [tilespmem:s9+$0xFFFFFCF0]  }
0x191: {  	v57 =	vmul.f32 v52, v21;
	v24 =	vadd.f32 v55, v24;
	_ =	sdelay $0x1  }
0x192: {  	v58 =	vmul.f32 v54, v22;
	v24 =	vadd.f32 v57, v24;
	_ =	sdelay $0x1  }
0x193: {  	v59 =	vmul.f32 v56, v23;
	v24 =	vadd.f32 v58, v24;
	_ =	sdelay $0x1  }
0x194: {  	v24 =	vadd.f32 v59, v24;
	_ =	sdelay $0x1  }
0x195: {  	[tilespmem:v1+s22+$0x0] =	vst.idx.msk $0xffff, v24  }
0x196: {  	v24 =	vld [tilespmem:s9+$0xFFFFFD00]  }
0x197: {  	v60 =	vld [tilespmem:s9+$0xFFFFFD10];
	_ =	sdelay $0x1  }
0x198: {  	v61 =	vld [tilespmem:s9+$0xFFFFFD20];
	_ =	sdelay $0x1  }
0x199: {  	v62 =	vld [tilespmem:s9+$0xFFFFFD30]  }
0x19a: {  	v24 =	vmul.f32 v24, v16;
	v25 =	vmul.f32 v60, v17  }
0x19b: {  	v63 =	vld [tilespmem:s9+$0xFFFFFD40]  }
0x19c: {  	v32 =	vmul.f32 v61, v18;
	v24 =	vadd.f32 v25, v24  }
0x19d: {  	v33 =	vld [tilespmem:s9+$0xFFFFFD50]  }
0x19e: {  	v34 =	vmul.f32 v62, v19;
	v24 =	vadd.f32 v32, v24  }
0x19f: {  	v35 =	vld [tilespmem:s9+$0xFFFFFD60]  }
0x1a0: {  	v36 =	vmul.f32 v63, v20;
	v24 =	vadd.f32 v34, v24  }
0x1a1: {  	v37 =	vld [tilespmem:s9+$0xFFFFFD70]  }
0x1a2: {  	v38 =	vmul.f32 v33, v21;
	v24 =	vadd.f32 v36, v24;
	_ =	sdelay $0x1  }
0x1a3: {  	v39 =	vmul.f32 v35, v22;
	v24 =	vadd.f32 v38, v24;
	_ =	sdelay $0x1  }
0x1a4: {  	v40 =	vmul.f32 v37, v23;
	v24 =	vadd.f32 v39, v24;
	_ =	sdelay $0x1  }
0x1a5: {  	v24 =	vadd.f32 v40, v24;
	_ =	sdelay $0x1  }
0x1a6: {  	[tilespmem:v2+s22+$0x0] =	vst.idx.msk $0xffff, v24  }
0x1a7: {  	v24 =	vld [tilespmem:s9+$0xFFFFFD80]  }
0x1a8: {  	v41 =	vld [tilespmem:s9+$0xFFFFFD90];
	_ =	sdelay $0x1  }
0x1a9: {  	v42 =	vld [tilespmem:s9+$0xFFFFFDA0];
	_ =	sdelay $0x1  }
0x1aa: {  	v43 =	vld [tilespmem:s9+$0xFFFFFDB0]  }
0x1ab: {  	v24 =	vmul.f32 v24, v16;
	v25 =	vmul.f32 v41, v17  }
0x1ac: {  	v44 =	vld [tilespmem:s9+$0xFFFFFDC0]  }
0x1ad: {  	v45 =	vmul.f32 v42, v18;
	v24 =	vadd.f32 v25, v24  }
0x1ae: {  	v46 =	vld [tilespmem:s9+$0xFFFFFDD0]  }
0x1af: {  	v47 =	vmul.f32 v43, v19;
	v24 =	vadd.f32 v45, v24  }
0x1b0: {  	v48 =	vld [tilespmem:s9+$0xFFFFFDE0]  }
0x1b1: {  	v49 =	vmul.f32 v44, v20;
	v24 =	vadd.f32 v47, v24  }
0x1b2: {  	v50 =	vld [tilespmem:s9+$0xFFFFFDF0]  }
0x1b3: {  	v51 =	vmul.f32 v46, v21;
	v24 =	vadd.f32 v49, v24;
	_ =	sdelay $0x1  }
0x1b4: {  	v52 =	vmul.f32 v48, v22;
	v24 =	vadd.f32 v51, v24;
	_ =	sdelay $0x1  }
0x1b5: {  	v53 =	vmul.f32 v50, v23;
	v24 =	vadd.f32 v52, v24;
	_ =	sdelay $0x1  }
0x1b6: {  	v24 =	vadd.f32 v53, v24;
	_ =	sdelay $0x1  }
0x1b7: {  	[tilespmem:v3+s22+$0x0] =	vst.idx.msk $0xffff, v24  }
0x1b8: {  	v24 =	vld [tilespmem:s9+$0xFFFFFE00]  }
0x1b9: {  	v54 =	vld [tilespmem:s9+$0xFFFFFE10];
	_ =	sdelay $0x1  }
0x1ba: {  	v55 =	vld [tilespmem:s9+$0xFFFFFE20];
	_ =	sdelay $0x1  }
0x1bb: {  	v56 =	vld [tilespmem:s9+$0xFFFFFE30]  }
0x1bc: {  	v24 =	vmul.f32 v24, v16;
	v25 =	vmul.f32 v54, v17  }
0x1bd: {  	v57 =	vld [tilespmem:s9+$0xFFFFFE40]  }
0x1be: {  	v58 =	vmul.f32 v55, v18;
	v24 =	vadd.f32 v25, v24  }
0x1bf: {  	v59 =	vld [tilespmem:s9+$0xFFFFFE50]  }
0x1c0: {  	v60 =	vmul.f32 v56, v19;
	v24 =	vadd.f32 v58, v24  }
0x1c1: {  	v61 =	vld [tilespmem:s9+$0xFFFFFE60]  }
0x1c2: {  	v62 =	vmul.f32 v57, v20;
	v24 =	vadd.f32 v60, v24  }
0x1c3: {  	v63 =	vld [tilespmem:s9+$0xFFFFFE70]  }
0x1c4: {  	v31 =	vmul.f32 v59, v21;
	v24 =	vadd.f32 v62, v24;
	_ =	sdelay $0x1  }
0x1c5: {  	v32 =	vmul.f32 v61, v22;
	v24 =	vadd.f32 v31, v24;
	_ =	sdelay $0x1  }
0x1c6: {  	v33 =	vmul.f32 v63, v23;
	v24 =	vadd.f32 v32, v24;
	_ =	sdelay $0x1  }
0x1c7: {  	v24 =	vadd.f32 v33, v24;
	_ =	sdelay $0x1  }
0x1c8: {  	[tilespmem:v4+s22+$0x0] =	vst.idx.msk $0xffff, v24  }
0x1c9: {  	v24 =	vld [tilespmem:s9+$0xFFFFFE80]  }
0x1ca: {  	v34 =	vld [tilespmem:s9+$0xFFFFFE90];
	_ =	sdelay $0x1  }
0x1cb: {  	v35 =	vld [tilespmem:s9+$0xFFFFFEA0];
	_ =	sdelay $0x1  }
0x1cc: {  	v36 =	vld [tilespmem:s9+$0xFFFFFEB0]  }
0x1cd: {  	v24 =	vmul.f32 v24, v16;
	v25 =	vmul.f32 v34, v17  }
0x1ce: {  	v37 =	vld [tilespmem:s9+$0xFFFFFEC0]  }
0x1cf: {  	v38 =	vmul.f32 v35, v18;
	v24 =	vadd.f32 v25, v24  }
0x1d0: {  	v39 =	vld [tilespmem:s9+$0xFFFFFED0]  }
0x1d1: {  	v40 =	vmul.f32 v36, v19;
	v24 =	vadd.f32 v38, v24  }
0x1d2: {  	v41 =	vld [tilespmem:s9+$0xFFFFFEE0]  }
0x1d3: {  	v42 =	vmul.f32 v37, v20;
	v24 =	vadd.f32 v40, v24  }
0x1d4: {  	v43 =	vld [tilespmem:s9+$0xFFFFFEF0]  }
0x1d5: {  	v44 =	vmul.f32 v39, v21;
	v24 =	vadd.f32 v42, v24;
	_ =	sdelay $0x1  }
0x1d6: {  	v45 =	vmul.f32 v41, v22;
	v24 =	vadd.f32 v44, v24;
	_ =	sdelay $0x1  }
0x1d7: {  	v46 =	vmul.f32 v43, v23;
	v24 =	vadd.f32 v45, v24;
	_ =	sdelay $0x1  }
0x1d8: {  	v24 =	vadd.f32 v46, v24;
	_ =	sdelay $0x1  }
0x1d9: {  	[tilespmem:v5+s22+$0x0] =	vst.idx.msk $0xffff, v24  }
0x1da: {  	v24 =	vld [tilespmem:s9+$0xFFFFFF00]  }
0x1db: {  	v47 =	vld [tilespmem:s9+$0xFFFFFF10];
	_ =	sdelay $0x1  }
0x1dc: {  	v48 =	vld [tilespmem:s9+$0xFFFFFF20];
	_ =	sdelay $0x1  }
0x1dd: {  	v49 =	vld [tilespmem:s9+$0xFFFFFF30]  }
0x1de: {  	v24 =	vmul.f32 v24, v16;
	v25 =	vmul.f32 v47, v17  }
0x1df: {  	v50 =	vld [tilespmem:s9+$0xFFFFFF40]  }
0x1e0: {  	v51 =	vmul.f32 v48, v18;
	v24 =	vadd.f32 v25, v24  }
0x1e1: {  	v52 =	vld [tilespmem:s9+$0xFFFFFF50]  }
0x1e2: {  	v53 =	vmul.f32 v49, v19;
	v24 =	vadd.f32 v51, v24  }
0x1e3: {  	v54 =	vld [tilespmem:s9+$0xFFFFFF60]  }
0x1e4: {  	v55 =	vmul.f32 v50, v20;
	v24 =	vadd.f32 v53, v24  }
0x1e5: {  	v56 =	vld [tilespmem:s9+$0xFFFFFF70]  }
0x1e6: {  	v57 =	vmul.f32 v52, v21;
	v24 =	vadd.f32 v55, v24;
	_ =	sdelay $0x1  }
0x1e7: {  	v58 =	vmul.f32 v54, v22;
	v24 =	vadd.f32 v57, v24;
	_ =	sdelay $0x1  }
0x1e8: {  	v59 =	vmul.f32 v56, v23;
	v24 =	vadd.f32 v58, v24;
	_ =	sdelay $0x1  }
0x1e9: {  	v24 =	vadd.f32 v59, v24;
	_ =	sdelay $0x1  }
0x1ea: {  	[tilespmem:v6+s22+$0x0] =	vst.idx.msk $0xffff, v24  }
0x1eb: {  	v24 =	vld [tilespmem:s9+$0xFFFFFF80]  }
0x1ec: {  	v60 =	vld [tilespmem:s9+$0xFFFFFF90];
	_ =	sdelay $0x1  }
0x1ed: {  	v61 =	vld [tilespmem:s9+$0xFFFFFFA0];
	_ =	sdelay $0x1  }
0x1ee: {  	v62 =	vld [tilespmem:s9+$0xFFFFFFB0]  }
0x1ef: {  	v24 =	vmul.f32 v24, v16;
	v25 =	vmul.f32 v60, v17  }
0x1f0: {  	v63 =	vld [tilespmem:s9+$0xFFFFFFC0]  }
0x1f1: {  	v32 =	vmul.f32 v61, v18;
	v24 =	vadd.f32 v25, v24  }
0x1f2: {  	v33 =	vld [tilespmem:s9+$0xFFFFFFD0]  }
0x1f3: {  	v34 =	vmul.f32 v62, v19;
	v24 =	vadd.f32 v32, v24  }
0x1f4: {  	v35 =	vld [tilespmem:s9+$0xFFFFFFE0]  }
0x1f5: {  	v36 =	vmul.f32 v63, v20;
	v24 =	vadd.f32 v34, v24  }
0x1f6: {  	v37 =	vld [tilespmem:s9+$0xFFFFFFF0]  }
0x1f7: {  	v38 =	vmul.f32 v33, v21;
	v24 =	vadd.f32 v36, v24;
	_ =	sdelay $0x1  }
0x1f8: {  	v39 =	vmul.f32 v35, v22;
	v24 =	vadd.f32 v38, v24;
	_ =	sdelay $0x1  }
0x1f9: {  	v40 =	vmul.f32 v37, v23;
	v24 =	vadd.f32 v39, v24;
	_ =	sdelay $0x1  }
0x1fa: {  	v24 =	vadd.f32 v40, v24;
	_ =	sdelay $0x1  }
0x1fb: {  	[tilespmem:v7+s22+$0x0] =	vst.idx.msk $0xffff, v24  }
0x1fc: {  	v24 =	vld [tilespmem:s9+$0x0]  }
0x1fd: {  	v41 =	vld [tilespmem:s9+$0x10];
	_ =	sdelay $0x1  }
0x1fe: {  	v42 =	vld [tilespmem:s9+$0x20];
	_ =	sdelay $0x1  }
0x1ff: {  	v43 =	vld [tilespmem:s9+$0x30]  }
0x200: {  	v24 =	vmul.f32 v24, v16;
	v25 =	vmul.f32 v41, v17  }
0x201: {  	v44 =	vld [tilespmem:s9+$0x40]  }
0x202: {  	v45 =	vmul.f32 v42, v18;
	v24 =	vadd.f32 v25, v24  }
0x203: {  	v46 =	vld [tilespmem:s9+$0x50]  }
0x204: {  	v47 =	vmul.f32 v43, v19;
	v24 =	vadd.f32 v45, v24  }
0x205: {  	v48 =	vld [tilespmem:s9+$0x60]  }
0x206: {  	v49 =	vmul.f32 v44, v20;
	v24 =	vadd.f32 v47, v24  }
0x207: {  	v50 =	vld [tilespmem:s9+$0x70]  }
0x208: {  	v51 =	vmul.f32 v46, v21;
	v24 =	vadd.f32 v49, v24;
	_ =	sdelay $0x1  }
0x209: {  	v52 =	vmul.f32 v48, v22;
	v24 =	vadd.f32 v51, v24;
	_ =	sdelay $0x1  }
0x20a: {  	v53 =	vmul.f32 v50, v23;
	v24 =	vadd.f32 v52, v24;
	_ =	sdelay $0x1  }
0x20b: {  	v24 =	vadd.f32 v53, v24;
	_ =	sdelay $0x1  }
0x20c: {  	[tilespmem:v8+s22+$0x0] =	vst.idx.msk $0xffff, v24  }
0x20d: {  	v24 =	vld [tilespmem:s9+$0x80]  }
0x20e: {  	v54 =	vld [tilespmem:s9+$0x90];
	_ =	sdelay $0x1  }
0x20f: {  	v55 =	vld [tilespmem:s9+$0xA0];
	_ =	sdelay $0x1  }
0x210: {  	v56 =	vld [tilespmem:s9+$0xB0]  }
0x211: {  	v24 =	vmul.f32 v24, v16;
	v25 =	vmul.f32 v54, v17  }
0x212: {  	v57 =	vld [tilespmem:s9+$0xC0]  }
0x213: {  	v58 =	vmul.f32 v55, v18;
	v24 =	vadd.f32 v25, v24  }
0x214: {  	v59 =	vld [tilespmem:s9+$0xD0]  }
0x215: {  	v60 =	vmul.f32 v56, v19;
	v24 =	vadd.f32 v58, v24  }
0x216: {  	v61 =	vld [tilespmem:s9+$0xE0]  }
0x217: {  	v62 =	vmul.f32 v57, v20;
	v24 =	vadd.f32 v60, v24  }
0x218: {  	v63 =	vld [tilespmem:s9+$0xF0]  }
0x219: {  	v32 =	vmul.f32 v59, v21;
	v24 =	vadd.f32 v62, v24;
	_ =	sdelay $0x1  }
0x21a: {  	v33 =	vmul.f32 v61, v22;
	v24 =	vadd.f32 v32, v24;
	_ =	sdelay $0x1  }
0x21b: {  	v34 =	vmul.f32 v63, v23;
	v24 =	vadd.f32 v33, v24;
	_ =	sdelay $0x1  }
0x21c: {  	v24 =	vadd.f32 v34, v24;
	_ =	sdelay $0x1  }
0x21d: {  	[tilespmem:v9+s22+$0x0] =	vst.idx.msk $0xffff, v24  }
0x21e: {  	v24 =	vld [tilespmem:s9+$0x100]  }
0x21f: {  	v35 =	vld [tilespmem:s9+$0x110];
	_ =	sdelay $0x1  }
0x220: {  	v36 =	vld [tilespmem:s9+$0x120];
	_ =	sdelay $0x1  }
0x221: {  	v37 =	vld [tilespmem:s9+$0x130]  }
0x222: {  	v24 =	vmul.f32 v24, v16;
	v25 =	vmul.f32 v35, v17  }
0x223: {  	v38 =	vld [tilespmem:s9+$0x140]  }
0x224: {  	v39 =	vmul.f32 v36, v18;
	v24 =	vadd.f32 v25, v24  }
0x225: {  	v40 =	vld [tilespmem:s9+$0x150]  }
0x226: {  	v41 =	vmul.f32 v37, v19;
	v24 =	vadd.f32 v39, v24  }
0x227: {  	v42 =	vld [tilespmem:s9+$0x160]  }
0x228: {  	v43 =	vmul.f32 v38, v20;
	v24 =	vadd.f32 v41, v24  }
0x229: {  	v44 =	vld [tilespmem:s9+$0x170]  }
0x22a: {  	v45 =	vmul.f32 v40, v21;
	v24 =	vadd.f32 v43, v24;
	_ =	sdelay $0x1  }
0x22b: {  	v46 =	vmul.f32 v42, v22;
	v24 =	vadd.f32 v45, v24;
	_ =	sdelay $0x1  }
0x22c: {  	v47 =	vmul.f32 v44, v23;
	v24 =	vadd.f32 v46, v24;
	_ =	sdelay $0x1  }
0x22d: {  	v24 =	vadd.f32 v47, v24;
	_ =	sdelay $0x1  }
0x22e: {  	[tilespmem:v10+s22+$0x0] =	vst.idx.msk $0xffff, v24  }
0x22f: {  	v24 =	vld [tilespmem:s9+$0x180]  }
0x230: {  	v48 =	vld [tilespmem:s9+$0x190];
	_ =	sdelay $0x1  }
0x231: {  	v49 =	vld [tilespmem:s9+$0x1A0];
	_ =	sdelay $0x1  }
0x232: {  	v50 =	vld [tilespmem:s9+$0x1B0]  }
0x233: {  	v24 =	vmul.f32 v24, v16;
	v25 =	vmul.f32 v48, v17  }
0x234: {  	v51 =	vld [tilespmem:s9+$0x1C0]  }
0x235: {  	v52 =	vmul.f32 v49, v18;
	v24 =	vadd.f32 v25, v24  }
0x236: {  	v53 =	vld [tilespmem:s9+$0x1D0]  }
0x237: {  	v54 =	vmul.f32 v50, v19;
	v24 =	vadd.f32 v52, v24  }
0x238: {  	v55 =	vld [tilespmem:s9+$0x1E0]  }
0x239: {  	v56 =	vmul.f32 v51, v20;
	v24 =	vadd.f32 v54, v24  }
0x23a: {  	v57 =	vld [tilespmem:s9+$0x1F0]  }
0x23b: {  	v58 =	vmul.f32 v53, v21;
	v24 =	vadd.f32 v56, v24;
	_ =	sdelay $0x1  }
0x23c: {  	v59 =	vmul.f32 v55, v22;
	v24 =	vadd.f32 v58, v24;
	_ =	sdelay $0x1  }
0x23d: {  	v60 =	vmul.f32 v57, v23;
	v24 =	vadd.f32 v59, v24;
	_ =	sdelay $0x1  }
0x23e: {  	v24 =	vadd.f32 v60, v24;
	_ =	sdelay $0x1  }
0x23f: {  	[tilespmem:v11+s22+$0x0] =	vst.idx.msk $0xffff, v24  }
0x240: {  	v24 =	vld [tilespmem:s9+$0x200]  }
0x241: {  	v61 =	vld [tilespmem:s9+$0x210];
	_ =	sdelay $0x1  }
0x242: {  	v62 =	vld [tilespmem:s9+$0x220];
	_ =	sdelay $0x1  }
0x243: {  	v63 =	vld [tilespmem:s9+$0x230]  }
0x244: {  	v24 =	vmul.f32 v24, v16;
	v25 =	vmul.f32 v61, v17  }
0x245: {  	v32 =	vld [tilespmem:s9+$0x240]  }
0x246: {  	v33 =	vmul.f32 v62, v18;
	v24 =	vadd.f32 v25, v24  }
0x247: {  	v34 =	vld [tilespmem:s9+$0x250]  }
0x248: {  	v35 =	vmul.f32 v63, v19;
	v24 =	vadd.f32 v33, v24  }
0x249: {  	v36 =	vld [tilespmem:s9+$0x260]  }
0x24a: {  	v37 =	vmul.f32 v32, v20;
	v24 =	vadd.f32 v35, v24  }
0x24b: {  	v38 =	vld [tilespmem:s9+$0x270]  }
0x24c: {  	v39 =	vmul.f32 v34, v21;
	v24 =	vadd.f32 v37, v24;
	_ =	sdelay $0x1  }
0x24d: {  	v40 =	vmul.f32 v36, v22;
	v24 =	vadd.f32 v39, v24;
	_ =	sdelay $0x1  }
0x24e: {  	v41 =	vmul.f32 v38, v23;
	v24 =	vadd.f32 v40, v24;
	_ =	sdelay $0x1  }
0x24f: {  	v24 =	vadd.f32 v41, v24;
	_ =	sdelay $0x1  }
0x250: {  	[tilespmem:v12+s22+$0x0] =	vst.idx.msk $0xffff, v24  }
0x251: {  	v24 =	vld [tilespmem:s9+$0x280]  }
0x252: {  	v42 =	vld [tilespmem:s9+$0x290];
	_ =	sdelay $0x1  }
0x253: {  	v43 =	vld [tilespmem:s9+$0x2A0];
	_ =	sdelay $0x1  }
0x254: {  	v44 =	vld [tilespmem:s9+$0x2B0]  }
0x255: {  	v24 =	vmul.f32 v24, v16;
	v25 =	vmul.f32 v42, v17  }
0x256: {  	v45 =	vld [tilespmem:s9+$0x2C0]  }
0x257: {  	v46 =	vmul.f32 v43, v18;
	v24 =	vadd.f32 v25, v24  }
0x258: {  	v47 =	vld [tilespmem:s9+$0x2D0]  }
0x259: {  	v48 =	vmul.f32 v44, v19;
	v24 =	vadd.f32 v46, v24  }
0x25a: {  	v49 =	vld [tilespmem:s9+$0x2E0]  }
0x25b: {  	v50 =	vmul.f32 v45, v20;
	v24 =	vadd.f32 v48, v24  }
0x25c: {  	v51 =	vld [tilespmem:s9+$0x2F0]  }
0x25d: {  	v52 =	vmul.f32 v47, v21;
	v24 =	vadd.f32 v50, v24;
	_ =	sdelay $0x1  }
0x25e: {  	v53 =	vmul.f32 v49, v22;
	v24 =	vadd.f32 v52, v24;
	_ =	sdelay $0x1  }
0x25f: {  	v54 =	vmul.f32 v51, v23;
	v24 =	vadd.f32 v53, v24;
	_ =	sdelay $0x1  }
0x260: {  	v24 =	vadd.f32 v54, v24;
	_ =	sdelay $0x1  }
0x261: {  	[tilespmem:v13+s22+$0x0] =	vst.idx.msk $0xffff, v24  }
0x262: {  	v24 =	vld [tilespmem:s9+$0x300]  }
0x263: {  	v55 =	vld [tilespmem:s9+$0x310];
	_ =	sdelay $0x1  }
0x264: {  	v56 =	vld [tilespmem:s9+$0x320];
	_ =	sdelay $0x1  }
0x265: {  	v57 =	vld [tilespmem:s9+$0x330]  }
0x266: {  	v24 =	vmul.f32 v24, v16;
	v25 =	vmul.f32 v55, v17  }
0x267: {  	v58 =	vld [tilespmem:s9+$0x340]  }
0x268: {  	v59 =	vmul.f32 v56, v18;
	v24 =	vadd.f32 v25, v24  }
0x269: {  	v60 =	vld [tilespmem:s9+$0x350]  }
0x26a: {  	v61 =	vmul.f32 v57, v19;
	v24 =	vadd.f32 v59, v24  }
0x26b: {  	v62 =	vld [tilespmem:s9+$0x360]  }
0x26c: {  	v63 =	vmul.f32 v58, v20;
	v24 =	vadd.f32 v61, v24  }
0x26d: {  	v32 =	vld [tilespmem:s9+$0x370]  }
0x26e: {  	v33 =	vmul.f32 v60, v21;
	v24 =	vadd.f32 v63, v24;
	_ =	sdelay $0x1  }
0x26f: {  	v34 =	vmul.f32 v62, v22;
	v24 =	vadd.f32 v33, v24;
	_ =	sdelay $0x1  }
0x270: {  	v35 =	vmul.f32 v32, v23;
	v24 =	vadd.f32 v34, v24;
	_ =	sdelay $0x1  }
0x271: {  	v24 =	vadd.f32 v35, v24;
	_ =	sdelay $0x1  }
0x272: {  	[tilespmem:v14+s22+$0x0] =	vst.idx.msk $0xffff, v24  }
0x273: {  	v24 =	vld [tilespmem:s9+$0x380]  }
0x274: {  	v36 =	vld [tilespmem:s9+$0x390];
	_ =	sdelay $0x1  }
0x275: {  	v37 =	vld [tilespmem:s9+$0x3A0];
	_ =	sdelay $0x1  }
0x276: {  	v38 =	vld [tilespmem:s9+$0x3B0]  }
0x277: {  	v24 =	vmul.f32 v24, v16;
	v25 =	vmul.f32 v36, v17  }
0x278: {  	v39 =	vld [tilespmem:s9+$0x3C0]  }
0x279: {  	v40 =	vmul.f32 v37, v18;
	v24 =	vadd.f32 v25, v24  }
0x27a: {  	v41 =	vld [tilespmem:s9+$0x3D0]  }
0x27b: {  	v42 =	vmul.f32 v38, v19;
	v24 =	vadd.f32 v40, v24  }
0x27c: {  	v43 =	vld [tilespmem:s9+$0x3E0]  }
0x27d: {  	v44 =	vmul.f32 v39, v20;
	v24 =	vadd.f32 v42, v24  }
0x27e: {  	v45 =	vld [tilespmem:s9+$0x3F0]  }
0x27f: {  	v46 =	vmul.f32 v41, v21;
	v24 =	vadd.f32 v44, v24;
	_ =	sdelay $0x1  }
0x280: {  	v47 =	vmul.f32 v43, v22;
	v24 =	vadd.f32 v46, v24;
	_ =	sdelay $0x1  }
0x281: {  	v48 =	vmul.f32 v45, v23;
	v24 =	vadd.f32 v47, v24;
	_ =	sdelay $0x1  }
0x282: {  	v24 =	vadd.f32 v48, v24;
	_ =	sdelay $0x1  }
0x283: {  	[tilespmem:v15+s22+$0x0] =	vst.idx.msk $0xffff, v24  }
0x284: {  	v24 =	vld [tilespmem:$0x17080]  }
0x285: {  	v49 =	vld [tilespmem:$0x17090];
	_ =	sdelay $0x1  }
0x286: {  	v50 =	vld [tilespmem:$0x170A0];
	_ =	sdelay $0x1  }
0x287: {  	v51 =	vld [tilespmem:$0x170B0]  }
0x288: {  	v24 =	vadd.f32 v49, v24  }
0x289: {  	v52 =	vld [tilespmem:$0x170C0]  }
0x28a: {  	v24 =	vadd.f32 v50, v24  }
0x28b: {  	v53 =	vld [tilespmem:$0x170D0]  }
0x28c: {  	v24 =	vadd.f32 v51, v24  }
0x28d: {  	v54 =	vld [tilespmem:$0x170E0]  }
0x28e: {  	v24 =	vadd.f32 v52, v24  }
0x28f: {  	v55 =	vld [tilespmem:$0x170F0]  }
0x290: {  	v24 =	vadd.f32 v53, v24  }
0x291: {  	v56 =	vld [tilespmem:$0x17100]  }
0x292: {  	v24 =	vadd.f32 v54, v24  }
0x293: {  	v57 =	vld [tilespmem:$0x17110]  }
0x294: {  	v24 =	vadd.f32 v55, v24  }
0x295: {  	v58 =	vld [tilespmem:$0x17120]  }
0x296: {  	v24 =	vadd.f32 v56, v24  }
0x297: {  	v59 =	vld [tilespmem:$0x17130]  }
0x298: {  	v24 =	vadd.f32 v57, v24  }
0x299: {  	v60 =	vld [tilespmem:$0x17140]  }
0x29a: {  	v24 =	vadd.f32 v58, v24  }
0x29b: {  	v61 =	vld [tilespmem:$0x17150]  }
0x29c: {  	v24 =	vadd.f32 v59, v24  }
0x29d: {  	v62 =	vld [tilespmem:$0x17160]  }
0x29e: {  	v24 =	vadd.f32 v60, v24  }
0x29f: {  	v63 =	vld [tilespmem:$0x17170]  }
0x2a0: {  	v24 =	vadd.f32 v61, v24  }
0x2a1: {  	p0 =	sne.s32 s25, $0xC0  }
.Ltmp1:
0x2a2: {  	v24 =	vadd.f32 v62, v24;
	(pc) =	sbr.rel @p0 .LBB2_6-.Ltmp1, $4  }
0x2a3: {  	s1 =	sand.u32 $0x400, s5  }
0x2a4: {  	s2 =	sand.u32 $0x70, s25;
	s1 =	sadd.s32 s1, s0;
	v24 =	vadd.f32 v63, v24  }
0x2a5: {  	s1 =	sadd.s32 s2, s1  }
0x2a6: {  	s5 =	sadd.s32 $0x80, s5;
	s25 =	sadd.s32 $0x10, s25;
	s9 =	sadd.s32 $0x800, s9;
	[tilespmem:s1+$0x0] =	vst v24  }
0x2a7: {  	s29 =	sadd.s32 $0x1, s29  }
0x2a8: {  	p0 =	sne.s32 s29, $0x20  }
.Ltmp2:
0x2a9: {  	_ = 	snop;
	(pc) =	sbr.rel @p0 .LBB2_3-.Ltmp2, $1  }
0x2aa: {  	_ =	sdelay $0x3  }
0x2ab: {  	s26 =	sadd.s32 $0x1, s26  }
0x2ac: {  	p0 =	sne.s32 s26, $0x8  }
.Ltmp3:
0x2ad: {  	s0 =	sadd.s32 s7, s28;
	(pc) =	sbr.rel @p0 .LBB2_2-.Ltmp3, $4  }
0x2ae: {  	[hbm4b:s0+s4] =	stream.linear.scatter [tilespmem:s24], [sflag:$0x4], $0x4000, $0x38;
	[tilespmem:$0x17180] =	vst v63  }
0x2af: {  	_ =	swait.ge [sflag:s10], $0x4000  }
0x2b0: {  	[sflag:s10] =	ssyncset.done $0x0  }
0x2b1: {  	[sflag:s10] =	ssyncadd.s32 $0xFFFFC000  }
0x2b2: {  	s1 =	rddreg [dreg:$0x6]  }
0x2b3: {  	s0 =	rddreg [dreg:$0x5];
	s1 =	sadd.s32 $0x1, s1  }
0x2b4: {  	p0 =	sne.s32 s1, s0  }
.Ltmp4:
0x2b5: {  	_ = 	snop;
	(pc) =	sbr.rel @p0 .LBB2_1-.Ltmp4, $1  }
0x2b6: {  	_ =	sdelay $0x3  }
0x2b7: {  	_ =	sfence.sel $0x180000  }
0x2b8: {  	[bflag:$0x0] =	sbarrier.arrive $0xFFFF  }
0x2b9: {  	_ =	strace $0x90000047  }
0x2ba: {  	s0 =	stileid.u32;
	[bflag:$0x2] =	sbarrier.arrive $0xFFFF  }
0x2bb: {  	p0 =	sne.s32 s0, $0x0;
	s0 =	rddreg [dreg:$0x4]  }
0x2bc: {  	s0 =	sadd.s32 @!p0 $0x100000, s0  }
0x2bd: {  	[sflag:s0] =	ssyncadd.tile.s32 @!p0 $0x1;
	_ =	shalt  }
.Lfunc_end2:
_tile_overlayer_lowered:
.L_overlay_start_2:
0x2be: {  	(tag) =	ssettag $0x2  }
0x2bf: {  	s0 =	rddreg [dreg:$0x0];
	s2 =	stileid.u32  }
0x2c0: {  	s1 =	rddreg [dreg:$0x1];
	p0 =	sne.s32 s2, $0x0  }
0x2c1: {  	s3 =	rddreg [dreg:$0x2];
	[bflag:$0x3] =	sbarrier.arrive $0xFFFF;
	s2 =	simm.s32 @!p0 $0x1C04  }
0x2c2: {  	[timem:s3], [sflag:s2] =	dma.local @!p0 [hbm:s0], s1  }
0x2c3: {  	s0 =	simm.s32 @!p0 $0x4  }
0x2c4: {  	_ =	swait.ge @!p0 [sflag:s0], s1  }
0x2c5: {  	s1 =	ssub.s32 @!p0 $0x0, s1;
	[sflag:s0] =	ssyncset.done @!p0 $0x0  }
0x2c6: {  	[sflag:s0] =	ssyncadd.s32 @!p0 s1  }
0x2c7: {  	[bflag:$0x3] =	sbarrier.arrive $0xFFFF  }
0x2c8: {  	_ =	shalt  }

</sc_bundles>
